<compile_context>
chip_gen: v7x
topology: tpu7x:2x2x1
jax: 0.10.2.dev20260603
libtpu: 0.0.44.dev20260713+nightly
codegen_flags: <defaults>
</compile_context>

<pallas_src>
import functools

import jax
import jax.numpy as jnp
from jax import lax
from jax.experimental import pallas as pl
from jax.experimental.pallas import tpu as pltpu
from jax.experimental.pallas import tpu_sc as plsc

N_NODES = 10000
N_EDGES = 160000
D_FEAT = 256
HIDDEN = 256
N_CLASSES = 40
N_ROOTS = 1024

NC = 2
NS = 16
HALF = 128

ECH1 = 80
EROWS1 = N_EDGES // ECH1
ERT1 = EROWS1 // NS
SUP1 = 25
NSUP1 = ERT1 // SUP1
ECH = 128
EROWS = N_EDGES // ECH
CW = 8
CH = 80
NZC = N_NODES // CH
RPT = N_ROOTS // NS

_mesh = plsc.VectorSubcoreMesh(
    core_axis_name="c", subcore_axis_name="s", num_cores=NC, num_subcores=NS
)
_sc_params = pltpu.CompilerParams(use_tc_tiling_on_sc=False)


def _zero_vmem_2d(ref, rows, cols):
    zv = jnp.zeros((16,), jnp.float32)

    def body(r, _):
        for q in range(cols // 16):
            ref[r, pl.ds(q * 16, 16)] = zv
        return 0

    lax.fori_loop(0, rows, body, 0)


def _edge_phase(x2, src2d, dst2d, acc, cnta, gidxv, dstv, rowsa, rowsb, onesv,
                sema, semb, c, s, count):

    def start(r, buf, sem):
        pltpu.async_copy(x2.at[gidxv.at[r]], buf, sem)

    def wait(buf, sem):
        pltpu.make_async_copy(x2.at[gidxv.at[0]], buf, sem).wait()

    def scat(buf, r):
        pltpu.sync_copy(buf, acc.at[dstv.at[r]], add=True)
        if count:
            @pl.when(c == 0)
            def _():
                pltpu.sync_copy(onesv, cnta.at[dstv.at[r]], add=True)

    def sup(k, _):
        base = ERT1 * s + k * SUP1
        pltpu.sync_copy(src2d.at[pl.ds(base, SUP1)], gidxv)
        pltpu.sync_copy(dst2d.at[pl.ds(base, SUP1)], dstv)

        def gb(r, _):
            for q in range(ECH1 // 16):
                v = gidxv[r, pl.ds(q * 16, 16)]
                gidxv[r, pl.ds(q * 16, 16)] = v * 2 + c
            return 0

        lax.fori_loop(0, SUP1, gb, 0)
        start(0, rowsa, sema)

        def body(r2, _):
            r = r2 * 2
            wait(rowsa, sema)
            start(r + 1, rowsb, semb)
            scat(rowsa, r)
            wait(rowsb, semb)

            @pl.when(r2 < SUP1 // 2 - 1)
            def _():
                start(r + 2, rowsa, sema)

            scat(rowsb, r + 1)
            return 0

        lax.fori_loop(0, SUP1 // 2, body, 0)
        start(SUP1 - 1, rowsa, sema)
        wait(rowsa, sema)
        scat(rowsa, SUP1 - 1)
        return 0

    lax.fori_loop(0, NSUP1, sup, 0)


def _foreach_row_chunk(s, fn):

    def body(i, _):
        j = s + i * NS

        @pl.when(j < NZC)
        def _():
            fn(j * CH)

        return 0

    lax.fori_loop(0, (NZC + NS - 1) // NS, body, 0)


def _init_phase(acc, cnta, rowsa, cstagev, onesv, c, s):
    _zero_vmem_2d(rowsa, CH, HALF)
    _zero_vmem_2d(cstagev, CH, 16)

    def zc(r0):
        pltpu.sync_copy(rowsa.at[pl.ds(0, CH)], acc.at[pl.ds(r0, CH)])

        @pl.when(c == 0)
        def _():
            pltpu.sync_copy(cstagev, cnta.at[pl.ds(r0, CH)])

    _foreach_row_chunk(s, zc)
    one0 = jnp.where(lax.iota(jnp.int32, 16) == 0, 1.0, 0.0)

    def ob(r, _):
        onesv[r, pl.ds(0, 16)] = one0
        return 0

    lax.fori_loop(0, ECH1, ob, 0)


@functools.partial(
    pl.kernel,
    out_type=(
        jax.ShapeDtypeStruct((NC, N_NODES, HALF), jnp.float32),
        jax.ShapeDtypeStruct((N_NODES, 16), jnp.float32),
    ),
    mesh=_mesh,
    scratch_types=[
        pltpu.VMEM_SHARED((N_NODES, HALF), jnp.float32),
        pltpu.VMEM_SHARED((N_NODES, 16), jnp.float32),
        pltpu.VMEM((SUP1, ECH1), jnp.int32),
        pltpu.VMEM((SUP1, ECH1), jnp.int32),
        pltpu.VMEM((ECH1, HALF), jnp.float32),
        pltpu.VMEM((ECH1, HALF), jnp.float32),
        pltpu.VMEM((ECH1, 16), jnp.float32),
        pltpu.VMEM((CH, 16), jnp.float32),
        pltpu.SemaphoreType.DMA,
        pltpu.SemaphoreType.DMA,
    ],
    compiler_params=_sc_params,
)
def _sc_segsum1(x2, src2d, dst2d, s1_out, cnt_out,
                acc, cnta, gidxv, dstv, rowsa, rowsb, onesv, cstagev,
                sema, semb):
    c = lax.axis_index("c")
    s = lax.axis_index("s")
    _init_phase(acc, cnta, rowsa, cstagev, onesv, c, s)
    plsc.subcore_barrier()
    _edge_phase(x2, src2d, dst2d, acc, cnta, gidxv, dstv, rowsa, rowsb, onesv,
                sema, semb, c, s, count=True)
    plsc.subcore_barrier()

    def wb(r0):
        pltpu.sync_copy(acc.at[pl.ds(r0, CH)], rowsa.at[pl.ds(0, CH)])
        pltpu.sync_copy(rowsa.at[pl.ds(0, CH)], s1_out.at[c, pl.ds(r0, CH)])

        @pl.when(c == 0)
        def _():
            pltpu.sync_copy(cnta.at[pl.ds(r0, CH)], cstagev)
            pltpu.sync_copy(cstagev, cnt_out.at[pl.ds(r0, CH)])

    _foreach_row_chunk(s, wb)


ZW = 64
ER2 = EROWS // NC
ERT2 = ER2 // NS
WPT = N_ROOTS // (NC * NS)


@functools.partial(
    pl.kernel,
    out_type=(
        jax.ShapeDtypeStruct((NC, N_ROOTS, ZW), jnp.float32),
        jax.ShapeDtypeStruct((NC, N_ROOTS, 16), jnp.float32),
        jax.ShapeDtypeStruct((N_ROOTS, ZW), jnp.float32),
    ),
    mesh=_mesh,
    scratch_types=[
        pltpu.VMEM_SHARED((N_NODES, ZW), jnp.float32),
        pltpu.VMEM_SHARED((N_NODES, 16), jnp.float32),
        pltpu.VMEM((ERT2 + 1, ECH), jnp.int32),
        pltpu.VMEM((ERT2 + 1, ECH), jnp.int32),
        pltpu.VMEM((ECH, ZW), jnp.float32),
        pltpu.VMEM((ECH, ZW), jnp.float32),
        pltpu.VMEM((ECH, 16), jnp.float32),
        pltpu.VMEM((CH, 16), jnp.float32),
        pltpu.VMEM((RPT,), jnp.int32),
        pltpu.VMEM((RPT, ZW), jnp.float32),
        pltpu.VMEM((RPT, 16), jnp.float32),
        pltpu.VMEM((WPT,), jnp.int32),
        pltpu.VMEM((WPT, ZW), jnp.float32),
        pltpu.SemaphoreType.DMA,
        pltpu.SemaphoreType.DMA,
    ],
    compiler_params=_sc_params,
)
def _sc_segsum2(zw2, src2d, dst2d, roots, s0r_out, cntr_out, wr_out,
                acc, cnta, gidxv, dstv, rowsa, rowsb, onesv, cstagev,
                rootv, rrowsv, rcntv, wrootv, wrowsv, sema, semb):
    c = lax.axis_index("c")
    s = lax.axis_index("s")

    _zero_vmem_2d(rowsa, CH, ZW)
    _zero_vmem_2d(cstagev, CH, 16)

    def zc(r0):
        pltpu.sync_copy(rowsa.at[pl.ds(0, CH)], acc.at[pl.ds(r0, CH)])
        pltpu.sync_copy(cstagev, cnta.at[pl.ds(r0, CH)])

    _foreach_row_chunk(s, zc)
    one0 = jnp.where(lax.iota(jnp.int32, 16) == 0, 1.0, 0.0)

    def ob(r, _):
        onesv[r, pl.ds(0, 16)] = one0
        return 0

    lax.fori_loop(0, ECH, ob, 0)
    plsc.subcore_barrier()

    base = ER2 * c + ERT2 * s + jnp.minimum(s, 1)
    extra = s < 1
    pltpu.sync_copy(src2d.at[pl.ds(base, ERT2)], gidxv.at[pl.ds(0, ERT2)])
    pltpu.sync_copy(dst2d.at[pl.ds(base, ERT2)], dstv.at[pl.ds(0, ERT2)])

    @pl.when(extra)
    def _():
        pltpu.sync_copy(src2d.at[pl.ds(base + ERT2, 1)],
                        gidxv.at[pl.ds(ERT2, 1)])
        pltpu.sync_copy(dst2d.at[pl.ds(base + ERT2, 1)],
                        dstv.at[pl.ds(ERT2, 1)])

    nrows = jnp.where(extra, ERT2 + 1, ERT2)

    def gb(r, _):
        for q in range(ECH // 16):
            v = gidxv[r, pl.ds(q * 16, 16)]
            gidxv[r, pl.ds(q * 16, 16)] = v * 2
        return 0

    lax.fori_loop(0, nrows, gb, 0)

    def start(r, buf, sem):
        pltpu.async_copy(zw2.at[gidxv.at[r]], buf, sem)

    def wait(buf, sem):
        pltpu.make_async_copy(zw2.at[gidxv.at[0]], buf, sem).wait()

    def scat(buf, r):
        pltpu.sync_copy(buf, acc.at[dstv.at[r]], add=True)
        pltpu.sync_copy(onesv, cnta.at[dstv.at[r]], add=True)

    start(0, rowsa, sema)

    def body(r2, _):
        r = r2 * 2
        wait(rowsa, sema)
        start(r + 1, rowsb, semb)
        scat(rowsa, r)
        wait(rowsb, semb)

        @pl.when(r2 < ERT2 // 2 - 1)
        def _():
            start(r + 2, rowsa, sema)

        scat(rowsb, r + 1)
        return 0

    lax.fori_loop(0, ERT2 // 2, body, 0)
    start(ERT2 - 1, rowsa, sema)
    wait(rowsa, sema)

    @pl.when(extra)
    def _():
        start(ERT2, rowsb, semb)

    scat(rowsa, ERT2 - 1)

    @pl.when(extra)
    def _():
        wait(rowsb, semb)
        scat(rowsb, ERT2)

    plsc.subcore_barrier()

    rbase = s * RPT
    pltpu.sync_copy(roots.at[pl.ds(rbase, RPT)], rootv)
    pltpu.async_copy(acc.at[rootv], rrowsv, sema).wait()
    pltpu.sync_copy(rrowsv, s0r_out.at[c, pl.ds(rbase, RPT)])
    pltpu.async_copy(cnta.at[rootv], rcntv, sema).wait()
    pltpu.sync_copy(rcntv, cntr_out.at[c, pl.ds(rbase, RPT)])
    wbase = c * (N_ROOTS // NC) + s * WPT
    pltpu.sync_copy(roots.at[pl.ds(wbase, WPT)], wrootv)
    for q in range(WPT // 16):
        v = wrootv[pl.ds(q * 16, 16)]
        wrootv[pl.ds(q * 16, 16)] = v * 2 + 1
    pltpu.async_copy(zw2.at[wrootv], wrowsv, sema).wait()
    pltpu.sync_copy(wrowsv, wr_out.at[pl.ds(wbase, WPT)])


def _tc0_body(x_ref, w1_ref, b1_ref, xw_ref):
    xw_ref[...] = jnp.dot(
        x_ref[...], w1_ref[...], preferred_element_type=jnp.float32
    ) + b1_ref[...]


def _tc1_body(xw_ref, s1a_ref, s1b_ref, cnt_ref, w2a_ref, w2b_ref,
              b2_ref, w2z_ref, w1z_ref, zw_ref):
    cnt = cnt_ref[:, 0:1]
    inv = 1.0 / jnp.maximum(cnt, 1.0)
    nz = jnp.where(cnt > 0.0, 1.0, 0.0)
    acc = xw_ref[...]
    acc += jnp.dot(s1a_ref[...] * inv, w2a_ref[...],
                   preferred_element_type=jnp.float32)
    acc += jnp.dot(s1b_ref[...] * inv, w2b_ref[...],
                   preferred_element_type=jnp.float32)
    acc += nz * b2_ref[...]
    h = jnp.maximum(acc, 0.0)
    z = jnp.dot(h, w2z_ref[...], preferred_element_type=jnp.float32)
    w = jnp.dot(h, w1z_ref[...], preferred_element_type=jnp.float32)
    zw_ref[...] = jnp.concatenate([z, w], axis=1)


def _tc2_body(s0_ref, cnt_ref, wr_ref, b1_ref, b2_ref, o_ref):
    cnt2 = cnt_ref[...]
    cnt = cnt2[0, :, 0:1] + cnt2[1, :, 0:1]
    inv = 1.0 / jnp.maximum(cnt, 1.0)
    nz = jnp.where(cnt > 0.0, 1.0, 0.0)
    s0 = s0_ref[...]
    logits = (s0[0] + s0[1]) * inv + wr_ref[...] + b1_ref[...] + nz * b2_ref[...]
    col = lax.broadcasted_iota(jnp.int32, logits.shape, 1)
    valid = col < N_CLASSES
    ml = jnp.where(valid, logits, -1e30)
    m = jnp.max(ml, axis=1, keepdims=True)
    e = jnp.where(valid, jnp.exp(ml - m), 0.0)
    lse = jnp.log(jnp.sum(e, axis=1, keepdims=True))
    o_ref[...] = ml - m - lse


_BR1 = 128
_BR2 = 128


def _full(shape):
    return pl.BlockSpec(shape, lambda i: (0,) * len(shape))


def kernel(x, edge_index0, edge_index1, roots, type, W1a, b1a, W2a, b2a,
           W1b, b1b, W2b, b2b):
    del type
    src1 = edge_index1[0].astype(jnp.int32).reshape(EROWS1, ECH1)
    dst1 = edge_index1[1].astype(jnp.int32).reshape(EROWS1, ECH1)
    src0 = edge_index0[0].astype(jnp.int32).reshape(EROWS, ECH)
    dst0 = edge_index0[1].astype(jnp.int32).reshape(EROWS, ECH)
    roots_i = roots.astype(jnp.int32)
    x2 = x.reshape(2 * N_NODES, HALF)
    pad = ((0, 0), (0, ZW - N_CLASSES))
    W2b64 = jnp.pad(W2b, pad)
    W1b64 = jnp.pad(W1b, pad)
    b1b64 = jnp.pad(b1b, (0, ZW - N_CLASSES)).reshape(1, ZW)
    b2b64 = jnp.pad(b2b, (0, ZW - N_CLASSES)).reshape(1, ZW)

    s1_halves, cnt1 = _sc_segsum1(x2, src1, dst1)

    grid1 = (N_NODES + _BR1 - 1) // _BR1
    xw1 = pl.pallas_call(
        _tc0_body,
        grid=(grid1,),
        in_specs=[
            pl.BlockSpec((_BR1, D_FEAT), lambda i: (i, 0)),
            _full((D_FEAT, HIDDEN)),
            _full((1, HIDDEN)),
        ],
        out_specs=pl.BlockSpec((_BR1, HIDDEN), lambda i: (i, 0)),
        out_shape=jax.ShapeDtypeStruct((N_NODES, HIDDEN), jnp.float32),
    )(x, W1a, b1a.reshape(1, HIDDEN))

    zw = pl.pallas_call(
        _tc1_body,
        grid=(grid1,),
        in_specs=[
            pl.BlockSpec((_BR1, HIDDEN), lambda i: (i, 0)),
            pl.BlockSpec((_BR1, HALF), lambda i: (i, 0)),
            pl.BlockSpec((_BR1, HALF), lambda i: (i, 0)),
            pl.BlockSpec((_BR1, 16), lambda i: (i, 0)),
            _full((HALF, HIDDEN)),
            _full((HALF, HIDDEN)),
            _full((1, HIDDEN)),
            _full((HIDDEN, ZW)),
            _full((HIDDEN, ZW)),
        ],
        out_specs=pl.BlockSpec((_BR1, 2 * ZW), lambda i: (i, 0)),
        out_shape=jax.ShapeDtypeStruct((N_NODES, 2 * ZW), jnp.float32),
    )(xw1, s1_halves[0], s1_halves[1], cnt1, W2a[:HALF], W2a[HALF:],
      b2a.reshape(1, HIDDEN), W2b64, W1b64)

    zw2 = zw.reshape(2 * N_NODES, ZW)
    s0r, cnt0r, wr = _sc_segsum2(zw2, src0, dst0, roots_i)

    grid2 = N_ROOTS // _BR2
    out = pl.pallas_call(
        _tc2_body,
        grid=(grid2,),
        in_specs=[
            pl.BlockSpec((NC, _BR2, ZW), lambda i: (0, i, 0)),
            pl.BlockSpec((NC, _BR2, 16), lambda i: (0, i, 0)),
            pl.BlockSpec((_BR2, ZW), lambda i: (i, 0)),
            _full((1, ZW)),
            _full((1, ZW)),
        ],
        out_specs=pl.BlockSpec((_BR2, ZW), lambda i: (i, 0)),
        out_shape=jax.ShapeDtypeStruct((N_ROOTS, ZW), jnp.float32),
    )(s0r, cnt0r, wr, b1b64, b2b64)
    return out[:, :N_CLASSES]

# --- scband reference (transcript-rebuilt; emitter-appended) ---
"""Pipeline reference for scband-graph-sage-89928025244235 (READ-ONLY COPY).

The authoritative reference and input builder live on the scoring server;
editing this copy changes nothing except your own understanding.
"""

import jax, jax.numpy as jnp
import numpy as np

N_NODES = 10000
N_EDGES = 160000
D_FEAT = 256
HIDDEN = 256
N_CLASSES = 40
N_ROOTS = 1024


def setup_inputs(seed: int = 0) -> dict:
    key = jax.random.key(seed)
    ks = [jax.random.fold_in(key, i) for i in range(16)]
    x = jax.random.normal(ks[0], (N_NODES, D_FEAT), dtype=jnp.float32)
    edge_index0 = jax.random.randint(ks[1], (2, N_EDGES), 0, N_NODES, dtype=jnp.int64)
    edge_index1 = jax.random.randint(ks[2], (2, N_EDGES), 0, N_NODES, dtype=jnp.int64)
    roots = jax.random.randint(ks[3], (N_ROOTS,), 0, N_NODES, dtype=jnp.int64)
    # layer 1 params (self W1, neighbor-message W2)
    W1a = jax.random.normal(ks[4], (D_FEAT, HIDDEN), dtype=jnp.float32) * 0.05
    b1a = jnp.zeros((HIDDEN,), dtype=jnp.float32)
    W2a = jax.random.normal(ks[5], (D_FEAT, HIDDEN), dtype=jnp.float32) * 0.05
    b2a = jnp.zeros((HIDDEN,), dtype=jnp.float32)
    # layer 2 params
    W1b = jax.random.normal(ks[6], (HIDDEN, N_CLASSES), dtype=jnp.float32) * 0.05
    b1b = jnp.zeros((N_CLASSES,), dtype=jnp.float32)
    W2b = jax.random.normal(ks[7], (HIDDEN, N_CLASSES), dtype=jnp.float32) * 0.05
    b2b = jnp.zeros((N_CLASSES,), dtype=jnp.float32)
    return {"x": x, "edge_index0": edge_index0, "edge_index1": edge_index1,
            "roots": roots, "type": 1,
            "W1a": W1a, "b1a": b1a, "W2a": W2a, "b2a": b2a,
            "W1b": W1b, "b1b": b1b, "W2b": W2b, "b2b": b2b}


def _sage_conv(x, edge_index, W1, b1, W2, b2):
    # PyG MessagePassing(aggr='mean'): message = W2 @ x_j gathered at src,
    # mean-aggregated at dst, then update adds W1 @ x (self term).
    src = edge_index[0]
    dst = edge_index[1]
    msgs = x[src] @ W2 + b2
    n = x.shape[0]
    aggr = jax.ops.segment_sum(msgs, dst, num_segments=n)
    cnt = jax.ops.segment_sum(jnp.ones((dst.shape[0], 1), dtype=x.dtype), dst, num_segments=n)
    aggr = aggr / jnp.maximum(cnt, 1.0)
    return aggr + x @ W1 + b1


def reference(x, edge_index0, edge_index1, roots, type, W1a, b1a, W2a, b2a, W1b, b1b, W2b, b2b):
    # conv1 uses edge_indexs[1], conv2 uses edge_indexs[0]
    h = _sage_conv(x, edge_index1, W1a, b1a, W2a, b2a)
    h = jax.nn.relu(h)
    # type != 0 -> no dropout branch (and dropout is identity in eval mode)
    out = _sage_conv(h, edge_index0, W1b, b1b, W2b, b2b)
    return jax.nn.log_softmax(out[roots], axis=1)

if __name__ == "__main__":
    import jax
    _d = setup_inputs()
    print(jax.jit(kernel)(*tuple(_d.values())))

</pallas_src>

<mosaic_0001>
#map = affine_map<(d0, d1) -> (0, 0)>
#map1 = affine_map<(d0, d1) -> (0, 0, 0)>
module attributes {stable_mosaic.version = 14 : i64} {
  func.func @_sc_segsum1(%arg0: i32, %arg1: i32, %arg2: memref<20000x128xf32, #tpu.memory_space<hbm>>, %arg3: memref<2000x80xi32, #tpu.memory_space<hbm>>, %arg4: memref<2000x80xi32, #tpu.memory_space<hbm>>, %arg5: memref<2x10000x128xf32, #tpu.memory_space<hbm>>, %arg6: memref<10000x16xf32, #tpu.memory_space<hbm>>, %arg7: memref<10000x128xf32, #tpu.memory_space<vmem_shared>>, %arg8: memref<10000x16xf32, #tpu.memory_space<vmem_shared>>, %arg9: memref<25x80xi32, #tpu.memory_space<vmem>>, %arg10: memref<25x80xi32, #tpu.memory_space<vmem>>, %arg11: memref<80x128xf32, #tpu.memory_space<vmem>>, %arg12: memref<80x128xf32, #tpu.memory_space<vmem>>, %arg13: memref<80x16xf32, #tpu.memory_space<vmem>>, %arg14: memref<80x16xf32, #tpu.memory_space<vmem>>, %arg15: memref<!tpu.dma_semaphore, #tpu.memory_space<semaphore_mem>>, %arg16: memref<!tpu.dma_semaphore, #tpu.memory_space<semaphore_mem>>) attributes {dimension_semantics = [#tpu.dimension_semantics<core_parallel>, #tpu.dimension_semantics<subcore_parallel>], iteration_bounds = array<i64: 2, 16>, scalar_prefetch = 0 : i64, scratch_operands = 10 : i64, tpu.core_type = #tpu.core_type<sc_vector_subcore>, window_params = [{transform_indices = #map}, {transform_indices = #map}, {transform_indices = #map}, {transform_indices = #map1}, {transform_indices = #map}]} {
    %broadcast_in_dim3A = arith.constant 0.000000e+00 : f32
    %broadcast_in_dim3A_0 = vector.broadcast %broadcast_in_dim3A : f32 to vector<16xf32>
    %scan3A = arith.constant 0 : i32
    %scan3A_1 = arith.constant 0 : i32
    %scan3A_2 = arith.constant 80 : i32
    %scan3A_3 = arith.addi %scan3A_1, %scan3A_2 : i32
    %scan3A_4 = arith.constant 1 : i32
    %scan3A_5 = scf.for %scan3A_50 = %scan3A_1 to %scan3A_3 step %scan3A_4 iter_args(%scan3A_51 = %scan3A) -> (i32)  : i32 {
      %swap3A = arith.index_cast %scan3A_50 : i32 to index
      %swap3A_52 = arith.constant 0 : index
      %swap3A_53 = tpu.vector_load %arg11[%swap3A, %swap3A_52] {strides = array<i32>} : memref<80x128xf32, #tpu.memory_space<vmem>>, vector<1x16xf32>,
      %swap3A_54 = vector.shape_cast %swap3A_53 : vector<1x16xf32> to vector<16xf32>
      %swap3A_55 = vector.shape_cast %broadcast_in_dim3A_0 : vector<16xf32> to vector<1x16xf32>
      tpu.vector_store %arg11[%swap3A, %swap3A_52], %swap3A_55 {strides = array<i32>} : memref<80x128xf32, #tpu.memory_space<vmem>>, vector<1x16xf32>,
      %swap3A_56 = arith.index_cast %scan3A_50 : i32 to index
      %swap3A_57 = arith.constant 16 : index
      %swap3A_58 = tpu.vector_load %arg11[%swap3A_56, %swap3A_57] {strides = array<i32>} : memref<80x128xf32, #tpu.memory_space<vmem>>, vector<1x16xf32>,
      %swap3A_59 = vector.shape_cast %swap3A_58 : vector<1x16xf32> to vector<16xf32>
      %swap3A_60 = vector.shape_cast %broadcast_in_dim3A_0 : vector<16xf32> to vector<1x16xf32>
      tpu.vector_store %arg11[%swap3A_56, %swap3A_57], %swap3A_60 {strides = array<i32>} : memref<80x128xf32, #tpu.memory_space<vmem>>, vector<1x16xf32>,
      %swap3A_61 = arith.index_cast %scan3A_50 : i32 to index
      %swap3A_62 = arith.constant 32 : index
      %swap3A_63 = tpu.vector_load %arg11[%swap3A_61, %swap3A_62] {strides = array<i32>} : memref<80x128xf32, #tpu.memory_space<vmem>>, vector<1x16xf32>,
      %swap3A_64 = vector.shape_cast %swap3A_63 : vector<1x16xf32> to vector<16xf32>
      %swap3A_65 = vector.shape_cast %broadcast_in_dim3A_0 : vector<16xf32> to vector<1x16xf32>
      tpu.vector_store %arg11[%swap3A_61, %swap3A_62], %swap3A_65 {strides = array<i32>} : memref<80x128xf32, #tpu.memory_space<vmem>>, vector<1x16xf32>,
      %swap3A_66 = arith.index_cast %scan3A_50 : i32 to index
      %swap3A_67 = arith.constant 48 : index
      %swap3A_68 = tpu.vector_load %arg11[%swap3A_66, %swap3A_67] {strides = array<i32>} : memref<80x128xf32, #tpu.memory_space<vmem>>, vector<1x16xf32>,
      %swap3A_69 = vector.shape_cast %swap3A_68 : vector<1x16xf32> to vector<16xf32>
      %swap3A_70 = vector.shape_cast %broadcast_in_dim3A_0 : vector<16xf32> to vector<1x16xf32>
      tpu.vector_store %arg11[%swap3A_66, %swap3A_67], %swap3A_70 {strides = array<i32>} : memref<80x128xf32, #tpu.memory_space<vmem>>, vector<1x16xf32>,
      %swap3A_71 = arith.index_cast %scan3A_50 : i32 to index
      %swap3A_72 = arith.constant 64 : index
      %swap3A_73 = tpu.vector_load %arg11[%swap3A_71, %swap3A_72] {strides = array<i32>} : memref<80x128xf32, #tpu.memory_space<vmem>>, vector<1x16xf32>,
      %swap3A_74 = vector.shape_cast %swap3A_73 : vector<1x16xf32> to vector<16xf32>
      %swap3A_75 = vector.shape_cast %broadcast_in_dim3A_0 : vector<16xf32> to vector<1x16xf32>
      tpu.vector_store %arg11[%swap3A_71, %swap3A_72], %swap3A_75 {strides = array<i32>} : memref<80x128xf32, #tpu.memory_space<vmem>>, vector<1x16xf32>,
      %swap3A_76 = arith.index_cast %scan3A_50 : i32 to index
      %swap3A_77 = arith.constant 80 : index
      %swap3A_78 = tpu.vector_load %arg11[%swap3A_76, %swap3A_77] {strides = array<i32>} : memref<80x128xf32, #tpu.memory_space<vmem>>, vector<1x16xf32>,
      %swap3A_79 = vector.shape_cast %swap3A_78 : vector<1x16xf32> to vector<16xf32>
      %swap3A_80 = vector.shape_cast %broadcast_in_dim3A_0 : vector<16xf32> to vector<1x16xf32>
      tpu.vector_store %arg11[%swap3A_76, %swap3A_77], %swap3A_80 {strides = array<i32>} : memref<80x128xf32, #tpu.memory_space<vmem>>, vector<1x16xf32>,
      %swap3A_81 = arith.index_cast %scan3A_50 : i32 to index
      %swap3A_82 = arith.constant 96 : index
      %swap3A_83 = tpu.vector_load %arg11[%swap3A_81, %swap3A_82] {strides = array<i32>} : memref<80x128xf32, #tpu.memory_space<vmem>>, vector<1x16xf32>,
      %swap3A_84 = vector.shape_cast %swap3A_83 : vector<1x16xf32> to vector<16xf32>
      %swap3A_85 = vector.shape_cast %broadcast_in_dim3A_0 : vector<16xf32> to vector<1x16xf32>
      tpu.vector_store %arg11[%swap3A_81, %swap3A_82], %swap3A_85 {strides = array<i32>} : memref<80x128xf32, #tpu.memory_space<vmem>>, vector<1x16xf32>,
      %swap3A_86 = arith.index_cast %scan3A_50 : i32 to index
      %swap3A_87 = arith.constant 112 : index
      %swap3A_88 = tpu.vector_load %arg11[%swap3A_86, %swap3A_87] {strides = array<i32>} : memref<80x128xf32, #tpu.memory_space<vmem>>, vector<1x16xf32>,
      %swap3A_89 = vector.shape_cast %swap3A_88 : vector<1x16xf32> to vector<16xf32>
      %swap3A_90 = vector.shape_cast %broadcast_in_dim3A_0 : vector<16xf32> to vector<1x16xf32>
      tpu.vector_store %arg11[%swap3A_86, %swap3A_87], %swap3A_90 {strides = array<i32>} : memref<80x128xf32, #tpu.memory_space<vmem>>, vector<1x16xf32>,
      %scan3A_91 = arith.constant 0 : i32
      scf.yield %scan3A_91 : i32
    }
    %scan3A_6 = arith.constant 80 : i32
    %broadcast_in_dim3A_7 = arith.constant 0.000000e+00 : f32
    %broadcast_in_dim3A_8 = vector.broadcast %broadcast_in_dim3A_7 : f32 to vector<16xf32>
    %scan3A_9 = arith.constant 0 : i32
    %scan3A_10 = arith.constant 0 : i32
    %scan3A_11 = arith.constant 80 : i32
    %scan3A_12 = arith.addi %scan3A_10, %scan3A_11 : i32
    %scan3A_13 = arith.constant 1 : i32
    %scan3A_14 = scf.for %scan3A_50 = %scan3A_10 to %scan3A_12 step %scan3A_13 iter_args(%scan3A_51 = %scan3A_9) -> (i32)  : i32 {
      %swap3A = arith.index_cast %scan3A_50 : i32 to index
      %swap3A_52 = arith.constant 0 : index
      %swap3A_53 = tpu.vector_load %arg14[%swap3A, %swap3A_52] {strides = array<i32>} : memref<80x16xf32, #tpu.memory_space<vmem>>, vector<1x16xf32>,
      %swap3A_54 = vector.shape_cast %swap3A_53 : vector<1x16xf32> to vector<16xf32>
      %swap3A_55 = vector.shape_cast %broadcast_in_dim3A_8 : vector<16xf32> to vector<1x16xf32>
      tpu.vector_store %arg14[%swap3A, %swap3A_52], %swap3A_55 {strides = array<i32>} : memref<80x16xf32, #tpu.memory_space<vmem>>, vector<1x16xf32>,
      %scan3A_56 = arith.constant 0 : i32
      scf.yield %scan3A_56 : i32
    }
    %scan3A_15 = arith.constant 80 : i32
    %scan3A_16 = arith.constant 0 : i32
    %scan3A_17 = arith.constant 0 : i32
    %scan3A_18 = arith.constant 8 : i32
    %scan3A_19 = arith.addi %scan3A_17, %scan3A_18 : i32
    %scan3A_20 = arith.constant 1 : i32
    %scan3A_21 = scf.for %scan3A_50 = %scan3A_17 to %scan3A_19 step %scan3A_20 iter_args(%scan3A_51 = %scan3A_16) -> (i32)  : i32 {
      %mul3A = arith.constant 16 : i32
      %mul3A_52 = arith.muli %scan3A_50, %mul3A : i32
      %add3A = arith.addi %arg1, %mul3A_52 : i32
      %lt3A = arith.constant 125 : i32
      %lt3A_53 = arith.cmpi slt, %add3A, %lt3A : i32
      %convert_element_type3A = arith.extui %lt3A_53 : i1 to i32
      %cond3A = arith.constant 0 : i32
      %cond3A_54 = arith.cmpi ne, %convert_element_type3A, %cond3A : i32
      scf.if %cond3A_54 {
        %mul3A_56 = arith.constant 80 : i32
        %mul3A_57 = arith.muli %add3A, %mul3A_56 : i32
        "tpu.region"() ({
          %run_scoped3A = tpu.sem_alloc : memref<!tpu.dma_semaphore, #tpu.memory_space<semaphore_mem>>
          %dma_start3A = arith.constant 0 : i32
          %dma_start3A_63 = arith.constant 0 : i32
          %dma_start3A_64 = tpu.memref_slice %arg11[%dma_start3A, %dma_start3A_63] : memref<80x128xf32, #tpu.memory_space<vmem>> -> memref<80x128xf32, #tpu.memory_space<vmem>>
          %dma_start3A_65 = arith.constant 0 : i32
          %dma_start3A_66 = tpu.memref_slice %arg7[%mul3A_57, %dma_start3A_65] : memref<10000x128xf32, #tpu.memory_space<vmem_shared>> -> memref<80x128xf32, #tpu.memory_space<vmem_shared>>
          %dma_start3A_67 = arith.constant 0 : i32
          %dma_start3A_68 = tpu.memref_slice %arg7[%mul3A_57, %dma_start3A_67] : memref<10000x128xf32, #tpu.memory_space<vmem_shared>> -> memref<80x128xf32, #tpu.memory_space<vmem_shared>>
          %dma_start3A_69 = arith.constant 0 : i32
          %dma_start3A_70 = arith.constant 0 : i32
          %dma_start3A_71 = tpu.memref_slice %arg11[%dma_start3A_69, %dma_start3A_70] : memref<80x128xf32, #tpu.memory_space<vmem>> -> memref<80x128xf32, #tpu.memory_space<vmem>>
          tpu.enqueue_dma source(%dma_start3A_71 : memref<80x128xf32, #tpu.memory_space<vmem>>) target(%dma_start3A_68 : memref<80x128xf32, #tpu.memory_space<vmem_shared>>) target_semaphore(%run_scoped3A : memref<!tpu.dma_semaphore, #tpu.memory_space<semaphore_mem>>)
          %dma_wait3A = arith.constant 0 : i32
          %dma_wait3A_72 = arith.constant 0 : i32
          %dma_wait3A_73 = tpu.memref_slice %arg11[%dma_wait3A, %dma_wait3A_72] : memref<80x128xf32, #tpu.memory_space<vmem>> -> memref<80x128xf32, #tpu.memory_space<vmem>>
          %dma_wait3A_74 = arith.constant 0 : i32
          %dma_wait3A_75 = tpu.memref_slice %arg7[%mul3A_57, %dma_wait3A_74] : memref<10000x128xf32, #tpu.memory_space<vmem_shared>> -> memref<80x128xf32, #tpu.memory_space<vmem_shared>>
          %dma_wait3A_76 = arith.constant 0 : i32
          %dma_wait3A_77 = tpu.memref_slice %arg7[%mul3A_57, %dma_wait3A_76] : memref<10000x128xf32, #tpu.memory_space<vmem_shared>> -> memref<80x128xf32, #tpu.memory_space<vmem_shared>>
          %dma_wait3A_78 = arith.constant 0 : i32
          %dma_wait3A_79 = arith.constant 0 : i32
          %dma_wait3A_80 = tpu.memref_slice %arg11[%dma_wait3A_78, %dma_wait3A_79] : memref<80x128xf32, #tpu.memory_space<vmem>> -> memref<80x128xf32, #tpu.memory_space<vmem>>
          tpu.wait_dma2 semaphore(%run_scoped3A : memref<!tpu.dma_semaphore, #tpu.memory_space<semaphore_mem>>) src(%dma_wait3A_80 : memref<80x128xf32, #tpu.memory_space<vmem>>) dst(%dma_wait3A_77 : memref<80x128xf32, #tpu.memory_space<vmem_shared>>)
          tpu.yield
        }) : () -> ()
        %eq3A_58 = arith.constant 0 : i32
        %eq3A_59 = arith.cmpi eq, %arg0, %eq3A_58 : i32
        %convert_element_type3A_60 = arith.extui %eq3A_59 : i1 to i32
        %cond3A_61 = arith.constant 0 : i32
        %cond3A_62 = arith.cmpi ne, %convert_element_type3A_60, %cond3A_61 : i32
        scf.if %cond3A_62 {
          "tpu.region"() ({
            %run_scoped3A = tpu.sem_alloc : memref<!tpu.dma_semaphore, #tpu.memory_space<semaphore_mem>>
            %dma_start3A = arith.constant 0 : i32
            %dma_start3A_63 = tpu.memref_slice %arg8[%mul3A_57, %dma_start3A] : memref<10000x16xf32, #tpu.memory_space<vmem_shared>> -> memref<80x16xf32, #tpu.memory_space<vmem_shared>>
            %dma_start3A_64 = arith.constant 0 : i32
            %dma_start3A_65 = tpu.memref_slice %arg8[%mul3A_57, %dma_start3A_64] : memref<10000x16xf32, #tpu.memory_space<vmem_shared>> -> memref<80x16xf32, #tpu.memory_space<vmem_shared>>
            tpu.enqueue_dma source(%arg14 : memref<80x16xf32, #tpu.memory_space<vmem>>) target(%dma_start3A_65 : memref<80x16xf32, #tpu.memory_space<vmem_shared>>) target_semaphore(%run_scoped3A : memref<!tpu.dma_semaphore, #tpu.memory_space<semaphore_mem>>)
            %dma_wait3A = arith.constant 0 : i32
            %dma_wait3A_66 = tpu.memref_slice %arg8[%mul3A_57, %dma_wait3A] : memref<10000x16xf32, #tpu.memory_space<vmem_shared>> -> memref<80x16xf32, #tpu.memory_space<vmem_shared>>
            %dma_wait3A_67 = arith.constant 0 : i32
            %dma_wait3A_68 = tpu.memref_slice %arg8[%mul3A_57, %dma_wait3A_67] : memref<10000x16xf32, #tpu.memory_space<vmem_shared>> -> memref<80x16xf32, #tpu.memory_space<vmem_shared>>
            tpu.wait_dma2 semaphore(%run_scoped3A : memref<!tpu.dma_semaphore, #tpu.memory_space<semaphore_mem>>) src(%arg14 : memref<80x16xf32, #tpu.memory_space<vmem>>) dst(%dma_wait3A_68 : memref<80x16xf32, #tpu.memory_space<vmem_shared>>)
            tpu.yield
          }) : () -> ()
        } else {
        }
      } else {
      }
      %scan3A_55 = arith.constant 0 : i32
      scf.yield %scan3A_55 : i32
    }
    %scan3A_22 = arith.constant 8 : i32
    %iota3A = tpu.iota {dimensions = array<i32: 0>} : vector<16xi32>
    %eq3A = arith.constant 0 : i32
    %eq3A_23 = vector.broadcast %eq3A : i32 to vector<16xi32>
    %eq3A_24 = arith.cmpi eq, %iota3A, %eq3A_23 : vector<16xi32>
    %jit3A = arith.constant 1.000000e+00 : f32
    %jit3A_25 = arith.constant 0.000000e+00 : f32
    %broadcast_in_dim3A_26 = vector.broadcast %jit3A : f32 to vector<16xf32>
    %broadcast_in_dim3A_27 = vector.broadcast %jit3A_25 : f32 to vector<16xf32>
    %select_n3A = arith.select %eq3A_24, %broadcast_in_dim3A_26, %broadcast_in_dim3A_27 : vector<16xi1>, vector<16xf32>
    %scan3A_28 = arith.constant 0 : i32
    %scan3A_29 = arith.constant 0 : i32
    %scan3A_30 = arith.constant 80 : i32
    %scan3A_31 = arith.addi %scan3A_29, %scan3A_30 : i32
    %scan3A_32 = arith.constant 1 : i32
    %scan3A_33 = scf.for %scan3A_50 = %scan3A_29 to %scan3A_31 step %scan3A_32 iter_args(%scan3A_51 = %scan3A_28) -> (i32)  : i32 {
      %swap3A = arith.index_cast %scan3A_50 : i32 to index
      %swap3A_52 = arith.constant 0 : index
      %swap3A_53 = tpu.vector_load %arg13[%swap3A, %swap3A_52] {strides = array<i32>} : memref<80x16xf32, #tpu.memory_space<vmem>>, vector<1x16xf32>,
      %swap3A_54 = vector.shape_cast %swap3A_53 : vector<1x16xf32> to vector<16xf32>
      %swap3A_55 = vector.shape_cast %select_n3A : vector<16xf32> to vector<1x16xf32>
      tpu.vector_store %arg13[%swap3A, %swap3A_52], %swap3A_55 {strides = array<i32>} : memref<80x16xf32, #tpu.memory_space<vmem>>, vector<1x16xf32>,
      %scan3A_56 = arith.constant 0 : i32
      scf.yield %scan3A_56 : i32
    }
    %scan3A_34 = arith.constant 80 : i32
    %barrier3A = arith.constant 0 : index
    tpu.barrier barrier_id(%barrier3A)
    %scan3A_35 = arith.constant 0 : i32
    %scan3A_36 = arith.constant 0 : i32
    %scan3A_37 = arith.constant 5 : i32
    %scan3A_38 = arith.addi %scan3A_36, %scan3A_37 : i32
    %scan3A_39 = arith.constant 1 : i32
    %scan3A_40 = scf.for %scan3A_50 = %scan3A_36 to %scan3A_38 step %scan3A_39 iter_args(%scan3A_51 = %scan3A_35) -> (i32)  : i32 {
      %mul3A = arith.constant 125 : i32
      %mul3A_52 = arith.muli %mul3A, %arg1 : i32
      %mul3A_53 = arith.constant 25 : i32
      %mul3A_54 = arith.muli %scan3A_50, %mul3A_53 : i32
      %add3A = arith.addi %mul3A_52, %mul3A_54 : i32
      "tpu.region"() ({
        %run_scoped3A_92 = tpu.sem_alloc : memref<!tpu.dma_semaphore, #tpu.memory_space<semaphore_mem>>
        %dma_start3A_93 = arith.constant 0 : i32
        %dma_start3A_94 = tpu.memref_slice %arg3[%add3A, %dma_start3A_93] : memref<2000x80xi32, #tpu.memory_space<hbm>> -> memref<25x80xi32, #tpu.memory_space<hbm>>
        %dma_start3A_95 = arith.constant 0 : i32
        %dma_start3A_96 = tpu.memref_slice %arg3[%add3A, %dma_start3A_95] : memref<2000x80xi32, #tpu.memory_space<hbm>> -> memref<25x80xi32, #tpu.memory_space<hbm>>
        tpu.enqueue_dma source(%dma_start3A_96 : memref<25x80xi32, #tpu.memory_space<hbm>>) target(%arg9 : memref<25x80xi32, #tpu.memory_space<vmem>>) target_semaphore(%run_scoped3A_92 : memref<!tpu.dma_semaphore, #tpu.memory_space<semaphore_mem>>)
        %dma_wait3A_97 = arith.constant 0 : i32
        %dma_wait3A_98 = tpu.memref_slice %arg3[%add3A, %dma_wait3A_97] : memref<2000x80xi32, #tpu.memory_space<hbm>> -> memref<25x80xi32, #tpu.memory_space<hbm>>
        %dma_wait3A_99 = arith.constant 0 : i32
        %dma_wait3A_100 = tpu.memref_slice %arg3[%add3A, %dma_wait3A_99] : memref<2000x80xi32, #tpu.memory_space<hbm>> -> memref<25x80xi32, #tpu.memory_space<hbm>>
        tpu.wait_dma2 semaphore(%run_scoped3A_92 : memref<!tpu.dma_semaphore, #tpu.memory_space<semaphore_mem>>) src(%dma_wait3A_100 : memref<25x80xi32, #tpu.memory_space<hbm>>) dst(%arg9 : memref<25x80xi32, #tpu.memory_space<vmem>>)
        tpu.yield
      }) : () -> ()
      "tpu.region"() ({
        %run_scoped3A_92 = tpu.sem_alloc : memref<!tpu.dma_semaphore, #tpu.memory_space<semaphore_mem>>
        %dma_start3A_93 = arith.constant 0 : i32
        %dma_start3A_94 = tpu.memref_slice %arg4[%add3A, %dma_start3A_93] : memref<2000x80xi32, #tpu.memory_space<hbm>> -> memref<25x80xi32, #tpu.memory_space<hbm>>
        %dma_start3A_95 = arith.constant 0 : i32
        %dma_start3A_96 = tpu.memref_slice %arg4[%add3A, %dma_start3A_95] : memref<2000x80xi32, #tpu.memory_space<hbm>> -> memref<25x80xi32, #tpu.memory_space<hbm>>
        tpu.enqueue_dma source(%dma_start3A_96 : memref<25x80xi32, #tpu.memory_space<hbm>>) target(%arg10 : memref<25x80xi32, #tpu.memory_space<vmem>>) target_semaphore(%run_scoped3A_92 : memref<!tpu.dma_semaphore, #tpu.memory_space<semaphore_mem>>)
        %dma_wait3A_97 = arith.constant 0 : i32
        %dma_wait3A_98 = tpu.memref_slice %arg4[%add3A, %dma_wait3A_97] : memref<2000x80xi32, #tpu.memory_space<hbm>> -> memref<25x80xi32, #tpu.memory_space<hbm>>
        %dma_wait3A_99 = arith.constant 0 : i32
        %dma_wait3A_100 = tpu.memref_slice %arg4[%add3A, %dma_wait3A_99] : memref<2000x80xi32, #tpu.memory_space<hbm>> -> memref<25x80xi32, #tpu.memory_space<hbm>>
        tpu.wait_dma2 semaphore(%run_scoped3A_92 : memref<!tpu.dma_semaphore, #tpu.memory_space<semaphore_mem>>) src(%dma_wait3A_100 : memref<25x80xi32, #tpu.memory_space<hbm>>) dst(%arg10 : memref<25x80xi32, #tpu.memory_space<vmem>>)
        tpu.yield
      }) : () -> ()
      %scan3A_55 = arith.constant 0 : i32
      %scan3A_56 = arith.constant 0 : i32
      %scan3A_57 = arith.constant 25 : i32
      %scan3A_58 = arith.addi %scan3A_56, %scan3A_57 : i32
      %scan3A_59 = arith.constant 1 : i32
      %scan3A_60 = scf.for %scan3A_92 = %scan3A_56 to %scan3A_58 step %scan3A_59 iter_args(%scan3A_93 = %scan3A_55) -> (i32)  : i32 {
        %get3A = arith.index_cast %scan3A_92 : i32 to index
        %get3A_94 = arith.constant 0 : index
        %get3A_95 = tpu.vector_load %arg9[%get3A, %get3A_94] {strides = array<i32>} : memref<25x80xi32, #tpu.memory_space<vmem>>, vector<1x16xi32>,
        %get3A_96 = vector.shape_cast %get3A_95 : vector<1x16xi32> to vector<16xi32>
        %mul3A_97 = arith.constant 2 : i32
        %mul3A_98 = vector.broadcast %mul3A_97 : i32 to vector<16xi32>
        %mul3A_99 = arith.muli %get3A_96, %mul3A_98 : vector<16xi32>
        %add3A_100 = vector.broadcast %arg0 : i32 to vector<16xi32>
        %add3A_101 = arith.addi %mul3A_99, %add3A_100 : vector<16xi32>
        %swap3A = arith.index_cast %scan3A_92 : i32 to index
        %swap3A_102 = arith.constant 0 : index
        %swap3A_103 = tpu.vector_load %arg9[%swap3A, %swap3A_102] {strides = array<i32>} : memref<25x80xi32, #tpu.memory_space<vmem>>, vector<1x16xi32>,
        %swap3A_104 = vector.shape_cast %swap3A_103 : vector<1x16xi32> to vector<16xi32>
        %swap3A_105 = vector.shape_cast %add3A_101 : vector<16xi32> to vector<1x16xi32>
        tpu.vector_store %arg9[%swap3A, %swap3A_102], %swap3A_105 {strides = array<i32>} : memref<25x80xi32, #tpu.memory_space<vmem>>, vector<1x16xi32>,
        %get3A_106 = arith.index_cast %scan3A_92 : i32 to index
        %get3A_107 = arith.constant 16 : index
        %get3A_108 = tpu.vector_load %arg9[%get3A_106, %get3A_107] {strides = array<i32>} : memref<25x80xi32, #tpu.memory_space<vmem>>, vector<1x16xi32>,
        %get3A_109 = vector.shape_cast %get3A_108 : vector<1x16xi32> to vector<16xi32>
        %mul3A_110 = arith.constant 2 : i32
        %mul3A_111 = vector.broadcast %mul3A_110 : i32 to vector<16xi32>
        %mul3A_112 = arith.muli %get3A_109, %mul3A_111 : vector<16xi32>
        %add3A_113 = vector.broadcast %arg0 : i32 to vector<16xi32>
        %add3A_114 = arith.addi %mul3A_112, %add3A_113 : vector<16xi32>
        %swap3A_115 = arith.index_cast %scan3A_92 : i32 to index
        %swap3A_116 = arith.constant 16 : index
        %swap3A_117 = tpu.vector_load %arg9[%swap3A_115, %swap3A_116] {strides = array<i32>} : memref<25x80xi32, #tpu.memory_space<vmem>>, vector<1x16xi32>,
        %swap3A_118 = vector.shape_cast %swap3A_117 : vector<1x16xi32> to vector<16xi32>
        %swap3A_119 = vector.shape_cast %add3A_114 : vector<16xi32> to vector<1x16xi32>
        tpu.vector_store %arg9[%swap3A_115, %swap3A_116], %swap3A_119 {strides = array<i32>} : memref<25x80xi32, #tpu.memory_space<vmem>>, vector<1x16xi32>,
        %get3A_120 = arith.index_cast %scan3A_92 : i32 to index
        %get3A_121 = arith.constant 32 : index
        %get3A_122 = tpu.vector_load %arg9[%get3A_120, %get3A_121] {strides = array<i32>} : memref<25x80xi32, #tpu.memory_space<vmem>>, vector<1x16xi32>,
        %get3A_123 = vector.shape_cast %get3A_122 : vector<1x16xi32> to vector<16xi32>
        %mul3A_124 = arith.constant 2 : i32
        %mul3A_125 = vector.broadcast %mul3A_124 : i32 to vector<16xi32>
        %mul3A_126 = arith.muli %get3A_123, %mul3A_125 : vector<16xi32>
        %add3A_127 = vector.broadcast %arg0 : i32 to vector<16xi32>
        %add3A_128 = arith.addi %mul3A_126, %add3A_127 : vector<16xi32>
        %swap3A_129 = arith.index_cast %scan3A_92 : i32 to index
        %swap3A_130 = arith.constant 32 : index
        %swap3A_131 = tpu.vector_load %arg9[%swap3A_129, %swap3A_130] {strides = array<i32>} : memref<25x80xi32, #tpu.memory_space<vmem>>, vector<1x16xi32>,
        %swap3A_132 = vector.shape_cast %swap3A_131 : vector<1x16xi32> to vector<16xi32>
        %swap3A_133 = vector.shape_cast %add3A_128 : vector<16xi32> to vector<1x16xi32>
        tpu.vector_store %arg9[%swap3A_129, %swap3A_130], %swap3A_133 {strides = array<i32>} : memref<25x80xi32, #tpu.memory_space<vmem>>, vector<1x16xi32>,
        %get3A_134 = arith.index_cast %scan3A_92 : i32 to index
        %get3A_135 = arith.constant 48 : index
        %get3A_136 = tpu.vector_load %arg9[%get3A_134, %get3A_135] {strides = array<i32>} : memref<25x80xi32, #tpu.memory_space<vmem>>, vector<1x16xi32>,
        %get3A_137 = vector.shape_cast %get3A_136 : vector<1x16xi32> to vector<16xi32>
        %mul3A_138 = arith.constant 2 : i32
        %mul3A_139 = vector.broadcast %mul3A_138 : i32 to vector<16xi32>
        %mul3A_140 = arith.muli %get3A_137, %mul3A_139 : vector<16xi32>
        %add3A_141 = vector.broadcast %arg0 : i32 to vector<16xi32>
        %add3A_142 = arith.addi %mul3A_140, %add3A_141 : vector<16xi32>
        %swap3A_143 = arith.index_cast %scan3A_92 : i32 to index
        %swap3A_144 = arith.constant 48 : index
        %swap3A_145 = tpu.vector_load %arg9[%swap3A_143, %swap3A_144] {strides = array<i32>} : memref<25x80xi32, #tpu.memory_space<vmem>>, vector<1x16xi32>,
        %swap3A_146 = vector.shape_cast %swap3A_145 : vector<1x16xi32> to vector<16xi32>
        %swap3A_147 = vector.shape_cast %add3A_142 : vector<16xi32> to vector<1x16xi32>
        tpu.vector_store %arg9[%swap3A_143, %swap3A_144], %swap3A_147 {strides = array<i32>} : memref<25x80xi32, #tpu.memory_space<vmem>>, vector<1x16xi32>,
        %get3A_148 = arith.index_cast %scan3A_92 : i32 to index
        %get3A_149 = arith.constant 64 : index
        %get3A_150 = tpu.vector_load %arg9[%get3A_148, %get3A_149] {strides = array<i32>} : memref<25x80xi32, #tpu.memory_space<vmem>>, vector<1x16xi32>,
        %get3A_151 = vector.shape_cast %get3A_150 : vector<1x16xi32> to vector<16xi32>
        %mul3A_152 = arith.constant 2 : i32
        %mul3A_153 = vector.broadcast %mul3A_152 : i32 to vector<16xi32>
        %mul3A_154 = arith.muli %get3A_151, %mul3A_153 : vector<16xi32>
        %add3A_155 = vector.broadcast %arg0 : i32 to vector<16xi32>
        %add3A_156 = arith.addi %mul3A_154, %add3A_155 : vector<16xi32>
        %swap3A_157 = arith.index_cast %scan3A_92 : i32 to index
        %swap3A_158 = arith.constant 64 : index
        %swap3A_159 = tpu.vector_load %arg9[%swap3A_157, %swap3A_158] {strides = array<i32>} : memref<25x80xi32, #tpu.memory_space<vmem>>, vector<1x16xi32>,
        %swap3A_160 = vector.shape_cast %swap3A_159 : vector<1x16xi32> to vector<16xi32>
        %swap3A_161 = vector.shape_cast %add3A_156 : vector<16xi32> to vector<1x16xi32>
        tpu.vector_store %arg9[%swap3A_157, %swap3A_158], %swap3A_161 {strides = array<i32>} : memref<25x80xi32, #tpu.memory_space<vmem>>, vector<1x16xi32>,
        %scan3A_162 = arith.constant 0 : i32
        scf.yield %scan3A_162 : i32
      }
      %scan3A_61 = arith.constant 25 : i32
      %dma_start3A = arith.constant 0 : i32
      %dma_start3A_62 = arith.constant 0 : i32
      %dma_start3A_63 = tpu.memref_slice %arg9[%dma_start3A, %dma_start3A_62] : memref<25x80xi32, #tpu.memory_space<vmem>> -> memref<1x80xi32, #tpu.memory_space<vmem>>
      %dma_start3A_64 = tpu.memref_squeeze %dma_start3A_63 : memref<1x80xi32, #tpu.memory_space<vmem>> -> memref<80xi32, #tpu.memory_space<vmem>>
      %dma_start3A_65 = arith.constant 0 : i32
      %dma_start3A_66 = arith.constant 0 : i32
      %dma_start3A_67 = tpu.memref_slice %arg2[%dma_start3A_65, %dma_start3A_66] : memref<20000x128xf32, #tpu.memory_space<hbm>> -> memref<20000x128xf32, #tpu.memory_space<hbm>>
      tpu.enqueue_indirect_dma source(%dma_start3A_67 : memref<20000x128xf32, #tpu.memory_space<hbm>>) target(%arg11 : memref<80x128xf32, #tpu.memory_space<vmem>>) offsets(%dma_start3A_64 : memref<80xi32, #tpu.memory_space<vmem>>) semaphore(%arg15 : memref<!tpu.dma_semaphore, #tpu.memory_space<semaphore_mem>>)
      %scan3A_68 = arith.constant 0 : i32
      %scan3A_69 = arith.constant 0 : i32
      %scan3A_70 = arith.constant 12 : i32
      %scan3A_71 = arith.addi %scan3A_69, %scan3A_70 : i32
      %scan3A_72 = arith.constant 1 : i32
      %scan3A_73 = scf.for %scan3A_92 = %scan3A_69 to %scan3A_71 step %scan3A_72 iter_args(%scan3A_93 = %scan3A_68) -> (i32)  : i32 {
        %mul3A_94 = arith.constant 2 : i32
        %mul3A_95 = arith.muli %scan3A_92, %mul3A_94 : i32
        %dma_wait3A_96 = arith.constant 0 : i32
        %dma_wait3A_97 = arith.constant 0 : i32
        %dma_wait3A_98 = tpu.memref_slice %arg9[%dma_wait3A_96, %dma_wait3A_97] : memref<25x80xi32, #tpu.memory_space<vmem>> -> memref<1x80xi32, #tpu.memory_space<vmem>>
        %dma_wait3A_99 = tpu.memref_squeeze %dma_wait3A_98 : memref<1x80xi32, #tpu.memory_space<vmem>> -> memref<80xi32, #tpu.memory_space<vmem>>
        %dma_wait3A_100 = arith.constant 0 : i32
        %dma_wait3A_101 = arith.constant 0 : i32
        %dma_wait3A_102 = tpu.memref_slice %arg2[%dma_wait3A_100, %dma_wait3A_101] : memref<20000x128xf32, #tpu.memory_space<hbm>> -> memref<20000x128xf32, #tpu.memory_space<hbm>>
        tpu.wait_indirect_dma semaphore(%arg15 : memref<!tpu.dma_semaphore, #tpu.memory_space<semaphore_mem>>) src(%dma_wait3A_102 : memref<20000x128xf32, #tpu.memory_space<hbm>>) dst(%arg11 : memref<80x128xf32, #tpu.memory_space<vmem>>)
        %add3A_103 = arith.constant 1 : i32
        %add3A_104 = arith.addi %mul3A_95, %add3A_103 : i32
        %dma_start3A_105 = arith.constant 0 : i32
        %dma_start3A_106 = tpu.memref_slice %arg9[%add3A_104, %dma_start3A_105] : memref<25x80xi32, #tpu.memory_space<vmem>> -> memref<1x80xi32, #tpu.memory_space<vmem>>
        %dma_start3A_107 = tpu.memref_squeeze %dma_start3A_106 : memref<1x80xi32, #tpu.memory_space<vmem>> -> memref<80xi32, #tpu.memory_space<vmem>>
        %dma_start3A_108 = arith.constant 0 : i32
        %dma_start3A_109 = arith.constant 0 : i32
        %dma_start3A_110 = tpu.memref_slice %arg2[%dma_start3A_108, %dma_start3A_109] : memref<20000x128xf32, #tpu.memory_space<hbm>> -> memref<20000x128xf32, #tpu.memory_space<hbm>>
        tpu.enqueue_indirect_dma source(%dma_start3A_110 : memref<20000x128xf32, #tpu.memory_space<hbm>>) target(%arg12 : memref<80x128xf32, #tpu.memory_space<vmem>>) offsets(%dma_start3A_107 : memref<80xi32, #tpu.memory_space<vmem>>) semaphore(%arg16 : memref<!tpu.dma_semaphore, #tpu.memory_space<semaphore_mem>>)
        "tpu.region"() ({
          %run_scoped3A_135 = tpu.sem_alloc : memref<!tpu.dma_semaphore, #tpu.memory_space<semaphore_mem>>
          %dma_start3A_136 = arith.constant 0 : i32
          %dma_start3A_137 = tpu.memref_slice %arg10[%mul3A_95, %dma_start3A_136] : memref<25x80xi32, #tpu.memory_space<vmem>> -> memref<1x80xi32, #tpu.memory_space<vmem>>
          %dma_start3A_138 = tpu.memref_squeeze %dma_start3A_137 : memref<1x80xi32, #tpu.memory_space<vmem>> -> memref<80xi32, #tpu.memory_space<vmem>>
          %dma_start3A_139 = arith.constant 0 : i32
          %dma_start3A_140 = arith.constant 0 : i32
          %dma_start3A_141 = tpu.memref_slice %arg7[%dma_start3A_139, %dma_start3A_140] : memref<10000x128xf32, #tpu.memory_space<vmem_shared>> -> memref<10000x128xf32, #tpu.memory_space<vmem_shared>>
          tpu.enqueue_indirect_dma source(%arg11 : memref<80x128xf32, #tpu.memory_space<vmem>>) target(%dma_start3A_141 : memref<10000x128xf32, #tpu.memory_space<vmem_shared>>) offsets(%dma_start3A_138 : memref<80xi32, #tpu.memory_space<vmem>>) semaphore(%run_scoped3A_135 : memref<!tpu.dma_semaphore, #tpu.memory_space<semaphore_mem>>) {add = true}
          %dma_wait3A_142 = arith.constant 0 : i32
          %dma_wait3A_143 = tpu.memref_slice %arg10[%mul3A_95, %dma_wait3A_142] : memref<25x80xi32, #tpu.memory_space<vmem>> -> memref<1x80xi32, #tpu.memory_space<vmem>>
          %dma_wait3A_144 = tpu.memref_squeeze %dma_wait3A_143 : memref<1x80xi32, #tpu.memory_space<vmem>> -> memref<80xi32, #tpu.memory_space<vmem>>
          %dma_wait3A_145 = arith.constant 0 : i32
          %dma_wait3A_146 = arith.constant 0 : i32
          %dma_wait3A_147 = tpu.memref_slice %arg7[%dma_wait3A_145, %dma_wait3A_146] : memref<10000x128xf32, #tpu.memory_space<vmem_shared>> -> memref<10000x128xf32, #tpu.memory_space<vmem_shared>>
          tpu.wait_indirect_dma semaphore(%run_scoped3A_135 : memref<!tpu.dma_semaphore, #tpu.memory_space<semaphore_mem>>) src(%arg11 : memref<80x128xf32, #tpu.memory_space<vmem>>) dst(%dma_wait3A_147 : memref<10000x128xf32, #tpu.memory_space<vmem_shared>>)
          tpu.yield
        }) : () -> ()
        %eq3A_111 = arith.constant 0 : i32
        %eq3A_112 = arith.cmpi eq, %arg0, %eq3A_111 : i32
        %convert_element_type3A_113 = arith.extui %eq3A_112 : i1 to i32
        %cond3A_114 = arith.constant 0 : i32
        %cond3A_115 = arith.cmpi ne, %convert_element_type3A_113, %cond3A_114 : i32
        scf.if %cond3A_115 {
          "tpu.region"() ({
            %run_scoped3A_135 = tpu.sem_alloc : memref<!tpu.dma_semaphore, #tpu.memory_space<semaphore_mem>>
            %dma_start3A_136 = arith.constant 0 : i32
            %dma_start3A_137 = tpu.memref_slice %arg10[%mul3A_95, %dma_start3A_136] : memref<25x80xi32, #tpu.memory_space<vmem>> -> memref<1x80xi32, #tpu.memory_space<vmem>>
            %dma_start3A_138 = tpu.memref_squeeze %dma_start3A_137 : memref<1x80xi32, #tpu.memory_space<vmem>> -> memref<80xi32, #tpu.memory_space<vmem>>
            %dma_start3A_139 = arith.constant 0 : i32
            %dma_start3A_140 = arith.constant 0 : i32
            %dma_start3A_141 = tpu.memref_slice %arg8[%dma_start3A_139, %dma_start3A_140] : memref<10000x16xf32, #tpu.memory_space<vmem_shared>> -> memref<10000x16xf32, #tpu.memory_space<vmem_shared>>
            tpu.enqueue_indirect_dma source(%arg13 : memref<80x16xf32, #tpu.memory_space<vmem>>) target(%dma_start3A_141 : memref<10000x16xf32, #tpu.memory_space<vmem_shared>>) offsets(%dma_start3A_138 : memref<80xi32, #tpu.memory_space<vmem>>) semaphore(%run_scoped3A_135 : memref<!tpu.dma_semaphore, #tpu.memory_space<semaphore_mem>>) {add = true}
            %dma_wait3A_142 = arith.constant 0 : i32
            %dma_wait3A_143 = tpu.memref_slice %arg10[%mul3A_95, %dma_wait3A_142] : memref<25x80xi32, #tpu.memory_space<vmem>> -> memref<1x80xi32, #tpu.memory_space<vmem>>
            %dma_wait3A_144 = tpu.memref_squeeze %dma_wait3A_143 : memref<1x80xi32, #tpu.memory_space<vmem>> -> memref<80xi32, #tpu.memory_space<vmem>>
            %dma_wait3A_145 = arith.constant 0 : i32
            %dma_wait3A_146 = arith.constant 0 : i32
            %dma_wait3A_147 = tpu.memref_slice %arg8[%dma_wait3A_145, %dma_wait3A_146] : memref<10000x16xf32, #tpu.memory_space<vmem_shared>> -> memref<10000x16xf32, #tpu.memory_space<vmem_shared>>
            tpu.wait_indirect_dma semaphore(%run_scoped3A_135 : memref<!tpu.dma_semaphore, #tpu.memory_space<semaphore_mem>>) src(%arg13 : memref<80x16xf32, #tpu.memory_space<vmem>>) dst(%dma_wait3A_147 : memref<10000x16xf32, #tpu.memory_space<vmem_shared>>)
            tpu.yield
          }) : () -> ()
        } else {
        }
        %dma_wait3A_116 = arith.constant 0 : i32
        %dma_wait3A_117 = arith.constant 0 : i32
        %dma_wait3A_118 = tpu.memref_slice %arg9[%dma_wait3A_116, %dma_wait3A_117] : memref<25x80xi32, #tpu.memory_space<vmem>> -> memref<1x80xi32, #tpu.memory_space<vmem>>
        %dma_wait3A_119 = tpu.memref_squeeze %dma_wait3A_118 : memref<1x80xi32, #tpu.memory_space<vmem>> -> memref<80xi32, #tpu.memory_space<vmem>>
        %dma_wait3A_120 = arith.constant 0 : i32
        %dma_wait3A_121 = arith.constant 0 : i32
        %dma_wait3A_122 = tpu.memref_slice %arg2[%dma_wait3A_120, %dma_wait3A_121] : memref<20000x128xf32, #tpu.memory_space<hbm>> -> memref<20000x128xf32, #tpu.memory_space<hbm>>
        tpu.wait_indirect_dma semaphore(%arg16 : memref<!tpu.dma_semaphore, #tpu.memory_space<semaphore_mem>>) src(%dma_wait3A_122 : memref<20000x128xf32, #tpu.memory_space<hbm>>) dst(%arg12 : memref<80x128xf32, #tpu.memory_space<vmem>>)
        %lt3A = arith.constant 11 : i32
        %lt3A_123 = arith.cmpi slt, %scan3A_92, %lt3A : i32
        %convert_element_type3A_124 = arith.extui %lt3A_123 : i1 to i32
        %cond3A_125 = arith.constant 0 : i32
        %cond3A_126 = arith.cmpi ne, %convert_element_type3A_124, %cond3A_125 : i32
        scf.if %cond3A_126 {
          %add3A_135 = arith.constant 2 : i32
          %add3A_136 = arith.addi %mul3A_95, %add3A_135 : i32
          %dma_start3A_137 = arith.constant 0 : i32
          %dma_start3A_138 = tpu.memref_slice %arg9[%add3A_136, %dma_start3A_137] : memref<25x80xi32, #tpu.memory_space<vmem>> -> memref<1x80xi32, #tpu.memory_space<vmem>>
          %dma_start3A_139 = tpu.memref_squeeze %dma_start3A_138 : memref<1x80xi32, #tpu.memory_space<vmem>> -> memref<80xi32, #tpu.memory_space<vmem>>
          %dma_start3A_140 = arith.constant 0 : i32
          %dma_start3A_141 = arith.constant 0 : i32
          %dma_start3A_142 = tpu.memref_slice %arg2[%dma_start3A_140, %dma_start3A_141] : memref<20000x128xf32, #tpu.memory_space<hbm>> -> memref<20000x128xf32, #tpu.memory_space<hbm>>
          tpu.enqueue_indirect_dma source(%dma_start3A_142 : memref<20000x128xf32, #tpu.memory_space<hbm>>) target(%arg11 : memref<80x128xf32, #tpu.memory_space<vmem>>) offsets(%dma_start3A_139 : memref<80xi32, #tpu.memory_space<vmem>>) semaphore(%arg15 : memref<!tpu.dma_semaphore, #tpu.memory_space<semaphore_mem>>)
        } else {
        }
        %add3A_127 = arith.constant 1 : i32
        %add3A_128 = arith.addi %mul3A_95, %add3A_127 : i32
        "tpu.region"() ({
          %run_scoped3A_135 = tpu.sem_alloc : memref<!tpu.dma_semaphore, #tpu.memory_space<semaphore_mem>>
          %dma_start3A_136 = arith.constant 0 : i32
          %dma_start3A_137 = tpu.memref_slice %arg10[%add3A_128, %dma_start3A_136] : memref<25x80xi32, #tpu.memory_space<vmem>> -> memref<1x80xi32, #tpu.memory_space<vmem>>
          %dma_start3A_138 = tpu.memref_squeeze %dma_start3A_137 : memref<1x80xi32, #tpu.memory_space<vmem>> -> memref<80xi32, #tpu.memory_space<vmem>>
          %dma_start3A_139 = arith.constant 0 : i32
          %dma_start3A_140 = arith.constant 0 : i32
          %dma_start3A_141 = tpu.memref_slice %arg7[%dma_start3A_139, %dma_start3A_140] : memref<10000x128xf32, #tpu.memory_space<vmem_shared>> -> memref<10000x128xf32, #tpu.memory_space<vmem_shared>>
          tpu.enqueue_indirect_dma source(%arg12 : memref<80x128xf32, #tpu.memory_space<vmem>>) target(%dma_start3A_141 : memref<10000x128xf32, #tpu.memory_space<vmem_shared>>) offsets(%dma_start3A_138 : memref<80xi32, #tpu.memory_space<vmem>>) semaphore(%run_scoped3A_135 : memref<!tpu.dma_semaphore, #tpu.memory_space<semaphore_mem>>) {add = true}
          %dma_wait3A_142 = arith.constant 0 : i32
          %dma_wait3A_143 = tpu.memref_slice %arg10[%add3A_128, %dma_wait3A_142] : memref<25x80xi32, #tpu.memory_space<vmem>> -> memref<1x80xi32, #tpu.memory_space<vmem>>
          %dma_wait3A_144 = tpu.memref_squeeze %dma_wait3A_143 : memref<1x80xi32, #tpu.memory_space<vmem>> -> memref<80xi32, #tpu.memory_space<vmem>>
          %dma_wait3A_145 = arith.constant 0 : i32
          %dma_wait3A_146 = arith.constant 0 : i32
          %dma_wait3A_147 = tpu.memref_slice %arg7[%dma_wait3A_145, %dma_wait3A_146] : memref<10000x128xf32, #tpu.memory_space<vmem_shared>> -> memref<10000x128xf32, #tpu.memory_space<vmem_shared>>
          tpu.wait_indirect_dma semaphore(%run_scoped3A_135 : memref<!tpu.dma_semaphore, #tpu.memory_space<semaphore_mem>>) src(%arg12 : memref<80x128xf32, #tpu.memory_space<vmem>>) dst(%dma_wait3A_147 : memref<10000x128xf32, #tpu.memory_space<vmem_shared>>)
          tpu.yield
        }) : () -> ()
        %eq3A_129 = arith.constant 0 : i32
        %eq3A_130 = arith.cmpi eq, %arg0, %eq3A_129 : i32
        %convert_element_type3A_131 = arith.extui %eq3A_130 : i1 to i32
        %cond3A_132 = arith.constant 0 : i32
        %cond3A_133 = arith.cmpi ne, %convert_element_type3A_131, %cond3A_132 : i32
        scf.if %cond3A_133 {
          "tpu.region"() ({
            %run_scoped3A_135 = tpu.sem_alloc : memref<!tpu.dma_semaphore, #tpu.memory_space<semaphore_mem>>
            %dma_start3A_136 = arith.constant 0 : i32
            %dma_start3A_137 = tpu.memref_slice %arg10[%add3A_128, %dma_start3A_136] : memref<25x80xi32, #tpu.memory_space<vmem>> -> memref<1x80xi32, #tpu.memory_space<vmem>>
            %dma_start3A_138 = tpu.memref_squeeze %dma_start3A_137 : memref<1x80xi32, #tpu.memory_space<vmem>> -> memref<80xi32, #tpu.memory_space<vmem>>
            %dma_start3A_139 = arith.constant 0 : i32
            %dma_start3A_140 = arith.constant 0 : i32
            %dma_start3A_141 = tpu.memref_slice %arg8[%dma_start3A_139, %dma_start3A_140] : memref<10000x16xf32, #tpu.memory_space<vmem_shared>> -> memref<10000x16xf32, #tpu.memory_space<vmem_shared>>
            tpu.enqueue_indirect_dma source(%arg13 : memref<80x16xf32, #tpu.memory_space<vmem>>) target(%dma_start3A_141 : memref<10000x16xf32, #tpu.memory_space<vmem_shared>>) offsets(%dma_start3A_138 : memref<80xi32, #tpu.memory_space<vmem>>) semaphore(%run_scoped3A_135 : memref<!tpu.dma_semaphore, #tpu.memory_space<semaphore_mem>>) {add = true}
            %dma_wait3A_142 = arith.constant 0 : i32
            %dma_wait3A_143 = tpu.memref_slice %arg10[%add3A_128, %dma_wait3A_142] : memref<25x80xi32, #tpu.memory_space<vmem>> -> memref<1x80xi32, #tpu.memory_space<vmem>>
            %dma_wait3A_144 = tpu.memref_squeeze %dma_wait3A_143 : memref<1x80xi32, #tpu.memory_space<vmem>> -> memref<80xi32, #tpu.memory_space<vmem>>
            %dma_wait3A_145 = arith.constant 0 : i32
            %dma_wait3A_146 = arith.constant 0 : i32
            %dma_wait3A_147 = tpu.memref_slice %arg8[%dma_wait3A_145, %dma_wait3A_146] : memref<10000x16xf32, #tpu.memory_space<vmem_shared>> -> memref<10000x16xf32, #tpu.memory_space<vmem_shared>>
            tpu.wait_indirect_dma semaphore(%run_scoped3A_135 : memref<!tpu.dma_semaphore, #tpu.memory_space<semaphore_mem>>) src(%arg13 : memref<80x16xf32, #tpu.memory_space<vmem>>) dst(%dma_wait3A_147 : memref<10000x16xf32, #tpu.memory_space<vmem_shared>>)
            tpu.yield
          }) : () -> ()
        } else {
        }
        %scan3A_134 = arith.constant 0 : i32
        scf.yield %scan3A_134 : i32
      }
      %scan3A_74 = arith.constant 12 : i32
      %dma_start3A_75 = arith.constant 24 : i32
      %dma_start3A_76 = arith.constant 0 : i32
      %dma_start3A_77 = tpu.memref_slice %arg9[%dma_start3A_75, %dma_start3A_76] : memref<25x80xi32, #tpu.memory_space<vmem>> -> memref<1x80xi32, #tpu.memory_space<vmem>>
      %dma_start3A_78 = tpu.memref_squeeze %dma_start3A_77 : memref<1x80xi32, #tpu.memory_space<vmem>> -> memref<80xi32, #tpu.memory_space<vmem>>
      %dma_start3A_79 = arith.constant 0 : i32
      %dma_start3A_80 = arith.constant 0 : i32
      %dma_start3A_81 = tpu.memref_slice %arg2[%dma_start3A_79, %dma_start3A_80] : memref<20000x128xf32, #tpu.memory_space<hbm>> -> memref<20000x128xf32, #tpu.memory_space<hbm>>
      tpu.enqueue_indirect_dma source(%dma_start3A_81 : memref<20000x128xf32, #tpu.memory_space<hbm>>) target(%arg11 : memref<80x128xf32, #tpu.memory_space<vmem>>) offsets(%dma_start3A_78 : memref<80xi32, #tpu.memory_space<vmem>>) semaphore(%arg15 : memref<!tpu.dma_semaphore, #tpu.memory_space<semaphore_mem>>)
      %dma_wait3A = arith.constant 0 : i32
      %dma_wait3A_82 = arith.constant 0 : i32
      %dma_wait3A_83 = tpu.memref_slice %arg9[%dma_wait3A, %dma_wait3A_82] : memref<25x80xi32, #tpu.memory_space<vmem>> -> memref<1x80xi32, #tpu.memory_space<vmem>>
      %dma_wait3A_84 = tpu.memref_squeeze %dma_wait3A_83 : memref<1x80xi32, #tpu.memory_space<vmem>> -> memref<80xi32, #tpu.memory_space<vmem>>
      %dma_wait3A_85 = arith.constant 0 : i32
      %dma_wait3A_86 = arith.constant 0 : i32
      %dma_wait3A_87 = tpu.memref_slice %arg2[%dma_wait3A_85, %dma_wait3A_86] : memref<20000x128xf32, #tpu.memory_space<hbm>> -> memref<20000x128xf32, #tpu.memory_space<hbm>>
      tpu.wait_indirect_dma semaphore(%arg15 : memref<!tpu.dma_semaphore, #tpu.memory_space<semaphore_mem>>) src(%dma_wait3A_87 : memref<20000x128xf32, #tpu.memory_space<hbm>>) dst(%arg11 : memref<80x128xf32, #tpu.memory_space<vmem>>)
      %run_scoped3A = arith.constant 24 : i32
      "tpu.region"() ({
        %run_scoped3A_92 = tpu.sem_alloc : memref<!tpu.dma_semaphore, #tpu.memory_space<semaphore_mem>>
        %dma_start3A_93 = arith.constant 0 : i32
        %dma_start3A_94 = tpu.memref_slice %arg10[%run_scoped3A, %dma_start3A_93] : memref<25x80xi32, #tpu.memory_space<vmem>> -> memref<1x80xi32, #tpu.memory_space<vmem>>
        %dma_start3A_95 = tpu.memref_squeeze %dma_start3A_94 : memref<1x80xi32, #tpu.memory_space<vmem>> -> memref<80xi32, #tpu.memory_space<vmem>>
        %dma_start3A_96 = arith.constant 0 : i32
        %dma_start3A_97 = arith.constant 0 : i32
        %dma_start3A_98 = tpu.memref_slice %arg7[%dma_start3A_96, %dma_start3A_97] : memref<10000x128xf32, #tpu.memory_space<vmem_shared>> -> memref<10000x128xf32, #tpu.memory_space<vmem_shared>>
        tpu.enqueue_indirect_dma source(%arg11 : memref<80x128xf32, #tpu.memory_space<vmem>>) target(%dma_start3A_98 : memref<10000x128xf32, #tpu.memory_space<vmem_shared>>) offsets(%dma_start3A_95 : memref<80xi32, #tpu.memory_space<vmem>>) semaphore(%run_scoped3A_92 : memref<!tpu.dma_semaphore, #tpu.memory_space<semaphore_mem>>) {add = true}
        %dma_wait3A_99 = arith.constant 0 : i32
        %dma_wait3A_100 = tpu.memref_slice %arg10[%run_scoped3A, %dma_wait3A_99] : memref<25x80xi32, #tpu.memory_space<vmem>> -> memref<1x80xi32, #tpu.memory_space<vmem>>
        %dma_wait3A_101 = tpu.memref_squeeze %dma_wait3A_100 : memref<1x80xi32, #tpu.memory_space<vmem>> -> memref<80xi32, #tpu.memory_space<vmem>>
        %dma_wait3A_102 = arith.constant 0 : i32
        %dma_wait3A_103 = arith.constant 0 : i32
        %dma_wait3A_104 = tpu.memref_slice %arg7[%dma_wait3A_102, %dma_wait3A_103] : memref<10000x128xf32, #tpu.memory_space<vmem_shared>> -> memref<10000x128xf32, #tpu.memory_space<vmem_shared>>
        tpu.wait_indirect_dma semaphore(%run_scoped3A_92 : memref<!tpu.dma_semaphore, #tpu.memory_space<semaphore_mem>>) src(%arg11 : memref<80x128xf32, #tpu.memory_space<vmem>>) dst(%dma_wait3A_104 : memref<10000x128xf32, #tpu.memory_space<vmem_shared>>)
        tpu.yield
      }) : () -> ()
      %eq3A_88 = arith.constant 0 : i32
      %eq3A_89 = arith.cmpi eq, %arg0, %eq3A_88 : i32
      %convert_element_type3A = arith.extui %eq3A_89 : i1 to i32
      %cond3A = arith.constant 0 : i32
      %cond3A_90 = arith.cmpi ne, %convert_element_type3A, %cond3A : i32
      scf.if %cond3A_90 {
        %run_scoped3A_92 = arith.constant 24 : i32
        "tpu.region"() ({
          %run_scoped3A_93 = tpu.sem_alloc : memref<!tpu.dma_semaphore, #tpu.memory_space<semaphore_mem>>
          %dma_start3A_94 = arith.constant 0 : i32
          %dma_start3A_95 = tpu.memref_slice %arg10[%run_scoped3A_92, %dma_start3A_94] : memref<25x80xi32, #tpu.memory_space<vmem>> -> memref<1x80xi32, #tpu.memory_space<vmem>>
          %dma_start3A_96 = tpu.memref_squeeze %dma_start3A_95 : memref<1x80xi32, #tpu.memory_space<vmem>> -> memref<80xi32, #tpu.memory_space<vmem>>
          %dma_start3A_97 = arith.constant 0 : i32
          %dma_start3A_98 = arith.constant 0 : i32
          %dma_start3A_99 = tpu.memref_slice %arg8[%dma_start3A_97, %dma_start3A_98] : memref<10000x16xf32, #tpu.memory_space<vmem_shared>> -> memref<10000x16xf32, #tpu.memory_space<vmem_shared>>
          tpu.enqueue_indirect_dma source(%arg13 : memref<80x16xf32, #tpu.memory_space<vmem>>) target(%dma_start3A_99 : memref<10000x16xf32, #tpu.memory_space<vmem_shared>>) offsets(%dma_start3A_96 : memref<80xi32, #tpu.memory_space<vmem>>) semaphore(%run_scoped3A_93 : memref<!tpu.dma_semaphore, #tpu.memory_space<semaphore_mem>>) {add = true}
          %dma_wait3A_100 = arith.constant 0 : i32
          %dma_wait3A_101 = tpu.memref_slice %arg10[%run_scoped3A_92, %dma_wait3A_100] : memref<25x80xi32, #tpu.memory_space<vmem>> -> memref<1x80xi32, #tpu.memory_space<vmem>>
          %dma_wait3A_102 = tpu.memref_squeeze %dma_wait3A_101 : memref<1x80xi32, #tpu.memory_space<vmem>> -> memref<80xi32, #tpu.memory_space<vmem>>
          %dma_wait3A_103 = arith.constant 0 : i32
          %dma_wait3A_104 = arith.constant 0 : i32
          %dma_wait3A_105 = tpu.memref_slice %arg8[%dma_wait3A_103, %dma_wait3A_104] : memref<10000x16xf32, #tpu.memory_space<vmem_shared>> -> memref<10000x16xf32, #tpu.memory_space<vmem_shared>>
          tpu.wait_indirect_dma semaphore(%run_scoped3A_93 : memref<!tpu.dma_semaphore, #tpu.memory_space<semaphore_mem>>) src(%arg13 : memref<80x16xf32, #tpu.memory_space<vmem>>) dst(%dma_wait3A_105 : memref<10000x16xf32, #tpu.memory_space<vmem_shared>>)
          tpu.yield
        }) : () -> ()
      } else {
      }
      %scan3A_91 = arith.constant 0 : i32
      scf.yield %scan3A_91 : i32
    }
    %scan3A_41 = arith.constant 5 : i32
    %barrier3A_42 = arith.constant 0 : index
    tpu.barrier barrier_id(%barrier3A_42)
    %scan3A_43 = arith.constant 0 : i32
    %scan3A_44 = arith.constant 0 : i32
    %scan3A_45 = arith.constant 8 : i32
    %scan3A_46 = arith.addi %scan3A_44, %scan3A_45 : i32
    %scan3A_47 = arith.constant 1 : i32
    %scan3A_48 = scf.for %scan3A_50 = %scan3A_44 to %scan3A_46 step %scan3A_47 iter_args(%scan3A_51 = %scan3A_43) -> (i32)  : i32 {
      %mul3A = arith.constant 16 : i32
      %mul3A_52 = arith.muli %scan3A_50, %mul3A : i32
      %add3A = arith.addi %arg1, %mul3A_52 : i32
      %lt3A = arith.constant 125 : i32
      %lt3A_53 = arith.cmpi slt, %add3A, %lt3A : i32
      %convert_element_type3A = arith.extui %lt3A_53 : i1 to i32
      %cond3A = arith.constant 0 : i32
      %cond3A_54 = arith.cmpi ne, %convert_element_type3A, %cond3A : i32
      scf.if %cond3A_54 {
        %mul3A_56 = arith.constant 80 : i32
        %mul3A_57 = arith.muli %add3A, %mul3A_56 : i32
        "tpu.region"() ({
          %run_scoped3A = tpu.sem_alloc : memref<!tpu.dma_semaphore, #tpu.memory_space<semaphore_mem>>
          %dma_start3A = arith.constant 0 : i32
          %dma_start3A_63 = arith.constant 0 : i32
          %dma_start3A_64 = tpu.memref_slice %arg11[%dma_start3A, %dma_start3A_63] : memref<80x128xf32, #tpu.memory_space<vmem>> -> memref<80x128xf32, #tpu.memory_space<vmem>>
          %dma_start3A_65 = arith.constant 0 : i32
          %dma_start3A_66 = tpu.memref_slice %arg7[%mul3A_57, %dma_start3A_65] : memref<10000x128xf32, #tpu.memory_space<vmem_shared>> -> memref<80x128xf32, #tpu.memory_space<vmem_shared>>
          %dma_start3A_67 = arith.constant 0 : i32
          %dma_start3A_68 = arith.constant 0 : i32
          %dma_start3A_69 = tpu.memref_slice %arg11[%dma_start3A_67, %dma_start3A_68] : memref<80x128xf32, #tpu.memory_space<vmem>> -> memref<80x128xf32, #tpu.memory_space<vmem>>
          %dma_start3A_70 = arith.constant 0 : i32
          %dma_start3A_71 = tpu.memref_slice %arg7[%mul3A_57, %dma_start3A_70] : memref<10000x128xf32, #tpu.memory_space<vmem_shared>> -> memref<80x128xf32, #tpu.memory_space<vmem_shared>>
          tpu.enqueue_dma source(%dma_start3A_71 : memref<80x128xf32, #tpu.memory_space<vmem_shared>>) target(%dma_start3A_69 : memref<80x128xf32, #tpu.memory_space<vmem>>) target_semaphore(%run_scoped3A : memref<!tpu.dma_semaphore, #tpu.memory_space<semaphore_mem>>)
          %dma_wait3A = arith.constant 0 : i32
          %dma_wait3A_72 = arith.constant 0 : i32
          %dma_wait3A_73 = tpu.memref_slice %arg11[%dma_wait3A, %dma_wait3A_72] : memref<80x128xf32, #tpu.memory_space<vmem>> -> memref<80x128xf32, #tpu.memory_space<vmem>>
          %dma_wait3A_74 = arith.constant 0 : i32
          %dma_wait3A_75 = tpu.memref_slice %arg7[%mul3A_57, %dma_wait3A_74] : memref<10000x128xf32, #tpu.memory_space<vmem_shared>> -> memref<80x128xf32, #tpu.memory_space<vmem_shared>>
          %dma_wait3A_76 = arith.constant 0 : i32
          %dma_wait3A_77 = arith.constant 0 : i32
          %dma_wait3A_78 = tpu.memref_slice %arg11[%dma_wait3A_76, %dma_wait3A_77] : memref<80x128xf32, #tpu.memory_space<vmem>> -> memref<80x128xf32, #tpu.memory_space<vmem>>
          %dma_wait3A_79 = arith.constant 0 : i32
          %dma_wait3A_80 = tpu.memref_slice %arg7[%mul3A_57, %dma_wait3A_79] : memref<10000x128xf32, #tpu.memory_space<vmem_shared>> -> memref<80x128xf32, #tpu.memory_space<vmem_shared>>
          tpu.wait_dma2 semaphore(%run_scoped3A : memref<!tpu.dma_semaphore, #tpu.memory_space<semaphore_mem>>) src(%dma_wait3A_80 : memref<80x128xf32, #tpu.memory_space<vmem_shared>>) dst(%dma_wait3A_78 : memref<80x128xf32, #tpu.memory_space<vmem>>)
          tpu.yield
        }) : () -> ()
        "tpu.region"() ({
          %run_scoped3A = tpu.sem_alloc : memref<!tpu.dma_semaphore, #tpu.memory_space<semaphore_mem>>
          %dma_start3A = arith.constant 0 : i32
          %dma_start3A_63 = arith.constant 0 : i32
          %dma_start3A_64 = tpu.memref_slice %arg11[%dma_start3A, %dma_start3A_63] : memref<80x128xf32, #tpu.memory_space<vmem>> -> memref<80x128xf32, #tpu.memory_space<vmem>>
          %dma_start3A_65 = arith.constant 0 : i32
          %dma_start3A_66 = tpu.memref_slice %arg5[%arg0, %mul3A_57, %dma_start3A_65] : memref<2x10000x128xf32, #tpu.memory_space<hbm>> -> memref<1x80x128xf32, #tpu.memory_space<hbm>>
          %dma_start3A_67 = tpu.memref_squeeze %dma_start3A_66 : memref<1x80x128xf32, #tpu.memory_space<hbm>> -> memref<80x128xf32, #tpu.memory_space<hbm>>
          %dma_start3A_68 = arith.constant 0 : i32
          %dma_start3A_69 = tpu.memref_slice %arg5[%arg0, %mul3A_57, %dma_start3A_68] : memref<2x10000x128xf32, #tpu.memory_space<hbm>> -> memref<1x80x128xf32, #tpu.memory_space<hbm>>
          %dma_start3A_70 = tpu.memref_squeeze %dma_start3A_69 : memref<1x80x128xf32, #tpu.memory_space<hbm>> -> memref<80x128xf32, #tpu.memory_space<hbm>>
          %dma_start3A_71 = arith.constant 0 : i32
          %dma_start3A_72 = arith.constant 0 : i32
          %dma_start3A_73 = tpu.memref_slice %arg11[%dma_start3A_71, %dma_start3A_72] : memref<80x128xf32, #tpu.memory_space<vmem>> -> memref<80x128xf32, #tpu.memory_space<vmem>>
          tpu.enqueue_dma source(%dma_start3A_73 : memref<80x128xf32, #tpu.memory_space<vmem>>) target(%dma_start3A_70 : memref<80x128xf32, #tpu.memory_space<hbm>>) target_semaphore(%run_scoped3A : memref<!tpu.dma_semaphore, #tpu.memory_space<semaphore_mem>>)
          %dma_wait3A = arith.constant 0 : i32
          %dma_wait3A_74 = arith.constant 0 : i32
          %dma_wait3A_75 = tpu.memref_slice %arg11[%dma_wait3A, %dma_wait3A_74] : memref<80x128xf32, #tpu.memory_space<vmem>> -> memref<80x128xf32, #tpu.memory_space<vmem>>
          %dma_wait3A_76 = arith.constant 0 : i32
          %dma_wait3A_77 = tpu.memref_slice %arg5[%arg0, %mul3A_57, %dma_wait3A_76] : memref<2x10000x128xf32, #tpu.memory_space<hbm>> -> memref<1x80x128xf32, #tpu.memory_space<hbm>>
          %dma_wait3A_78 = tpu.memref_squeeze %dma_wait3A_77 : memref<1x80x128xf32, #tpu.memory_space<hbm>> -> memref<80x128xf32, #tpu.memory_space<hbm>>
          %dma_wait3A_79 = arith.constant 0 : i32
          %dma_wait3A_80 = tpu.memref_slice %arg5[%arg0, %mul3A_57, %dma_wait3A_79] : memref<2x10000x128xf32, #tpu.memory_space<hbm>> -> memref<1x80x128xf32, #tpu.memory_space<hbm>>
          %dma_wait3A_81 = tpu.memref_squeeze %dma_wait3A_80 : memref<1x80x128xf32, #tpu.memory_space<hbm>> -> memref<80x128xf32, #tpu.memory_space<hbm>>
          %dma_wait3A_82 = arith.constant 0 : i32
          %dma_wait3A_83 = arith.constant 0 : i32
          %dma_wait3A_84 = tpu.memref_slice %arg11[%dma_wait3A_82, %dma_wait3A_83] : memref<80x128xf32, #tpu.memory_space<vmem>> -> memref<80x128xf32, #tpu.memory_space<vmem>>
          tpu.wait_dma2 semaphore(%run_scoped3A : memref<!tpu.dma_semaphore, #tpu.memory_space<semaphore_mem>>) src(%dma_wait3A_84 : memref<80x128xf32, #tpu.memory_space<vmem>>) dst(%dma_wait3A_81 : memref<80x128xf32, #tpu.memory_space<hbm>>)
          tpu.yield
        }) : () -> ()
        %eq3A_58 = arith.constant 0 : i32
        %eq3A_59 = arith.cmpi eq, %arg0, %eq3A_58 : i32
        %convert_element_type3A_60 = arith.extui %eq3A_59 : i1 to i32
        %cond3A_61 = arith.constant 0 : i32
        %cond3A_62 = arith.cmpi ne, %convert_element_type3A_60, %cond3A_61 : i32
        scf.if %cond3A_62 {
          "tpu.region"() ({
            %run_scoped3A = tpu.sem_alloc : memref<!tpu.dma_semaphore, #tpu.memory_space<semaphore_mem>>
            %dma_start3A = arith.constant 0 : i32
            %dma_start3A_63 = tpu.memref_slice %arg8[%mul3A_57, %dma_start3A] : memref<10000x16xf32, #tpu.memory_space<vmem_shared>> -> memref<80x16xf32, #tpu.memory_space<vmem_shared>>
            %dma_start3A_64 = arith.constant 0 : i32
            %dma_start3A_65 = tpu.memref_slice %arg8[%mul3A_57, %dma_start3A_64] : memref<10000x16xf32, #tpu.memory_space<vmem_shared>> -> memref<80x16xf32, #tpu.memory_space<vmem_shared>>
            tpu.enqueue_dma source(%dma_start3A_65 : memref<80x16xf32, #tpu.memory_space<vmem_shared>>) target(%arg14 : memref<80x16xf32, #tpu.memory_space<vmem>>) target_semaphore(%run_scoped3A : memref<!tpu.dma_semaphore, #tpu.memory_space<semaphore_mem>>)
            %dma_wait3A = arith.constant 0 : i32
            %dma_wait3A_66 = tpu.memref_slice %arg8[%mul3A_57, %dma_wait3A] : memref<10000x16xf32, #tpu.memory_space<vmem_shared>> -> memref<80x16xf32, #tpu.memory_space<vmem_shared>>
            %dma_wait3A_67 = arith.constant 0 : i32
            %dma_wait3A_68 = tpu.memref_slice %arg8[%mul3A_57, %dma_wait3A_67] : memref<10000x16xf32, #tpu.memory_space<vmem_shared>> -> memref<80x16xf32, #tpu.memory_space<vmem_shared>>
            tpu.wait_dma2 semaphore(%run_scoped3A : memref<!tpu.dma_semaphore, #tpu.memory_space<semaphore_mem>>) src(%dma_wait3A_68 : memref<80x16xf32, #tpu.memory_space<vmem_shared>>) dst(%arg14 : memref<80x16xf32, #tpu.memory_space<vmem>>)
            tpu.yield
          }) : () -> ()
          "tpu.region"() ({
            %run_scoped3A = tpu.sem_alloc : memref<!tpu.dma_semaphore, #tpu.memory_space<semaphore_mem>>
            %dma_start3A = arith.constant 0 : i32
            %dma_start3A_63 = tpu.memref_slice %arg6[%mul3A_57, %dma_start3A] : memref<10000x16xf32, #tpu.memory_space<hbm>> -> memref<80x16xf32, #tpu.memory_space<hbm>>
            %dma_start3A_64 = arith.constant 0 : i32
            %dma_start3A_65 = tpu.memref_slice %arg6[%mul3A_57, %dma_start3A_64] : memref<10000x16xf32, #tpu.memory_space<hbm>> -> memref<80x16xf32, #tpu.memory_space<hbm>>
            tpu.enqueue_dma source(%arg14 : memref<80x16xf32, #tpu.memory_space<vmem>>) target(%dma_start3A_65 : memref<80x16xf32, #tpu.memory_space<hbm>>) target_semaphore(%run_scoped3A : memref<!tpu.dma_semaphore, #tpu.memory_space<semaphore_mem>>)
            %dma_wait3A = arith.constant 0 : i32
            %dma_wait3A_66 = tpu.memref_slice %arg6[%mul3A_57, %dma_wait3A] : memref<10000x16xf32, #tpu.memory_space<hbm>> -> memref<80x16xf32, #tpu.memory_space<hbm>>
            %dma_wait3A_67 = arith.constant 0 : i32
            %dma_wait3A_68 = tpu.memref_slice %arg6[%mul3A_57, %dma_wait3A_67] : memref<10000x16xf32, #tpu.memory_space<hbm>> -> memref<80x16xf32, #tpu.memory_space<hbm>>
            tpu.wait_dma2 semaphore(%run_scoped3A : memref<!tpu.dma_semaphore, #tpu.memory_space<semaphore_mem>>) src(%arg14 : memref<80x16xf32, #tpu.memory_space<vmem>>) dst(%dma_wait3A_68 : memref<80x16xf32, #tpu.memory_space<hbm>>)
            tpu.yield
          }) : () -> ()
        } else {
        }
      } else {
      }
      %scan3A_55 = arith.constant 0 : i32
      scf.yield %scan3A_55 : i32
    }
    %scan3A_49 = arith.constant 8 : i32
    return
  }
}

#map = affine_map<(d0, d1) -> (0, 0)>
#map1 = affine_map<(d0, d1) -> (0)>
#map2 = affine_map<(d0, d1) -> (0, 0, 0)>
module attributes {stable_mosaic.version = 14 : i64} {
  func.func @_sc_segsum2(%arg0: i32, %arg1: i32, %arg2: memref<20000x64xf32, #tpu.memory_space<hbm>>, %arg3: memref<1250x128xi32, #tpu.memory_space<hbm>>, %arg4: memref<1250x128xi32, #tpu.memory_space<hbm>>, %arg5: memref<1024xi32, #tpu.memory_space<hbm>>, %arg6: memref<2x1024x64xf32, #tpu.memory_space<hbm>>, %arg7: memref<2x1024x16xf32, #tpu.memory_space<hbm>>, %arg8: memref<1024x64xf32, #tpu.memory_space<hbm>>, %arg9: memref<10000x64xf32, #tpu.memory_space<vmem_shared>>, %arg10: memref<10000x16xf32, #tpu.memory_space<vmem_shared>>, %arg11: memref<40x128xi32, #tpu.memory_space<vmem>>, %arg12: memref<40x128xi32, #tpu.memory_space<vmem>>, %arg13: memref<128x64xf32, #tpu.memory_space<vmem>>, %arg14: memref<128x64xf32, #tpu.memory_space<vmem>>, %arg15: memref<128x16xf32, #tpu.memory_space<vmem>>, %arg16: memref<80x16xf32, #tpu.memory_space<vmem>>, %arg17: memref<64xi32, #tpu.memory_space<vmem>>, %arg18: memref<64x64xf32, #tpu.memory_space<vmem>>, %arg19: memref<64x16xf32, #tpu.memory_space<vmem>>, %arg20: memref<32xi32, #tpu.memory_space<vmem>>, %arg21: memref<32x64xf32, #tpu.memory_space<vmem>>, %arg22: memref<!tpu.dma_semaphore, #tpu.memory_space<semaphore_mem>>, %arg23: memref<!tpu.dma_semaphore, #tpu.memory_space<semaphore_mem>>) attributes {dimension_semantics = [#tpu.dimension_semantics<core_parallel>, #tpu.dimension_semantics<subcore_parallel>], iteration_bounds = array<i64: 2, 16>, scalar_prefetch = 0 : i64, scratch_operands = 15 : i64, tpu.core_type = #tpu.core_type<sc_vector_subcore>, window_params = [{transform_indices = #map}, {transform_indices = #map}, {transform_indices = #map}, {transform_indices = #map1}, {transform_indices = #map2}, {transform_indices = #map2}, {transform_indices = #map}]} {
    %broadcast_in_dim3A = arith.constant 0.000000e+00 : f32
    %broadcast_in_dim3A_0 = vector.broadcast %broadcast_in_dim3A : f32 to vector<16xf32>
    %scan3A = arith.constant 0 : i32
    %scan3A_1 = arith.constant 0 : i32
    %scan3A_2 = arith.constant 80 : i32
    %scan3A_3 = arith.addi %scan3A_1, %scan3A_2 : i32
    %scan3A_4 = arith.constant 1 : i32
    %scan3A_5 = scf.for %scan3A_139 = %scan3A_1 to %scan3A_3 step %scan3A_4 iter_args(%scan3A_140 = %scan3A) -> (i32)  : i32 {
      %swap3A_141 = arith.index_cast %scan3A_139 : i32 to index
      %swap3A_142 = arith.constant 0 : index
      %swap3A_143 = tpu.vector_load %arg13[%swap3A_141, %swap3A_142] {strides = array<i32>} : memref<128x64xf32, #tpu.memory_space<vmem>>, vector<1x16xf32>,
      %swap3A_144 = vector.shape_cast %swap3A_143 : vector<1x16xf32> to vector<16xf32>
      %swap3A_145 = vector.shape_cast %broadcast_in_dim3A_0 : vector<16xf32> to vector<1x16xf32>
      tpu.vector_store %arg13[%swap3A_141, %swap3A_142], %swap3A_145 {strides = array<i32>} : memref<128x64xf32, #tpu.memory_space<vmem>>, vector<1x16xf32>,
      %swap3A_146 = arith.index_cast %scan3A_139 : i32 to index
      %swap3A_147 = arith.constant 16 : index
      %swap3A_148 = tpu.vector_load %arg13[%swap3A_146, %swap3A_147] {strides = array<i32>} : memref<128x64xf32, #tpu.memory_space<vmem>>, vector<1x16xf32>,
      %swap3A_149 = vector.shape_cast %swap3A_148 : vector<1x16xf32> to vector<16xf32>
      %swap3A_150 = vector.shape_cast %broadcast_in_dim3A_0 : vector<16xf32> to vector<1x16xf32>
      tpu.vector_store %arg13[%swap3A_146, %swap3A_147], %swap3A_150 {strides = array<i32>} : memref<128x64xf32, #tpu.memory_space<vmem>>, vector<1x16xf32>,
      %swap3A_151 = arith.index_cast %scan3A_139 : i32 to index
      %swap3A_152 = arith.constant 32 : index
      %swap3A_153 = tpu.vector_load %arg13[%swap3A_151, %swap3A_152] {strides = array<i32>} : memref<128x64xf32, #tpu.memory_space<vmem>>, vector<1x16xf32>,
      %swap3A_154 = vector.shape_cast %swap3A_153 : vector<1x16xf32> to vector<16xf32>
      %swap3A_155 = vector.shape_cast %broadcast_in_dim3A_0 : vector<16xf32> to vector<1x16xf32>
      tpu.vector_store %arg13[%swap3A_151, %swap3A_152], %swap3A_155 {strides = array<i32>} : memref<128x64xf32, #tpu.memory_space<vmem>>, vector<1x16xf32>,
      %swap3A_156 = arith.index_cast %scan3A_139 : i32 to index
      %swap3A_157 = arith.constant 48 : index
      %swap3A_158 = tpu.vector_load %arg13[%swap3A_156, %swap3A_157] {strides = array<i32>} : memref<128x64xf32, #tpu.memory_space<vmem>>, vector<1x16xf32>,
      %swap3A_159 = vector.shape_cast %swap3A_158 : vector<1x16xf32> to vector<16xf32>
      %swap3A_160 = vector.shape_cast %broadcast_in_dim3A_0 : vector<16xf32> to vector<1x16xf32>
      tpu.vector_store %arg13[%swap3A_156, %swap3A_157], %swap3A_160 {strides = array<i32>} : memref<128x64xf32, #tpu.memory_space<vmem>>, vector<1x16xf32>,
      %scan3A_161 = arith.constant 0 : i32
      scf.yield %scan3A_161 : i32
    }
    %scan3A_6 = arith.constant 80 : i32
    %broadcast_in_dim3A_7 = arith.constant 0.000000e+00 : f32
    %broadcast_in_dim3A_8 = vector.broadcast %broadcast_in_dim3A_7 : f32 to vector<16xf32>
    %scan3A_9 = arith.constant 0 : i32
    %scan3A_10 = arith.constant 0 : i32
    %scan3A_11 = arith.constant 80 : i32
    %scan3A_12 = arith.addi %scan3A_10, %scan3A_11 : i32
    %scan3A_13 = arith.constant 1 : i32
    %scan3A_14 = scf.for %scan3A_139 = %scan3A_10 to %scan3A_12 step %scan3A_13 iter_args(%scan3A_140 = %scan3A_9) -> (i32)  : i32 {
      %swap3A_141 = arith.index_cast %scan3A_139 : i32 to index
      %swap3A_142 = arith.constant 0 : index
      %swap3A_143 = tpu.vector_load %arg16[%swap3A_141, %swap3A_142] {strides = array<i32>} : memref<80x16xf32, #tpu.memory_space<vmem>>, vector<1x16xf32>,
      %swap3A_144 = vector.shape_cast %swap3A_143 : vector<1x16xf32> to vector<16xf32>
      %swap3A_145 = vector.shape_cast %broadcast_in_dim3A_8 : vector<16xf32> to vector<1x16xf32>
      tpu.vector_store %arg16[%swap3A_141, %swap3A_142], %swap3A_145 {strides = array<i32>} : memref<80x16xf32, #tpu.memory_space<vmem>>, vector<1x16xf32>,
      %scan3A_146 = arith.constant 0 : i32
      scf.yield %scan3A_146 : i32
    }
    %scan3A_15 = arith.constant 80 : i32
    %scan3A_16 = arith.constant 0 : i32
    %scan3A_17 = arith.constant 0 : i32
    %scan3A_18 = arith.constant 8 : i32
    %scan3A_19 = arith.addi %scan3A_17, %scan3A_18 : i32
    %scan3A_20 = arith.constant 1 : i32
    %scan3A_21 = scf.for %scan3A_139 = %scan3A_17 to %scan3A_19 step %scan3A_20 iter_args(%scan3A_140 = %scan3A_16) -> (i32)  : i32 {
      %mul3A_141 = arith.constant 16 : i32
      %mul3A_142 = arith.muli %scan3A_139, %mul3A_141 : i32
      %add3A_143 = arith.addi %arg1, %mul3A_142 : i32
      %lt3A_144 = arith.constant 125 : i32
      %lt3A_145 = arith.cmpi slt, %add3A_143, %lt3A_144 : i32
      %convert_element_type3A_146 = arith.extui %lt3A_145 : i1 to i32
      %cond3A_147 = arith.constant 0 : i32
      %cond3A_148 = arith.cmpi ne, %convert_element_type3A_146, %cond3A_147 : i32
      scf.if %cond3A_148 {
        %mul3A_150 = arith.constant 80 : i32
        %mul3A_151 = arith.muli %add3A_143, %mul3A_150 : i32
        "tpu.region"() ({
          %run_scoped3A_152 = tpu.sem_alloc : memref<!tpu.dma_semaphore, #tpu.memory_space<semaphore_mem>>
          %dma_start3A_153 = arith.constant 0 : i32
          %dma_start3A_154 = arith.constant 0 : i32
          %dma_start3A_155 = tpu.memref_slice %arg13[%dma_start3A_153, %dma_start3A_154] : memref<128x64xf32, #tpu.memory_space<vmem>> -> memref<80x64xf32, #tpu.memory_space<vmem>>
          %dma_start3A_156 = arith.constant 0 : i32
          %dma_start3A_157 = tpu.memref_slice %arg9[%mul3A_151, %dma_start3A_156] : memref<10000x64xf32, #tpu.memory_space<vmem_shared>> -> memref<80x64xf32, #tpu.memory_space<vmem_shared>>
          %dma_start3A_158 = arith.constant 0 : i32
          %dma_start3A_159 = tpu.memref_slice %arg9[%mul3A_151, %dma_start3A_158] : memref<10000x64xf32, #tpu.memory_space<vmem_shared>> -> memref<80x64xf32, #tpu.memory_space<vmem_shared>>
          %dma_start3A_160 = arith.constant 0 : i32
          %dma_start3A_161 = arith.constant 0 : i32
          %dma_start3A_162 = tpu.memref_slice %arg13[%dma_start3A_160, %dma_start3A_161] : memref<128x64xf32, #tpu.memory_space<vmem>> -> memref<80x64xf32, #tpu.memory_space<vmem>>
          tpu.enqueue_dma source(%dma_start3A_162 : memref<80x64xf32, #tpu.memory_space<vmem>>) target(%dma_start3A_159 : memref<80x64xf32, #tpu.memory_space<vmem_shared>>) target_semaphore(%run_scoped3A_152 : memref<!tpu.dma_semaphore, #tpu.memory_space<semaphore_mem>>)
          %dma_wait3A_163 = arith.constant 0 : i32
          %dma_wait3A_164 = arith.constant 0 : i32
          %dma_wait3A_165 = tpu.memref_slice %arg13[%dma_wait3A_163, %dma_wait3A_164] : memref<128x64xf32, #tpu.memory_space<vmem>> -> memref<80x64xf32, #tpu.memory_space<vmem>>
          %dma_wait3A_166 = arith.constant 0 : i32
          %dma_wait3A_167 = tpu.memref_slice %arg9[%mul3A_151, %dma_wait3A_166] : memref<10000x64xf32, #tpu.memory_space<vmem_shared>> -> memref<80x64xf32, #tpu.memory_space<vmem_shared>>
          %dma_wait3A_168 = arith.constant 0 : i32
          %dma_wait3A_169 = tpu.memref_slice %arg9[%mul3A_151, %dma_wait3A_168] : memref<10000x64xf32, #tpu.memory_space<vmem_shared>> -> memref<80x64xf32, #tpu.memory_space<vmem_shared>>
          %dma_wait3A_170 = arith.constant 0 : i32
          %dma_wait3A_171 = arith.constant 0 : i32
          %dma_wait3A_172 = tpu.memref_slice %arg13[%dma_wait3A_170, %dma_wait3A_171] : memref<128x64xf32, #tpu.memory_space<vmem>> -> memref<80x64xf32, #tpu.memory_space<vmem>>
          tpu.wait_dma2 semaphore(%run_scoped3A_152 : memref<!tpu.dma_semaphore, #tpu.memory_space<semaphore_mem>>) src(%dma_wait3A_172 : memref<80x64xf32, #tpu.memory_space<vmem>>) dst(%dma_wait3A_169 : memref<80x64xf32, #tpu.memory_space<vmem_shared>>)
          tpu.yield
        }) : () -> ()
        "tpu.region"() ({
          %run_scoped3A_152 = tpu.sem_alloc : memref<!tpu.dma_semaphore, #tpu.memory_space<semaphore_mem>>
          %dma_start3A_153 = arith.constant 0 : i32
          %dma_start3A_154 = tpu.memref_slice %arg10[%mul3A_151, %dma_start3A_153] : memref<10000x16xf32, #tpu.memory_space<vmem_shared>> -> memref<80x16xf32, #tpu.memory_space<vmem_shared>>
          %dma_start3A_155 = arith.constant 0 : i32
          %dma_start3A_156 = tpu.memref_slice %arg10[%mul3A_151, %dma_start3A_155] : memref<10000x16xf32, #tpu.memory_space<vmem_shared>> -> memref<80x16xf32, #tpu.memory_space<vmem_shared>>
          tpu.enqueue_dma source(%arg16 : memref<80x16xf32, #tpu.memory_space<vmem>>) target(%dma_start3A_156 : memref<80x16xf32, #tpu.memory_space<vmem_shared>>) target_semaphore(%run_scoped3A_152 : memref<!tpu.dma_semaphore, #tpu.memory_space<semaphore_mem>>)
          %dma_wait3A_157 = arith.constant 0 : i32
          %dma_wait3A_158 = tpu.memref_slice %arg10[%mul3A_151, %dma_wait3A_157] : memref<10000x16xf32, #tpu.memory_space<vmem_shared>> -> memref<80x16xf32, #tpu.memory_space<vmem_shared>>
          %dma_wait3A_159 = arith.constant 0 : i32
          %dma_wait3A_160 = tpu.memref_slice %arg10[%mul3A_151, %dma_wait3A_159] : memref<10000x16xf32, #tpu.memory_space<vmem_shared>> -> memref<80x16xf32, #tpu.memory_space<vmem_shared>>
          tpu.wait_dma2 semaphore(%run_scoped3A_152 : memref<!tpu.dma_semaphore, #tpu.memory_space<semaphore_mem>>) src(%arg16 : memref<80x16xf32, #tpu.memory_space<vmem>>) dst(%dma_wait3A_160 : memref<80x16xf32, #tpu.memory_space<vmem_shared>>)
          tpu.yield
        }) : () -> ()
      } else {
      }
      %scan3A_149 = arith.constant 0 : i32
      scf.yield %scan3A_149 : i32
    }
    %scan3A_22 = arith.constant 8 : i32
    %iota3A = tpu.iota {dimensions = array<i32: 0>} : vector<16xi32>
    %eq3A = arith.constant 0 : i32
    %eq3A_23 = vector.broadcast %eq3A : i32 to vector<16xi32>
    %eq3A_24 = arith.cmpi eq, %iota3A, %eq3A_23 : vector<16xi32>
    %jit3A = arith.constant 1.000000e+00 : f32
    %jit3A_25 = arith.constant 0.000000e+00 : f32
    %broadcast_in_dim3A_26 = vector.broadcast %jit3A : f32 to vector<16xf32>
    %broadcast_in_dim3A_27 = vector.broadcast %jit3A_25 : f32 to vector<16xf32>
    %select_n3A = arith.select %eq3A_24, %broadcast_in_dim3A_26, %broadcast_in_dim3A_27 : vector<16xi1>, vector<16xf32>
    %scan3A_28 = arith.constant 0 : i32
    %scan3A_29 = arith.constant 0 : i32
    %scan3A_30 = arith.constant 128 : i32
    %scan3A_31 = arith.addi %scan3A_29, %scan3A_30 : i32
    %scan3A_32 = arith.constant 1 : i32
    %scan3A_33 = scf.for %scan3A_139 = %scan3A_29 to %scan3A_31 step %scan3A_32 iter_args(%scan3A_140 = %scan3A_28) -> (i32)  : i32 {
      %swap3A_141 = arith.index_cast %scan3A_139 : i32 to index
      %swap3A_142 = arith.constant 0 : index
      %swap3A_143 = tpu.vector_load %arg15[%swap3A_141, %swap3A_142] {strides = array<i32>} : memref<128x16xf32, #tpu.memory_space<vmem>>, vector<1x16xf32>,
      %swap3A_144 = vector.shape_cast %swap3A_143 : vector<1x16xf32> to vector<16xf32>
      %swap3A_145 = vector.shape_cast %select_n3A : vector<16xf32> to vector<1x16xf32>
      tpu.vector_store %arg15[%swap3A_141, %swap3A_142], %swap3A_145 {strides = array<i32>} : memref<128x16xf32, #tpu.memory_space<vmem>>, vector<1x16xf32>,
      %scan3A_146 = arith.constant 0 : i32
      scf.yield %scan3A_146 : i32
    }
    %scan3A_34 = arith.constant 128 : i32
    %barrier3A = arith.constant 0 : index
    tpu.barrier barrier_id(%barrier3A)
    %mul3A = arith.constant 625 : i32
    %mul3A_35 = arith.muli %mul3A, %arg0 : i32
    %mul3A_36 = arith.constant 39 : i32
    %mul3A_37 = arith.muli %mul3A_36, %arg1 : i32
    %add3A = arith.addi %mul3A_35, %mul3A_37 : i32
    %min3A = arith.constant 1 : i32
    %min3A_38 = arith.minsi %arg1, %min3A : i32
    %add3A_39 = arith.addi %add3A, %min3A_38 : i32
    %lt3A = arith.constant 1 : i32
    %lt3A_40 = arith.cmpi slt, %arg1, %lt3A : i32
    "tpu.region"() ({
      %run_scoped3A_139 = tpu.sem_alloc : memref<!tpu.dma_semaphore, #tpu.memory_space<semaphore_mem>>
      %dma_start3A_140 = arith.constant 0 : i32
      %dma_start3A_141 = arith.constant 0 : i32
      %dma_start3A_142 = tpu.memref_slice %arg11[%dma_start3A_140, %dma_start3A_141] : memref<40x128xi32, #tpu.memory_space<vmem>> -> memref<39x128xi32, #tpu.memory_space<vmem>>
      %dma_start3A_143 = arith.constant 0 : i32
      %dma_start3A_144 = tpu.memref_slice %arg3[%add3A_39, %dma_start3A_143] : memref<1250x128xi32, #tpu.memory_space<hbm>> -> memref<39x128xi32, #tpu.memory_space<hbm>>
      %dma_start3A_145 = arith.constant 0 : i32
      %dma_start3A_146 = arith.constant 0 : i32
      %dma_start3A_147 = tpu.memref_slice %arg11[%dma_start3A_145, %dma_start3A_146] : memref<40x128xi32, #tpu.memory_space<vmem>> -> memref<39x128xi32, #tpu.memory_space<vmem>>
      %dma_start3A_148 = arith.constant 0 : i32
      %dma_start3A_149 = tpu.memref_slice %arg3[%add3A_39, %dma_start3A_148] : memref<1250x128xi32, #tpu.memory_space<hbm>> -> memref<39x128xi32, #tpu.memory_space<hbm>>
      tpu.enqueue_dma source(%dma_start3A_149 : memref<39x128xi32, #tpu.memory_space<hbm>>) target(%dma_start3A_147 : memref<39x128xi32, #tpu.memory_space<vmem>>) target_semaphore(%run_scoped3A_139 : memref<!tpu.dma_semaphore, #tpu.memory_space<semaphore_mem>>)
      %dma_wait3A_150 = arith.constant 0 : i32
      %dma_wait3A_151 = arith.constant 0 : i32
      %dma_wait3A_152 = tpu.memref_slice %arg11[%dma_wait3A_150, %dma_wait3A_151] : memref<40x128xi32, #tpu.memory_space<vmem>> -> memref<39x128xi32, #tpu.memory_space<vmem>>
      %dma_wait3A_153 = arith.constant 0 : i32
      %dma_wait3A_154 = tpu.memref_slice %arg3[%add3A_39, %dma_wait3A_153] : memref<1250x128xi32, #tpu.memory_space<hbm>> -> memref<39x128xi32, #tpu.memory_space<hbm>>
      %dma_wait3A_155 = arith.constant 0 : i32
      %dma_wait3A_156 = arith.constant 0 : i32
      %dma_wait3A_157 = tpu.memref_slice %arg11[%dma_wait3A_155, %dma_wait3A_156] : memref<40x128xi32, #tpu.memory_space<vmem>> -> memref<39x128xi32, #tpu.memory_space<vmem>>
      %dma_wait3A_158 = arith.constant 0 : i32
      %dma_wait3A_159 = tpu.memref_slice %arg3[%add3A_39, %dma_wait3A_158] : memref<1250x128xi32, #tpu.memory_space<hbm>> -> memref<39x128xi32, #tpu.memory_space<hbm>>
      tpu.wait_dma2 semaphore(%run_scoped3A_139 : memref<!tpu.dma_semaphore, #tpu.memory_space<semaphore_mem>>) src(%dma_wait3A_159 : memref<39x128xi32, #tpu.memory_space<hbm>>) dst(%dma_wait3A_157 : memref<39x128xi32, #tpu.memory_space<vmem>>)
      tpu.yield
    }) : () -> ()
    "tpu.region"() ({
      %run_scoped3A_139 = tpu.sem_alloc : memref<!tpu.dma_semaphore, #tpu.memory_space<semaphore_mem>>
      %dma_start3A_140 = arith.constant 0 : i32
      %dma_start3A_141 = arith.constant 0 : i32
      %dma_start3A_142 = tpu.memref_slice %arg12[%dma_start3A_140, %dma_start3A_141] : memref<40x128xi32, #tpu.memory_space<vmem>> -> memref<39x128xi32, #tpu.memory_space<vmem>>
      %dma_start3A_143 = arith.constant 0 : i32
      %dma_start3A_144 = tpu.memref_slice %arg4[%add3A_39, %dma_start3A_143] : memref<1250x128xi32, #tpu.memory_space<hbm>> -> memref<39x128xi32, #tpu.memory_space<hbm>>
      %dma_start3A_145 = arith.constant 0 : i32
      %dma_start3A_146 = arith.constant 0 : i32
      %dma_start3A_147 = tpu.memref_slice %arg12[%dma_start3A_145, %dma_start3A_146] : memref<40x128xi32, #tpu.memory_space<vmem>> -> memref<39x128xi32, #tpu.memory_space<vmem>>
      %dma_start3A_148 = arith.constant 0 : i32
      %dma_start3A_149 = tpu.memref_slice %arg4[%add3A_39, %dma_start3A_148] : memref<1250x128xi32, #tpu.memory_space<hbm>> -> memref<39x128xi32, #tpu.memory_space<hbm>>
      tpu.enqueue_dma source(%dma_start3A_149 : memref<39x128xi32, #tpu.memory_space<hbm>>) target(%dma_start3A_147 : memref<39x128xi32, #tpu.memory_space<vmem>>) target_semaphore(%run_scoped3A_139 : memref<!tpu.dma_semaphore, #tpu.memory_space<semaphore_mem>>)
      %dma_wait3A_150 = arith.constant 0 : i32
      %dma_wait3A_151 = arith.constant 0 : i32
      %dma_wait3A_152 = tpu.memref_slice %arg12[%dma_wait3A_150, %dma_wait3A_151] : memref<40x128xi32, #tpu.memory_space<vmem>> -> memref<39x128xi32, #tpu.memory_space<vmem>>
      %dma_wait3A_153 = arith.constant 0 : i32
      %dma_wait3A_154 = tpu.memref_slice %arg4[%add3A_39, %dma_wait3A_153] : memref<1250x128xi32, #tpu.memory_space<hbm>> -> memref<39x128xi32, #tpu.memory_space<hbm>>
      %dma_wait3A_155 = arith.constant 0 : i32
      %dma_wait3A_156 = arith.constant 0 : i32
      %dma_wait3A_157 = tpu.memref_slice %arg12[%dma_wait3A_155, %dma_wait3A_156] : memref<40x128xi32, #tpu.memory_space<vmem>> -> memref<39x128xi32, #tpu.memory_space<vmem>>
      %dma_wait3A_158 = arith.constant 0 : i32
      %dma_wait3A_159 = tpu.memref_slice %arg4[%add3A_39, %dma_wait3A_158] : memref<1250x128xi32, #tpu.memory_space<hbm>> -> memref<39x128xi32, #tpu.memory_space<hbm>>
      tpu.wait_dma2 semaphore(%run_scoped3A_139 : memref<!tpu.dma_semaphore, #tpu.memory_space<semaphore_mem>>) src(%dma_wait3A_159 : memref<39x128xi32, #tpu.memory_space<hbm>>) dst(%dma_wait3A_157 : memref<39x128xi32, #tpu.memory_space<vmem>>)
      tpu.yield
    }) : () -> ()
    %convert_element_type3A = arith.extui %lt3A_40 : i1 to i32
    %cond3A = arith.constant 0 : i32
    %cond3A_41 = arith.cmpi ne, %convert_element_type3A, %cond3A : i32
    scf.if %cond3A_41 {
      %add3A_139 = arith.constant 39 : i32
      %add3A_140 = arith.addi %add3A_39, %add3A_139 : i32
      "tpu.region"() ({
        %run_scoped3A_143 = tpu.sem_alloc : memref<!tpu.dma_semaphore, #tpu.memory_space<semaphore_mem>>
        %dma_start3A_144 = arith.constant 39 : i32
        %dma_start3A_145 = arith.constant 0 : i32
        %dma_start3A_146 = tpu.memref_slice %arg11[%dma_start3A_144, %dma_start3A_145] : memref<40x128xi32, #tpu.memory_space<vmem>> -> memref<1x128xi32, #tpu.memory_space<vmem>>
        %dma_start3A_147 = arith.constant 0 : i32
        %dma_start3A_148 = tpu.memref_slice %arg3[%add3A_140, %dma_start3A_147] : memref<1250x128xi32, #tpu.memory_space<hbm>> -> memref<1x128xi32, #tpu.memory_space<hbm>>
        %dma_start3A_149 = arith.constant 39 : i32
        %dma_start3A_150 = arith.constant 0 : i32
        %dma_start3A_151 = tpu.memref_slice %arg11[%dma_start3A_149, %dma_start3A_150] : memref<40x128xi32, #tpu.memory_space<vmem>> -> memref<1x128xi32, #tpu.memory_space<vmem>>
        %dma_start3A_152 = arith.constant 0 : i32
        %dma_start3A_153 = tpu.memref_slice %arg3[%add3A_140, %dma_start3A_152] : memref<1250x128xi32, #tpu.memory_space<hbm>> -> memref<1x128xi32, #tpu.memory_space<hbm>>
        tpu.enqueue_dma source(%dma_start3A_153 : memref<1x128xi32, #tpu.memory_space<hbm>>) target(%dma_start3A_151 : memref<1x128xi32, #tpu.memory_space<vmem>>) target_semaphore(%run_scoped3A_143 : memref<!tpu.dma_semaphore, #tpu.memory_space<semaphore_mem>>)
        %dma_wait3A_154 = arith.constant 39 : i32
        %dma_wait3A_155 = arith.constant 0 : i32
        %dma_wait3A_156 = tpu.memref_slice %arg11[%dma_wait3A_154, %dma_wait3A_155] : memref<40x128xi32, #tpu.memory_space<vmem>> -> memref<1x128xi32, #tpu.memory_space<vmem>>
        %dma_wait3A_157 = arith.constant 0 : i32
        %dma_wait3A_158 = tpu.memref_slice %arg3[%add3A_140, %dma_wait3A_157] : memref<1250x128xi32, #tpu.memory_space<hbm>> -> memref<1x128xi32, #tpu.memory_space<hbm>>
        %dma_wait3A_159 = arith.constant 39 : i32
        %dma_wait3A_160 = arith.constant 0 : i32
        %dma_wait3A_161 = tpu.memref_slice %arg11[%dma_wait3A_159, %dma_wait3A_160] : memref<40x128xi32, #tpu.memory_space<vmem>> -> memref<1x128xi32, #tpu.memory_space<vmem>>
        %dma_wait3A_162 = arith.constant 0 : i32
        %dma_wait3A_163 = tpu.memref_slice %arg3[%add3A_140, %dma_wait3A_162] : memref<1250x128xi32, #tpu.memory_space<hbm>> -> memref<1x128xi32, #tpu.memory_space<hbm>>
        tpu.wait_dma2 semaphore(%run_scoped3A_143 : memref<!tpu.dma_semaphore, #tpu.memory_space<semaphore_mem>>) src(%dma_wait3A_163 : memref<1x128xi32, #tpu.memory_space<hbm>>) dst(%dma_wait3A_161 : memref<1x128xi32, #tpu.memory_space<vmem>>)
        tpu.yield
      }) : () -> ()
      %add3A_141 = arith.constant 39 : i32
      %add3A_142 = arith.addi %add3A_39, %add3A_141 : i32
      "tpu.region"() ({
        %run_scoped3A_143 = tpu.sem_alloc : memref<!tpu.dma_semaphore, #tpu.memory_space<semaphore_mem>>
        %dma_start3A_144 = arith.constant 39 : i32
        %dma_start3A_145 = arith.constant 0 : i32
        %dma_start3A_146 = tpu.memref_slice %arg12[%dma_start3A_144, %dma_start3A_145] : memref<40x128xi32, #tpu.memory_space<vmem>> -> memref<1x128xi32, #tpu.memory_space<vmem>>
        %dma_start3A_147 = arith.constant 0 : i32
        %dma_start3A_148 = tpu.memref_slice %arg4[%add3A_142, %dma_start3A_147] : memref<1250x128xi32, #tpu.memory_space<hbm>> -> memref<1x128xi32, #tpu.memory_space<hbm>>
        %dma_start3A_149 = arith.constant 39 : i32
        %dma_start3A_150 = arith.constant 0 : i32
        %dma_start3A_151 = tpu.memref_slice %arg12[%dma_start3A_149, %dma_start3A_150] : memref<40x128xi32, #tpu.memory_space<vmem>> -> memref<1x128xi32, #tpu.memory_space<vmem>>
        %dma_start3A_152 = arith.constant 0 : i32
        %dma_start3A_153 = tpu.memref_slice %arg4[%add3A_142, %dma_start3A_152] : memref<1250x128xi32, #tpu.memory_space<hbm>> -> memref<1x128xi32, #tpu.memory_space<hbm>>
        tpu.enqueue_dma source(%dma_start3A_153 : memref<1x128xi32, #tpu.memory_space<hbm>>) target(%dma_start3A_151 : memref<1x128xi32, #tpu.memory_space<vmem>>) target_semaphore(%run_scoped3A_143 : memref<!tpu.dma_semaphore, #tpu.memory_space<semaphore_mem>>)
        %dma_wait3A_154 = arith.constant 39 : i32
        %dma_wait3A_155 = arith.constant 0 : i32
        %dma_wait3A_156 = tpu.memref_slice %arg12[%dma_wait3A_154, %dma_wait3A_155] : memref<40x128xi32, #tpu.memory_space<vmem>> -> memref<1x128xi32, #tpu.memory_space<vmem>>
        %dma_wait3A_157 = arith.constant 0 : i32
        %dma_wait3A_158 = tpu.memref_slice %arg4[%add3A_142, %dma_wait3A_157] : memref<1250x128xi32, #tpu.memory_space<hbm>> -> memref<1x128xi32, #tpu.memory_space<hbm>>
        %dma_wait3A_159 = arith.constant 39 : i32
        %dma_wait3A_160 = arith.constant 0 : i32
        %dma_wait3A_161 = tpu.memref_slice %arg12[%dma_wait3A_159, %dma_wait3A_160] : memref<40x128xi32, #tpu.memory_space<vmem>> -> memref<1x128xi32, #tpu.memory_space<vmem>>
        %dma_wait3A_162 = arith.constant 0 : i32
        %dma_wait3A_163 = tpu.memref_slice %arg4[%add3A_142, %dma_wait3A_162] : memref<1250x128xi32, #tpu.memory_space<hbm>> -> memref<1x128xi32, #tpu.memory_space<hbm>>
        tpu.wait_dma2 semaphore(%run_scoped3A_143 : memref<!tpu.dma_semaphore, #tpu.memory_space<semaphore_mem>>) src(%dma_wait3A_163 : memref<1x128xi32, #tpu.memory_space<hbm>>) dst(%dma_wait3A_161 : memref<1x128xi32, #tpu.memory_space<vmem>>)
        tpu.yield
      }) : () -> ()
    } else {
    }
    %jit3A_42 = arith.constant 40 : i32
    %jit3A_43 = arith.constant 39 : i32
    %select_n3A_44 = arith.select %lt3A_40, %jit3A_42, %jit3A_43 : i32
    %while3A = arith.constant 0 : i32
    %while3A_45 = arith.constant 0 : i32
    %while3A_46 = arith.subi %select_n3A_44, %while3A : i32
    %while3A_47 = arith.addi %while3A, %while3A_46 : i32
    %while3A_48 = arith.constant 1 : i32
    %while3A_49 = arith.divsi %while3A_46, %while3A_48 : i32
    %while3A_50 = arith.muli %while3A_49, %while3A_48 : i32
    %while3A_51 = arith.addi %while3A, %while3A_50 : i32
    %while3A_52 = arith.constant 1 : i32
    %while3A_53 = scf.for %while3A_139 = %while3A to %while3A_51 step %while3A_52 iter_args(%while3A_140 = %while3A_45) -> (i32)  : i32 {
      %get3A_141 = arith.index_cast %while3A_139 : i32 to index
      %get3A_142 = arith.constant 0 : index
      %get3A_143 = tpu.vector_load %arg11[%get3A_141, %get3A_142] {strides = array<i32>} : memref<40x128xi32, #tpu.memory_space<vmem>>, vector<1x16xi32>,
      %get3A_144 = vector.shape_cast %get3A_143 : vector<1x16xi32> to vector<16xi32>
      %mul3A_145 = arith.constant 2 : i32
      %mul3A_146 = vector.broadcast %mul3A_145 : i32 to vector<16xi32>
      %mul3A_147 = arith.muli %get3A_144, %mul3A_146 : vector<16xi32>
      %swap3A_148 = arith.index_cast %while3A_139 : i32 to index
      %swap3A_149 = arith.constant 0 : index
      %swap3A_150 = tpu.vector_load %arg11[%swap3A_148, %swap3A_149] {strides = array<i32>} : memref<40x128xi32, #tpu.memory_space<vmem>>, vector<1x16xi32>,
      %swap3A_151 = vector.shape_cast %swap3A_150 : vector<1x16xi32> to vector<16xi32>
      %swap3A_152 = vector.shape_cast %mul3A_147 : vector<16xi32> to vector<1x16xi32>
      tpu.vector_store %arg11[%swap3A_148, %swap3A_149], %swap3A_152 {strides = array<i32>} : memref<40x128xi32, #tpu.memory_space<vmem>>, vector<1x16xi32>,
      %get3A_153 = arith.index_cast %while3A_139 : i32 to index
      %get3A_154 = arith.constant 16 : index
      %get3A_155 = tpu.vector_load %arg11[%get3A_153, %get3A_154] {strides = array<i32>} : memref<40x128xi32, #tpu.memory_space<vmem>>, vector<1x16xi32>,
      %get3A_156 = vector.shape_cast %get3A_155 : vector<1x16xi32> to vector<16xi32>
      %mul3A_157 = arith.constant 2 : i32
      %mul3A_158 = vector.broadcast %mul3A_157 : i32 to vector<16xi32>
      %mul3A_159 = arith.muli %get3A_156, %mul3A_158 : vector<16xi32>
      %swap3A_160 = arith.index_cast %while3A_139 : i32 to index
      %swap3A_161 = arith.constant 16 : index
      %swap3A_162 = tpu.vector_load %arg11[%swap3A_160, %swap3A_161] {strides = array<i32>} : memref<40x128xi32, #tpu.memory_space<vmem>>, vector<1x16xi32>,
      %swap3A_163 = vector.shape_cast %swap3A_162 : vector<1x16xi32> to vector<16xi32>
      %swap3A_164 = vector.shape_cast %mul3A_159 : vector<16xi32> to vector<1x16xi32>
      tpu.vector_store %arg11[%swap3A_160, %swap3A_161], %swap3A_164 {strides = array<i32>} : memref<40x128xi32, #tpu.memory_space<vmem>>, vector<1x16xi32>,
      %get3A_165 = arith.index_cast %while3A_139 : i32 to index
      %get3A_166 = arith.constant 32 : index
      %get3A_167 = tpu.vector_load %arg11[%get3A_165, %get3A_166] {strides = array<i32>} : memref<40x128xi32, #tpu.memory_space<vmem>>, vector<1x16xi32>,
      %get3A_168 = vector.shape_cast %get3A_167 : vector<1x16xi32> to vector<16xi32>
      %mul3A_169 = arith.constant 2 : i32
      %mul3A_170 = vector.broadcast %mul3A_169 : i32 to vector<16xi32>
      %mul3A_171 = arith.muli %get3A_168, %mul3A_170 : vector<16xi32>
      %swap3A_172 = arith.index_cast %while3A_139 : i32 to index
      %swap3A_173 = arith.constant 32 : index
      %swap3A_174 = tpu.vector_load %arg11[%swap3A_172, %swap3A_173] {strides = array<i32>} : memref<40x128xi32, #tpu.memory_space<vmem>>, vector<1x16xi32>,
      %swap3A_175 = vector.shape_cast %swap3A_174 : vector<1x16xi32> to vector<16xi32>
      %swap3A_176 = vector.shape_cast %mul3A_171 : vector<16xi32> to vector<1x16xi32>
      tpu.vector_store %arg11[%swap3A_172, %swap3A_173], %swap3A_176 {strides = array<i32>} : memref<40x128xi32, #tpu.memory_space<vmem>>, vector<1x16xi32>,
      %get3A_177 = arith.index_cast %while3A_139 : i32 to index
      %get3A_178 = arith.constant 48 : index
      %get3A_179 = tpu.vector_load %arg11[%get3A_177, %get3A_178] {strides = array<i32>} : memref<40x128xi32, #tpu.memory_space<vmem>>, vector<1x16xi32>,
      %get3A_180 = vector.shape_cast %get3A_179 : vector<1x16xi32> to vector<16xi32>
      %mul3A_181 = arith.constant 2 : i32
      %mul3A_182 = vector.broadcast %mul3A_181 : i32 to vector<16xi32>
      %mul3A_183 = arith.muli %get3A_180, %mul3A_182 : vector<16xi32>
      %swap3A_184 = arith.index_cast %while3A_139 : i32 to index
      %swap3A_185 = arith.constant 48 : index
      %swap3A_186 = tpu.vector_load %arg11[%swap3A_184, %swap3A_185] {strides = array<i32>} : memref<40x128xi32, #tpu.memory_space<vmem>>, vector<1x16xi32>,
      %swap3A_187 = vector.shape_cast %swap3A_186 : vector<1x16xi32> to vector<16xi32>
      %swap3A_188 = vector.shape_cast %mul3A_183 : vector<16xi32> to vector<1x16xi32>
      tpu.vector_store %arg11[%swap3A_184, %swap3A_185], %swap3A_188 {strides = array<i32>} : memref<40x128xi32, #tpu.memory_space<vmem>>, vector<1x16xi32>,
      %get3A_189 = arith.index_cast %while3A_139 : i32 to index
      %get3A_190 = arith.constant 64 : index
      %get3A_191 = tpu.vector_load %arg11[%get3A_189, %get3A_190] {strides = array<i32>} : memref<40x128xi32, #tpu.memory_space<vmem>>, vector<1x16xi32>,
      %get3A_192 = vector.shape_cast %get3A_191 : vector<1x16xi32> to vector<16xi32>
      %mul3A_193 = arith.constant 2 : i32
      %mul3A_194 = vector.broadcast %mul3A_193 : i32 to vector<16xi32>
      %mul3A_195 = arith.muli %get3A_192, %mul3A_194 : vector<16xi32>
      %swap3A_196 = arith.index_cast %while3A_139 : i32 to index
      %swap3A_197 = arith.constant 64 : index
      %swap3A_198 = tpu.vector_load %arg11[%swap3A_196, %swap3A_197] {strides = array<i32>} : memref<40x128xi32, #tpu.memory_space<vmem>>, vector<1x16xi32>,
      %swap3A_199 = vector.shape_cast %swap3A_198 : vector<1x16xi32> to vector<16xi32>
      %swap3A_200 = vector.shape_cast %mul3A_195 : vector<16xi32> to vector<1x16xi32>
      tpu.vector_store %arg11[%swap3A_196, %swap3A_197], %swap3A_200 {strides = array<i32>} : memref<40x128xi32, #tpu.memory_space<vmem>>, vector<1x16xi32>,
      %get3A_201 = arith.index_cast %while3A_139 : i32 to index
      %get3A_202 = arith.constant 80 : index
      %get3A_203 = tpu.vector_load %arg11[%get3A_201, %get3A_202] {strides = array<i32>} : memref<40x128xi32, #tpu.memory_space<vmem>>, vector<1x16xi32>,
      %get3A_204 = vector.shape_cast %get3A_203 : vector<1x16xi32> to vector<16xi32>
      %mul3A_205 = arith.constant 2 : i32
      %mul3A_206 = vector.broadcast %mul3A_205 : i32 to vector<16xi32>
      %mul3A_207 = arith.muli %get3A_204, %mul3A_206 : vector<16xi32>
      %swap3A_208 = arith.index_cast %while3A_139 : i32 to index
      %swap3A_209 = arith.constant 80 : index
      %swap3A_210 = tpu.vector_load %arg11[%swap3A_208, %swap3A_209] {strides = array<i32>} : memref<40x128xi32, #tpu.memory_space<vmem>>, vector<1x16xi32>,
      %swap3A_211 = vector.shape_cast %swap3A_210 : vector<1x16xi32> to vector<16xi32>
      %swap3A_212 = vector.shape_cast %mul3A_207 : vector<16xi32> to vector<1x16xi32>
      tpu.vector_store %arg11[%swap3A_208, %swap3A_209], %swap3A_212 {strides = array<i32>} : memref<40x128xi32, #tpu.memory_space<vmem>>, vector<1x16xi32>,
      %get3A_213 = arith.index_cast %while3A_139 : i32 to index
      %get3A_214 = arith.constant 96 : index
      %get3A_215 = tpu.vector_load %arg11[%get3A_213, %get3A_214] {strides = array<i32>} : memref<40x128xi32, #tpu.memory_space<vmem>>, vector<1x16xi32>,
      %get3A_216 = vector.shape_cast %get3A_215 : vector<1x16xi32> to vector<16xi32>
      %mul3A_217 = arith.constant 2 : i32
      %mul3A_218 = vector.broadcast %mul3A_217 : i32 to vector<16xi32>
      %mul3A_219 = arith.muli %get3A_216, %mul3A_218 : vector<16xi32>
      %swap3A_220 = arith.index_cast %while3A_139 : i32 to index
      %swap3A_221 = arith.constant 96 : index
      %swap3A_222 = tpu.vector_load %arg11[%swap3A_220, %swap3A_221] {strides = array<i32>} : memref<40x128xi32, #tpu.memory_space<vmem>>, vector<1x16xi32>,
      %swap3A_223 = vector.shape_cast %swap3A_222 : vector<1x16xi32> to vector<16xi32>
      %swap3A_224 = vector.shape_cast %mul3A_219 : vector<16xi32> to vector<1x16xi32>
      tpu.vector_store %arg11[%swap3A_220, %swap3A_221], %swap3A_224 {strides = array<i32>} : memref<40x128xi32, #tpu.memory_space<vmem>>, vector<1x16xi32>,
      %get3A_225 = arith.index_cast %while3A_139 : i32 to index
      %get3A_226 = arith.constant 112 : index
      %get3A_227 = tpu.vector_load %arg11[%get3A_225, %get3A_226] {strides = array<i32>} : memref<40x128xi32, #tpu.memory_space<vmem>>, vector<1x16xi32>,
      %get3A_228 = vector.shape_cast %get3A_227 : vector<1x16xi32> to vector<16xi32>
      %mul3A_229 = arith.constant 2 : i32
      %mul3A_230 = vector.broadcast %mul3A_229 : i32 to vector<16xi32>
      %mul3A_231 = arith.muli %get3A_228, %mul3A_230 : vector<16xi32>
      %swap3A_232 = arith.index_cast %while3A_139 : i32 to index
      %swap3A_233 = arith.constant 112 : index
      %swap3A_234 = tpu.vector_load %arg11[%swap3A_232, %swap3A_233] {strides = array<i32>} : memref<40x128xi32, #tpu.memory_space<vmem>>, vector<1x16xi32>,
      %swap3A_235 = vector.shape_cast %swap3A_234 : vector<1x16xi32> to vector<16xi32>
      %swap3A_236 = vector.shape_cast %mul3A_231 : vector<16xi32> to vector<1x16xi32>
      tpu.vector_store %arg11[%swap3A_232, %swap3A_233], %swap3A_236 {strides = array<i32>} : memref<40x128xi32, #tpu.memory_space<vmem>>, vector<1x16xi32>,
      %while3A_237 = arith.constant 0 : i32
      scf.yield %while3A_237 : i32
    }
    %while3A_54 = arith.constant 1 : i32
    %while3A_55 = scf.for %while3A_139 = %while3A_51 to %while3A_47 step %while3A_54 iter_args(%while3A_140 = %while3A_53) -> (i32)  : i32 {
      %get3A_141 = arith.index_cast %while3A_139 : i32 to index
      %get3A_142 = arith.constant 0 : index
      %get3A_143 = tpu.vector_load %arg11[%get3A_141, %get3A_142] {strides = array<i32>} : memref<40x128xi32, #tpu.memory_space<vmem>>, vector<1x16xi32>,
      %get3A_144 = vector.shape_cast %get3A_143 : vector<1x16xi32> to vector<16xi32>
      %mul3A_145 = arith.constant 2 : i32
      %mul3A_146 = vector.broadcast %mul3A_145 : i32 to vector<16xi32>
      %mul3A_147 = arith.muli %get3A_144, %mul3A_146 : vector<16xi32>
      %swap3A_148 = arith.index_cast %while3A_139 : i32 to index
      %swap3A_149 = arith.constant 0 : index
      %swap3A_150 = tpu.vector_load %arg11[%swap3A_148, %swap3A_149] {strides = array<i32>} : memref<40x128xi32, #tpu.memory_space<vmem>>, vector<1x16xi32>,
      %swap3A_151 = vector.shape_cast %swap3A_150 : vector<1x16xi32> to vector<16xi32>
      %swap3A_152 = vector.shape_cast %mul3A_147 : vector<16xi32> to vector<1x16xi32>
      tpu.vector_store %arg11[%swap3A_148, %swap3A_149], %swap3A_152 {strides = array<i32>} : memref<40x128xi32, #tpu.memory_space<vmem>>, vector<1x16xi32>,
      %get3A_153 = arith.index_cast %while3A_139 : i32 to index
      %get3A_154 = arith.constant 16 : index
      %get3A_155 = tpu.vector_load %arg11[%get3A_153, %get3A_154] {strides = array<i32>} : memref<40x128xi32, #tpu.memory_space<vmem>>, vector<1x16xi32>,
      %get3A_156 = vector.shape_cast %get3A_155 : vector<1x16xi32> to vector<16xi32>
      %mul3A_157 = arith.constant 2 : i32
      %mul3A_158 = vector.broadcast %mul3A_157 : i32 to vector<16xi32>
      %mul3A_159 = arith.muli %get3A_156, %mul3A_158 : vector<16xi32>
      %swap3A_160 = arith.index_cast %while3A_139 : i32 to index
      %swap3A_161 = arith.constant 16 : index
      %swap3A_162 = tpu.vector_load %arg11[%swap3A_160, %swap3A_161] {strides = array<i32>} : memref<40x128xi32, #tpu.memory_space<vmem>>, vector<1x16xi32>,
      %swap3A_163 = vector.shape_cast %swap3A_162 : vector<1x16xi32> to vector<16xi32>
      %swap3A_164 = vector.shape_cast %mul3A_159 : vector<16xi32> to vector<1x16xi32>
      tpu.vector_store %arg11[%swap3A_160, %swap3A_161], %swap3A_164 {strides = array<i32>} : memref<40x128xi32, #tpu.memory_space<vmem>>, vector<1x16xi32>,
      %get3A_165 = arith.index_cast %while3A_139 : i32 to index
      %get3A_166 = arith.constant 32 : index
      %get3A_167 = tpu.vector_load %arg11[%get3A_165, %get3A_166] {strides = array<i32>} : memref<40x128xi32, #tpu.memory_space<vmem>>, vector<1x16xi32>,
      %get3A_168 = vector.shape_cast %get3A_167 : vector<1x16xi32> to vector<16xi32>
      %mul3A_169 = arith.constant 2 : i32
      %mul3A_170 = vector.broadcast %mul3A_169 : i32 to vector<16xi32>
      %mul3A_171 = arith.muli %get3A_168, %mul3A_170 : vector<16xi32>
      %swap3A_172 = arith.index_cast %while3A_139 : i32 to index
      %swap3A_173 = arith.constant 32 : index
      %swap3A_174 = tpu.vector_load %arg11[%swap3A_172, %swap3A_173] {strides = array<i32>} : memref<40x128xi32, #tpu.memory_space<vmem>>, vector<1x16xi32>,
      %swap3A_175 = vector.shape_cast %swap3A_174 : vector<1x16xi32> to vector<16xi32>
      %swap3A_176 = vector.shape_cast %mul3A_171 : vector<16xi32> to vector<1x16xi32>
      tpu.vector_store %arg11[%swap3A_172, %swap3A_173], %swap3A_176 {strides = array<i32>} : memref<40x128xi32, #tpu.memory_space<vmem>>, vector<1x16xi32>,
      %get3A_177 = arith.index_cast %while3A_139 : i32 to index
      %get3A_178 = arith.constant 48 : index
      %get3A_179 = tpu.vector_load %arg11[%get3A_177, %get3A_178] {strides = array<i32>} : memref<40x128xi32, #tpu.memory_space<vmem>>, vector<1x16xi32>,
      %get3A_180 = vector.shape_cast %get3A_179 : vector<1x16xi32> to vector<16xi32>
      %mul3A_181 = arith.constant 2 : i32
      %mul3A_182 = vector.broadcast %mul3A_181 : i32 to vector<16xi32>
      %mul3A_183 = arith.muli %get3A_180, %mul3A_182 : vector<16xi32>
      %swap3A_184 = arith.index_cast %while3A_139 : i32 to index
      %swap3A_185 = arith.constant 48 : index
      %swap3A_186 = tpu.vector_load %arg11[%swap3A_184, %swap3A_185] {strides = array<i32>} : memref<40x128xi32, #tpu.memory_space<vmem>>, vector<1x16xi32>,
      %swap3A_187 = vector.shape_cast %swap3A_186 : vector<1x16xi32> to vector<16xi32>
      %swap3A_188 = vector.shape_cast %mul3A_183 : vector<16xi32> to vector<1x16xi32>
      tpu.vector_store %arg11[%swap3A_184, %swap3A_185], %swap3A_188 {strides = array<i32>} : memref<40x128xi32, #tpu.memory_space<vmem>>, vector<1x16xi32>,
      %get3A_189 = arith.index_cast %while3A_139 : i32 to index
      %get3A_190 = arith.constant 64 : index
      %get3A_191 = tpu.vector_load %arg11[%get3A_189, %get3A_190] {strides = array<i32>} : memref<40x128xi32, #tpu.memory_space<vmem>>, vector<1x16xi32>,
      %get3A_192 = vector.shape_cast %get3A_191 : vector<1x16xi32> to vector<16xi32>
      %mul3A_193 = arith.constant 2 : i32
      %mul3A_194 = vector.broadcast %mul3A_193 : i32 to vector<16xi32>
      %mul3A_195 = arith.muli %get3A_192, %mul3A_194 : vector<16xi32>
      %swap3A_196 = arith.index_cast %while3A_139 : i32 to index
      %swap3A_197 = arith.constant 64 : index
      %swap3A_198 = tpu.vector_load %arg11[%swap3A_196, %swap3A_197] {strides = array<i32>} : memref<40x128xi32, #tpu.memory_space<vmem>>, vector<1x16xi32>,
      %swap3A_199 = vector.shape_cast %swap3A_198 : vector<1x16xi32> to vector<16xi32>
      %swap3A_200 = vector.shape_cast %mul3A_195 : vector<16xi32> to vector<1x16xi32>
      tpu.vector_store %arg11[%swap3A_196, %swap3A_197], %swap3A_200 {strides = array<i32>} : memref<40x128xi32, #tpu.memory_space<vmem>>, vector<1x16xi32>,
      %get3A_201 = arith.index_cast %while3A_139 : i32 to index
      %get3A_202 = arith.constant 80 : index
      %get3A_203 = tpu.vector_load %arg11[%get3A_201, %get3A_202] {strides = array<i32>} : memref<40x128xi32, #tpu.memory_space<vmem>>, vector<1x16xi32>,
      %get3A_204 = vector.shape_cast %get3A_203 : vector<1x16xi32> to vector<16xi32>
      %mul3A_205 = arith.constant 2 : i32
      %mul3A_206 = vector.broadcast %mul3A_205 : i32 to vector<16xi32>
      %mul3A_207 = arith.muli %get3A_204, %mul3A_206 : vector<16xi32>
      %swap3A_208 = arith.index_cast %while3A_139 : i32 to index
      %swap3A_209 = arith.constant 80 : index
      %swap3A_210 = tpu.vector_load %arg11[%swap3A_208, %swap3A_209] {strides = array<i32>} : memref<40x128xi32, #tpu.memory_space<vmem>>, vector<1x16xi32>,
      %swap3A_211 = vector.shape_cast %swap3A_210 : vector<1x16xi32> to vector<16xi32>
      %swap3A_212 = vector.shape_cast %mul3A_207 : vector<16xi32> to vector<1x16xi32>
      tpu.vector_store %arg11[%swap3A_208, %swap3A_209], %swap3A_212 {strides = array<i32>} : memref<40x128xi32, #tpu.memory_space<vmem>>, vector<1x16xi32>,
      %get3A_213 = arith.index_cast %while3A_139 : i32 to index
      %get3A_214 = arith.constant 96 : index
      %get3A_215 = tpu.vector_load %arg11[%get3A_213, %get3A_214] {strides = array<i32>} : memref<40x128xi32, #tpu.memory_space<vmem>>, vector<1x16xi32>,
      %get3A_216 = vector.shape_cast %get3A_215 : vector<1x16xi32> to vector<16xi32>
      %mul3A_217 = arith.constant 2 : i32
      %mul3A_218 = vector.broadcast %mul3A_217 : i32 to vector<16xi32>
      %mul3A_219 = arith.muli %get3A_216, %mul3A_218 : vector<16xi32>
      %swap3A_220 = arith.index_cast %while3A_139 : i32 to index
      %swap3A_221 = arith.constant 96 : index
      %swap3A_222 = tpu.vector_load %arg11[%swap3A_220, %swap3A_221] {strides = array<i32>} : memref<40x128xi32, #tpu.memory_space<vmem>>, vector<1x16xi32>,
      %swap3A_223 = vector.shape_cast %swap3A_222 : vector<1x16xi32> to vector<16xi32>
      %swap3A_224 = vector.shape_cast %mul3A_219 : vector<16xi32> to vector<1x16xi32>
      tpu.vector_store %arg11[%swap3A_220, %swap3A_221], %swap3A_224 {strides = array<i32>} : memref<40x128xi32, #tpu.memory_space<vmem>>, vector<1x16xi32>,
      %get3A_225 = arith.index_cast %while3A_139 : i32 to index
      %get3A_226 = arith.constant 112 : index
      %get3A_227 = tpu.vector_load %arg11[%get3A_225, %get3A_226] {strides = array<i32>} : memref<40x128xi32, #tpu.memory_space<vmem>>, vector<1x16xi32>,
      %get3A_228 = vector.shape_cast %get3A_227 : vector<1x16xi32> to vector<16xi32>
      %mul3A_229 = arith.constant 2 : i32
      %mul3A_230 = vector.broadcast %mul3A_229 : i32 to vector<16xi32>
      %mul3A_231 = arith.muli %get3A_228, %mul3A_230 : vector<16xi32>
      %swap3A_232 = arith.index_cast %while3A_139 : i32 to index
      %swap3A_233 = arith.constant 112 : index
      %swap3A_234 = tpu.vector_load %arg11[%swap3A_232, %swap3A_233] {strides = array<i32>} : memref<40x128xi32, #tpu.memory_space<vmem>>, vector<1x16xi32>,
      %swap3A_235 = vector.shape_cast %swap3A_234 : vector<1x16xi32> to vector<16xi32>
      %swap3A_236 = vector.shape_cast %mul3A_231 : vector<16xi32> to vector<1x16xi32>
      tpu.vector_store %arg11[%swap3A_232, %swap3A_233], %swap3A_236 {strides = array<i32>} : memref<40x128xi32, #tpu.memory_space<vmem>>, vector<1x16xi32>,
      %while3A_237 = arith.constant 0 : i32
      scf.yield %while3A_237 : i32
    }
    %dma_start3A = arith.constant 0 : i32
    %dma_start3A_56 = arith.constant 0 : i32
    %dma_start3A_57 = tpu.memref_slice %arg11[%dma_start3A, %dma_start3A_56] : memref<40x128xi32, #tpu.memory_space<vmem>> -> memref<1x128xi32, #tpu.memory_space<vmem>>
    %dma_start3A_58 = tpu.memref_squeeze %dma_start3A_57 : memref<1x128xi32, #tpu.memory_space<vmem>> -> memref<128xi32, #tpu.memory_space<vmem>>
    %dma_start3A_59 = arith.constant 0 : i32
    %dma_start3A_60 = arith.constant 0 : i32
    %dma_start3A_61 = tpu.memref_slice %arg2[%dma_start3A_59, %dma_start3A_60] : memref<20000x64xf32, #tpu.memory_space<hbm>> -> memref<20000x64xf32, #tpu.memory_space<hbm>>
    tpu.enqueue_indirect_dma source(%dma_start3A_61 : memref<20000x64xf32, #tpu.memory_space<hbm>>) target(%arg13 : memref<128x64xf32, #tpu.memory_space<vmem>>) offsets(%dma_start3A_58 : memref<128xi32, #tpu.memory_space<vmem>>) semaphore(%arg22 : memref<!tpu.dma_semaphore, #tpu.memory_space<semaphore_mem>>)
    %scan3A_62 = arith.constant 0 : i32
    %scan3A_63 = arith.constant 0 : i32
    %scan3A_64 = arith.constant 19 : i32
    %scan3A_65 = arith.addi %scan3A_63, %scan3A_64 : i32
    %scan3A_66 = arith.constant 1 : i32
    %scan3A_67 = scf.for %scan3A_139 = %scan3A_63 to %scan3A_65 step %scan3A_66 iter_args(%scan3A_140 = %scan3A_62) -> (i32)  : i32 {
      %mul3A_141 = arith.constant 2 : i32
      %mul3A_142 = arith.muli %scan3A_139, %mul3A_141 : i32
      %dma_wait3A_143 = arith.constant 0 : i32
      %dma_wait3A_144 = arith.constant 0 : i32
      %dma_wait3A_145 = tpu.memref_slice %arg11[%dma_wait3A_143, %dma_wait3A_144] : memref<40x128xi32, #tpu.memory_space<vmem>> -> memref<1x128xi32, #tpu.memory_space<vmem>>
      %dma_wait3A_146 = tpu.memref_squeeze %dma_wait3A_145 : memref<1x128xi32, #tpu.memory_space<vmem>> -> memref<128xi32, #tpu.memory_space<vmem>>
      %dma_wait3A_147 = arith.constant 0 : i32
      %dma_wait3A_148 = arith.constant 0 : i32
      %dma_wait3A_149 = tpu.memref_slice %arg2[%dma_wait3A_147, %dma_wait3A_148] : memref<20000x64xf32, #tpu.memory_space<hbm>> -> memref<20000x64xf32, #tpu.memory_space<hbm>>
      tpu.wait_indirect_dma semaphore(%arg22 : memref<!tpu.dma_semaphore, #tpu.memory_space<semaphore_mem>>) src(%dma_wait3A_149 : memref<20000x64xf32, #tpu.memory_space<hbm>>) dst(%arg13 : memref<128x64xf32, #tpu.memory_space<vmem>>)
      %add3A_150 = arith.constant 1 : i32
      %add3A_151 = arith.addi %mul3A_142, %add3A_150 : i32
      %dma_start3A_152 = arith.constant 0 : i32
      %dma_start3A_153 = tpu.memref_slice %arg11[%add3A_151, %dma_start3A_152] : memref<40x128xi32, #tpu.memory_space<vmem>> -> memref<1x128xi32, #tpu.memory_space<vmem>>
      %dma_start3A_154 = tpu.memref_squeeze %dma_start3A_153 : memref<1x128xi32, #tpu.memory_space<vmem>> -> memref<128xi32, #tpu.memory_space<vmem>>
      %dma_start3A_155 = arith.constant 0 : i32
      %dma_start3A_156 = arith.constant 0 : i32
      %dma_start3A_157 = tpu.memref_slice %arg2[%dma_start3A_155, %dma_start3A_156] : memref<20000x64xf32, #tpu.memory_space<hbm>> -> memref<20000x64xf32, #tpu.memory_space<hbm>>
      tpu.enqueue_indirect_dma source(%dma_start3A_157 : memref<20000x64xf32, #tpu.memory_space<hbm>>) target(%arg14 : memref<128x64xf32, #tpu.memory_space<vmem>>) offsets(%dma_start3A_154 : memref<128xi32, #tpu.memory_space<vmem>>) semaphore(%arg23 : memref<!tpu.dma_semaphore, #tpu.memory_space<semaphore_mem>>)
      "tpu.region"() ({
        %run_scoped3A_173 = tpu.sem_alloc : memref<!tpu.dma_semaphore, #tpu.memory_space<semaphore_mem>>
        %dma_start3A_174 = arith.constant 0 : i32
        %dma_start3A_175 = tpu.memref_slice %arg12[%mul3A_142, %dma_start3A_174] : memref<40x128xi32, #tpu.memory_space<vmem>> -> memref<1x128xi32, #tpu.memory_space<vmem>>
        %dma_start3A_176 = tpu.memref_squeeze %dma_start3A_175 : memref<1x128xi32, #tpu.memory_space<vmem>> -> memref<128xi32, #tpu.memory_space<vmem>>
        %dma_start3A_177 = arith.constant 0 : i32
        %dma_start3A_178 = arith.constant 0 : i32
        %dma_start3A_179 = tpu.memref_slice %arg9[%dma_start3A_177, %dma_start3A_178] : memref<10000x64xf32, #tpu.memory_space<vmem_shared>> -> memref<10000x64xf32, #tpu.memory_space<vmem_shared>>
        tpu.enqueue_indirect_dma source(%arg13 : memref<128x64xf32, #tpu.memory_space<vmem>>) target(%dma_start3A_179 : memref<10000x64xf32, #tpu.memory_space<vmem_shared>>) offsets(%dma_start3A_176 : memref<128xi32, #tpu.memory_space<vmem>>) semaphore(%run_scoped3A_173 : memref<!tpu.dma_semaphore, #tpu.memory_space<semaphore_mem>>) {add = true}
        %dma_wait3A_180 = arith.constant 0 : i32
        %dma_wait3A_181 = tpu.memref_slice %arg12[%mul3A_142, %dma_wait3A_180] : memref<40x128xi32, #tpu.memory_space<vmem>> -> memref<1x128xi32, #tpu.memory_space<vmem>>
        %dma_wait3A_182 = tpu.memref_squeeze %dma_wait3A_181 : memref<1x128xi32, #tpu.memory_space<vmem>> -> memref<128xi32, #tpu.memory_space<vmem>>
        %dma_wait3A_183 = arith.constant 0 : i32
        %dma_wait3A_184 = arith.constant 0 : i32
        %dma_wait3A_185 = tpu.memref_slice %arg9[%dma_wait3A_183, %dma_wait3A_184] : memref<10000x64xf32, #tpu.memory_space<vmem_shared>> -> memref<10000x64xf32, #tpu.memory_space<vmem_shared>>
        tpu.wait_indirect_dma semaphore(%run_scoped3A_173 : memref<!tpu.dma_semaphore, #tpu.memory_space<semaphore_mem>>) src(%arg13 : memref<128x64xf32, #tpu.memory_space<vmem>>) dst(%dma_wait3A_185 : memref<10000x64xf32, #tpu.memory_space<vmem_shared>>)
        tpu.yield
      }) : () -> ()
      "tpu.region"() ({
        %run_scoped3A_173 = tpu.sem_alloc : memref<!tpu.dma_semaphore, #tpu.memory_space<semaphore_mem>>
        %dma_start3A_174 = arith.constant 0 : i32
        %dma_start3A_175 = tpu.memref_slice %arg12[%mul3A_142, %dma_start3A_174] : memref<40x128xi32, #tpu.memory_space<vmem>> -> memref<1x128xi32, #tpu.memory_space<vmem>>
        %dma_start3A_176 = tpu.memref_squeeze %dma_start3A_175 : memref<1x128xi32, #tpu.memory_space<vmem>> -> memref<128xi32, #tpu.memory_space<vmem>>
        %dma_start3A_177 = arith.constant 0 : i32
        %dma_start3A_178 = arith.constant 0 : i32
        %dma_start3A_179 = tpu.memref_slice %arg10[%dma_start3A_177, %dma_start3A_178] : memref<10000x16xf32, #tpu.memory_space<vmem_shared>> -> memref<10000x16xf32, #tpu.memory_space<vmem_shared>>
        tpu.enqueue_indirect_dma source(%arg15 : memref<128x16xf32, #tpu.memory_space<vmem>>) target(%dma_start3A_179 : memref<10000x16xf32, #tpu.memory_space<vmem_shared>>) offsets(%dma_start3A_176 : memref<128xi32, #tpu.memory_space<vmem>>) semaphore(%run_scoped3A_173 : memref<!tpu.dma_semaphore, #tpu.memory_space<semaphore_mem>>) {add = true}
        %dma_wait3A_180 = arith.constant 0 : i32
        %dma_wait3A_181 = tpu.memref_slice %arg12[%mul3A_142, %dma_wait3A_180] : memref<40x128xi32, #tpu.memory_space<vmem>> -> memref<1x128xi32, #tpu.memory_space<vmem>>
        %dma_wait3A_182 = tpu.memref_squeeze %dma_wait3A_181 : memref<1x128xi32, #tpu.memory_space<vmem>> -> memref<128xi32, #tpu.memory_space<vmem>>
        %dma_wait3A_183 = arith.constant 0 : i32
        %dma_wait3A_184 = arith.constant 0 : i32
        %dma_wait3A_185 = tpu.memref_slice %arg10[%dma_wait3A_183, %dma_wait3A_184] : memref<10000x16xf32, #tpu.memory_space<vmem_shared>> -> memref<10000x16xf32, #tpu.memory_space<vmem_shared>>
        tpu.wait_indirect_dma semaphore(%run_scoped3A_173 : memref<!tpu.dma_semaphore, #tpu.memory_space<semaphore_mem>>) src(%arg15 : memref<128x16xf32, #tpu.memory_space<vmem>>) dst(%dma_wait3A_185 : memref<10000x16xf32, #tpu.memory_space<vmem_shared>>)
        tpu.yield
      }) : () -> ()
      %dma_wait3A_158 = arith.constant 0 : i32
      %dma_wait3A_159 = arith.constant 0 : i32
      %dma_wait3A_160 = tpu.memref_slice %arg11[%dma_wait3A_158, %dma_wait3A_159] : memref<40x128xi32, #tpu.memory_space<vmem>> -> memref<1x128xi32, #tpu.memory_space<vmem>>
      %dma_wait3A_161 = tpu.memref_squeeze %dma_wait3A_160 : memref<1x128xi32, #tpu.memory_space<vmem>> -> memref<128xi32, #tpu.memory_space<vmem>>
      %dma_wait3A_162 = arith.constant 0 : i32
      %dma_wait3A_163 = arith.constant 0 : i32
      %dma_wait3A_164 = tpu.memref_slice %arg2[%dma_wait3A_162, %dma_wait3A_163] : memref<20000x64xf32, #tpu.memory_space<hbm>> -> memref<20000x64xf32, #tpu.memory_space<hbm>>
      tpu.wait_indirect_dma semaphore(%arg23 : memref<!tpu.dma_semaphore, #tpu.memory_space<semaphore_mem>>) src(%dma_wait3A_164 : memref<20000x64xf32, #tpu.memory_space<hbm>>) dst(%arg14 : memref<128x64xf32, #tpu.memory_space<vmem>>)
      %lt3A_165 = arith.constant 18 : i32
      %lt3A_166 = arith.cmpi slt, %scan3A_139, %lt3A_165 : i32
      %convert_element_type3A_167 = arith.extui %lt3A_166 : i1 to i32
      %cond3A_168 = arith.constant 0 : i32
      %cond3A_169 = arith.cmpi ne, %convert_element_type3A_167, %cond3A_168 : i32
      scf.if %cond3A_169 {
        %add3A_173 = arith.constant 2 : i32
        %add3A_174 = arith.addi %mul3A_142, %add3A_173 : i32
        %dma_start3A_175 = arith.constant 0 : i32
        %dma_start3A_176 = tpu.memref_slice %arg11[%add3A_174, %dma_start3A_175] : memref<40x128xi32, #tpu.memory_space<vmem>> -> memref<1x128xi32, #tpu.memory_space<vmem>>
        %dma_start3A_177 = tpu.memref_squeeze %dma_start3A_176 : memref<1x128xi32, #tpu.memory_space<vmem>> -> memref<128xi32, #tpu.memory_space<vmem>>
        %dma_start3A_178 = arith.constant 0 : i32
        %dma_start3A_179 = arith.constant 0 : i32
        %dma_start3A_180 = tpu.memref_slice %arg2[%dma_start3A_178, %dma_start3A_179] : memref<20000x64xf32, #tpu.memory_space<hbm>> -> memref<20000x64xf32, #tpu.memory_space<hbm>>
        tpu.enqueue_indirect_dma source(%dma_start3A_180 : memref<20000x64xf32, #tpu.memory_space<hbm>>) target(%arg13 : memref<128x64xf32, #tpu.memory_space<vmem>>) offsets(%dma_start3A_177 : memref<128xi32, #tpu.memory_space<vmem>>) semaphore(%arg22 : memref<!tpu.dma_semaphore, #tpu.memory_space<semaphore_mem>>)
      } else {
      }
      %add3A_170 = arith.constant 1 : i32
      %add3A_171 = arith.addi %mul3A_142, %add3A_170 : i32
      "tpu.region"() ({
        %run_scoped3A_173 = tpu.sem_alloc : memref<!tpu.dma_semaphore, #tpu.memory_space<semaphore_mem>>
        %dma_start3A_174 = arith.constant 0 : i32
        %dma_start3A_175 = tpu.memref_slice %arg12[%add3A_171, %dma_start3A_174] : memref<40x128xi32, #tpu.memory_space<vmem>> -> memref<1x128xi32, #tpu.memory_space<vmem>>
        %dma_start3A_176 = tpu.memref_squeeze %dma_start3A_175 : memref<1x128xi32, #tpu.memory_space<vmem>> -> memref<128xi32, #tpu.memory_space<vmem>>
        %dma_start3A_177 = arith.constant 0 : i32
        %dma_start3A_178 = arith.constant 0 : i32
        %dma_start3A_179 = tpu.memref_slice %arg9[%dma_start3A_177, %dma_start3A_178] : memref<10000x64xf32, #tpu.memory_space<vmem_shared>> -> memref<10000x64xf32, #tpu.memory_space<vmem_shared>>
        tpu.enqueue_indirect_dma source(%arg14 : memref<128x64xf32, #tpu.memory_space<vmem>>) target(%dma_start3A_179 : memref<10000x64xf32, #tpu.memory_space<vmem_shared>>) offsets(%dma_start3A_176 : memref<128xi32, #tpu.memory_space<vmem>>) semaphore(%run_scoped3A_173 : memref<!tpu.dma_semaphore, #tpu.memory_space<semaphore_mem>>) {add = true}
        %dma_wait3A_180 = arith.constant 0 : i32
        %dma_wait3A_181 = tpu.memref_slice %arg12[%add3A_171, %dma_wait3A_180] : memref<40x128xi32, #tpu.memory_space<vmem>> -> memref<1x128xi32, #tpu.memory_space<vmem>>
        %dma_wait3A_182 = tpu.memref_squeeze %dma_wait3A_181 : memref<1x128xi32, #tpu.memory_space<vmem>> -> memref<128xi32, #tpu.memory_space<vmem>>
        %dma_wait3A_183 = arith.constant 0 : i32
        %dma_wait3A_184 = arith.constant 0 : i32
        %dma_wait3A_185 = tpu.memref_slice %arg9[%dma_wait3A_183, %dma_wait3A_184] : memref<10000x64xf32, #tpu.memory_space<vmem_shared>> -> memref<10000x64xf32, #tpu.memory_space<vmem_shared>>
        tpu.wait_indirect_dma semaphore(%run_scoped3A_173 : memref<!tpu.dma_semaphore, #tpu.memory_space<semaphore_mem>>) src(%arg14 : memref<128x64xf32, #tpu.memory_space<vmem>>) dst(%dma_wait3A_185 : memref<10000x64xf32, #tpu.memory_space<vmem_shared>>)
        tpu.yield
      }) : () -> ()
      "tpu.region"() ({
        %run_scoped3A_173 = tpu.sem_alloc : memref<!tpu.dma_semaphore, #tpu.memory_space<semaphore_mem>>
        %dma_start3A_174 = arith.constant 0 : i32
        %dma_start3A_175 = tpu.memref_slice %arg12[%add3A_171, %dma_start3A_174] : memref<40x128xi32, #tpu.memory_space<vmem>> -> memref<1x128xi32, #tpu.memory_space<vmem>>
        %dma_start3A_176 = tpu.memref_squeeze %dma_start3A_175 : memref<1x128xi32, #tpu.memory_space<vmem>> -> memref<128xi32, #tpu.memory_space<vmem>>
        %dma_start3A_177 = arith.constant 0 : i32
        %dma_start3A_178 = arith.constant 0 : i32
        %dma_start3A_179 = tpu.memref_slice %arg10[%dma_start3A_177, %dma_start3A_178] : memref<10000x16xf32, #tpu.memory_space<vmem_shared>> -> memref<10000x16xf32, #tpu.memory_space<vmem_shared>>
        tpu.enqueue_indirect_dma source(%arg15 : memref<128x16xf32, #tpu.memory_space<vmem>>) target(%dma_start3A_179 : memref<10000x16xf32, #tpu.memory_space<vmem_shared>>) offsets(%dma_start3A_176 : memref<128xi32, #tpu.memory_space<vmem>>) semaphore(%run_scoped3A_173 : memref<!tpu.dma_semaphore, #tpu.memory_space<semaphore_mem>>) {add = true}
        %dma_wait3A_180 = arith.constant 0 : i32
        %dma_wait3A_181 = tpu.memref_slice %arg12[%add3A_171, %dma_wait3A_180] : memref<40x128xi32, #tpu.memory_space<vmem>> -> memref<1x128xi32, #tpu.memory_space<vmem>>
        %dma_wait3A_182 = tpu.memref_squeeze %dma_wait3A_181 : memref<1x128xi32, #tpu.memory_space<vmem>> -> memref<128xi32, #tpu.memory_space<vmem>>
        %dma_wait3A_183 = arith.constant 0 : i32
        %dma_wait3A_184 = arith.constant 0 : i32
        %dma_wait3A_185 = tpu.memref_slice %arg10[%dma_wait3A_183, %dma_wait3A_184] : memref<10000x16xf32, #tpu.memory_space<vmem_shared>> -> memref<10000x16xf32, #tpu.memory_space<vmem_shared>>
        tpu.wait_indirect_dma semaphore(%run_scoped3A_173 : memref<!tpu.dma_semaphore, #tpu.memory_space<semaphore_mem>>) src(%arg15 : memref<128x16xf32, #tpu.memory_space<vmem>>) dst(%dma_wait3A_185 : memref<10000x16xf32, #tpu.memory_space<vmem_shared>>)
        tpu.yield
      }) : () -> ()
      %scan3A_172 = arith.constant 0 : i32
      scf.yield %scan3A_172 : i32
    }
    %scan3A_68 = arith.constant 19 : i32
    %dma_start3A_69 = arith.constant 38 : i32
    %dma_start3A_70 = arith.constant 0 : i32
    %dma_start3A_71 = tpu.memref_slice %arg11[%dma_start3A_69, %dma_start3A_70] : memref<40x128xi32, #tpu.memory_space<vmem>> -> memref<1x128xi32, #tpu.memory_space<vmem>>
    %dma_start3A_72 = tpu.memref_squeeze %dma_start3A_71 : memref<1x128xi32, #tpu.memory_space<vmem>> -> memref<128xi32, #tpu.memory_space<vmem>>
    %dma_start3A_73 = arith.constant 0 : i32
    %dma_start3A_74 = arith.constant 0 : i32
    %dma_start3A_75 = tpu.memref_slice %arg2[%dma_start3A_73, %dma_start3A_74] : memref<20000x64xf32, #tpu.memory_space<hbm>> -> memref<20000x64xf32, #tpu.memory_space<hbm>>
    tpu.enqueue_indirect_dma source(%dma_start3A_75 : memref<20000x64xf32, #tpu.memory_space<hbm>>) target(%arg13 : memref<128x64xf32, #tpu.memory_space<vmem>>) offsets(%dma_start3A_72 : memref<128xi32, #tpu.memory_space<vmem>>) semaphore(%arg22 : memref<!tpu.dma_semaphore, #tpu.memory_space<semaphore_mem>>)
    %dma_wait3A = arith.constant 0 : i32
    %dma_wait3A_76 = arith.constant 0 : i32
    %dma_wait3A_77 = tpu.memref_slice %arg11[%dma_wait3A, %dma_wait3A_76] : memref<40x128xi32, #tpu.memory_space<vmem>> -> memref<1x128xi32, #tpu.memory_space<vmem>>
    %dma_wait3A_78 = tpu.memref_squeeze %dma_wait3A_77 : memref<1x128xi32, #tpu.memory_space<vmem>> -> memref<128xi32, #tpu.memory_space<vmem>>
    %dma_wait3A_79 = arith.constant 0 : i32
    %dma_wait3A_80 = arith.constant 0 : i32
    %dma_wait3A_81 = tpu.memref_slice %arg2[%dma_wait3A_79, %dma_wait3A_80] : memref<20000x64xf32, #tpu.memory_space<hbm>> -> memref<20000x64xf32, #tpu.memory_space<hbm>>
    tpu.wait_indirect_dma semaphore(%arg22 : memref<!tpu.dma_semaphore, #tpu.memory_space<semaphore_mem>>) src(%dma_wait3A_81 : memref<20000x64xf32, #tpu.memory_space<hbm>>) dst(%arg13 : memref<128x64xf32, #tpu.memory_space<vmem>>)
    %convert_element_type3A_82 = arith.extui %lt3A_40 : i1 to i32
    %cond3A_83 = arith.constant 0 : i32
    %cond3A_84 = arith.cmpi ne, %convert_element_type3A_82, %cond3A_83 : i32
    scf.if %cond3A_84 {
      %dma_start3A_139 = arith.constant 39 : i32
      %dma_start3A_140 = arith.constant 0 : i32
      %dma_start3A_141 = tpu.memref_slice %arg11[%dma_start3A_139, %dma_start3A_140] : memref<40x128xi32, #tpu.memory_space<vmem>> -> memref<1x128xi32, #tpu.memory_space<vmem>>
      %dma_start3A_142 = tpu.memref_squeeze %dma_start3A_141 : memref<1x128xi32, #tpu.memory_space<vmem>> -> memref<128xi32, #tpu.memory_space<vmem>>
      %dma_start3A_143 = arith.constant 0 : i32
      %dma_start3A_144 = arith.constant 0 : i32
      %dma_start3A_145 = tpu.memref_slice %arg2[%dma_start3A_143, %dma_start3A_144] : memref<20000x64xf32, #tpu.memory_space<hbm>> -> memref<20000x64xf32, #tpu.memory_space<hbm>>
      tpu.enqueue_indirect_dma source(%dma_start3A_145 : memref<20000x64xf32, #tpu.memory_space<hbm>>) target(%arg14 : memref<128x64xf32, #tpu.memory_space<vmem>>) offsets(%dma_start3A_142 : memref<128xi32, #tpu.memory_space<vmem>>) semaphore(%arg23 : memref<!tpu.dma_semaphore, #tpu.memory_space<semaphore_mem>>)
    } else {
    }
    %run_scoped3A = arith.constant 38 : i32
    "tpu.region"() ({
      %run_scoped3A_139 = tpu.sem_alloc : memref<!tpu.dma_semaphore, #tpu.memory_space<semaphore_mem>>
      %dma_start3A_140 = arith.constant 0 : i32
      %dma_start3A_141 = tpu.memref_slice %arg12[%run_scoped3A, %dma_start3A_140] : memref<40x128xi32, #tpu.memory_space<vmem>> -> memref<1x128xi32, #tpu.memory_space<vmem>>
      %dma_start3A_142 = tpu.memref_squeeze %dma_start3A_141 : memref<1x128xi32, #tpu.memory_space<vmem>> -> memref<128xi32, #tpu.memory_space<vmem>>
      %dma_start3A_143 = arith.constant 0 : i32
      %dma_start3A_144 = arith.constant 0 : i32
      %dma_start3A_145 = tpu.memref_slice %arg9[%dma_start3A_143, %dma_start3A_144] : memref<10000x64xf32, #tpu.memory_space<vmem_shared>> -> memref<10000x64xf32, #tpu.memory_space<vmem_shared>>
      tpu.enqueue_indirect_dma source(%arg13 : memref<128x64xf32, #tpu.memory_space<vmem>>) target(%dma_start3A_145 : memref<10000x64xf32, #tpu.memory_space<vmem_shared>>) offsets(%dma_start3A_142 : memref<128xi32, #tpu.memory_space<vmem>>) semaphore(%run_scoped3A_139 : memref<!tpu.dma_semaphore, #tpu.memory_space<semaphore_mem>>) {add = true}
      %dma_wait3A_146 = arith.constant 0 : i32
      %dma_wait3A_147 = tpu.memref_slice %arg12[%run_scoped3A, %dma_wait3A_146] : memref<40x128xi32, #tpu.memory_space<vmem>> -> memref<1x128xi32, #tpu.memory_space<vmem>>
      %dma_wait3A_148 = tpu.memref_squeeze %dma_wait3A_147 : memref<1x128xi32, #tpu.memory_space<vmem>> -> memref<128xi32, #tpu.memory_space<vmem>>
      %dma_wait3A_149 = arith.constant 0 : i32
      %dma_wait3A_150 = arith.constant 0 : i32
      %dma_wait3A_151 = tpu.memref_slice %arg9[%dma_wait3A_149, %dma_wait3A_150] : memref<10000x64xf32, #tpu.memory_space<vmem_shared>> -> memref<10000x64xf32, #tpu.memory_space<vmem_shared>>
      tpu.wait_indirect_dma semaphore(%run_scoped3A_139 : memref<!tpu.dma_semaphore, #tpu.memory_space<semaphore_mem>>) src(%arg13 : memref<128x64xf32, #tpu.memory_space<vmem>>) dst(%dma_wait3A_151 : memref<10000x64xf32, #tpu.memory_space<vmem_shared>>)
      tpu.yield
    }) : () -> ()
    %run_scoped3A_85 = arith.constant 38 : i32
    "tpu.region"() ({
      %run_scoped3A_139 = tpu.sem_alloc : memref<!tpu.dma_semaphore, #tpu.memory_space<semaphore_mem>>
      %dma_start3A_140 = arith.constant 0 : i32
      %dma_start3A_141 = tpu.memref_slice %arg12[%run_scoped3A_85, %dma_start3A_140] : memref<40x128xi32, #tpu.memory_space<vmem>> -> memref<1x128xi32, #tpu.memory_space<vmem>>
      %dma_start3A_142 = tpu.memref_squeeze %dma_start3A_141 : memref<1x128xi32, #tpu.memory_space<vmem>> -> memref<128xi32, #tpu.memory_space<vmem>>
      %dma_start3A_143 = arith.constant 0 : i32
      %dma_start3A_144 = arith.constant 0 : i32
      %dma_start3A_145 = tpu.memref_slice %arg10[%dma_start3A_143, %dma_start3A_144] : memref<10000x16xf32, #tpu.memory_space<vmem_shared>> -> memref<10000x16xf32, #tpu.memory_space<vmem_shared>>
      tpu.enqueue_indirect_dma source(%arg15 : memref<128x16xf32, #tpu.memory_space<vmem>>) target(%dma_start3A_145 : memref<10000x16xf32, #tpu.memory_space<vmem_shared>>) offsets(%dma_start3A_142 : memref<128xi32, #tpu.memory_space<vmem>>) semaphore(%run_scoped3A_139 : memref<!tpu.dma_semaphore, #tpu.memory_space<semaphore_mem>>) {add = true}
      %dma_wait3A_146 = arith.constant 0 : i32
      %dma_wait3A_147 = tpu.memref_slice %arg12[%run_scoped3A_85, %dma_wait3A_146] : memref<40x128xi32, #tpu.memory_space<vmem>> -> memref<1x128xi32, #tpu.memory_space<vmem>>
      %dma_wait3A_148 = tpu.memref_squeeze %dma_wait3A_147 : memref<1x128xi32, #tpu.memory_space<vmem>> -> memref<128xi32, #tpu.memory_space<vmem>>
      %dma_wait3A_149 = arith.constant 0 : i32
      %dma_wait3A_150 = arith.constant 0 : i32
      %dma_wait3A_151 = tpu.memref_slice %arg10[%dma_wait3A_149, %dma_wait3A_150] : memref<10000x16xf32, #tpu.memory_space<vmem_shared>> -> memref<10000x16xf32, #tpu.memory_space<vmem_shared>>
      tpu.wait_indirect_dma semaphore(%run_scoped3A_139 : memref<!tpu.dma_semaphore, #tpu.memory_space<semaphore_mem>>) src(%arg15 : memref<128x16xf32, #tpu.memory_space<vmem>>) dst(%dma_wait3A_151 : memref<10000x16xf32, #tpu.memory_space<vmem_shared>>)
      tpu.yield
    }) : () -> ()
    %convert_element_type3A_86 = arith.extui %lt3A_40 : i1 to i32
    %cond3A_87 = arith.constant 0 : i32
    %cond3A_88 = arith.cmpi ne, %convert_element_type3A_86, %cond3A_87 : i32
    scf.if %cond3A_88 {
      %dma_wait3A_139 = arith.constant 0 : i32
      %dma_wait3A_140 = arith.constant 0 : i32
      %dma_wait3A_141 = tpu.memref_slice %arg11[%dma_wait3A_139, %dma_wait3A_140] : memref<40x128xi32, #tpu.memory_space<vmem>> -> memref<1x128xi32, #tpu.memory_space<vmem>>
      %dma_wait3A_142 = tpu.memref_squeeze %dma_wait3A_141 : memref<1x128xi32, #tpu.memory_space<vmem>> -> memref<128xi32, #tpu.memory_space<vmem>>
      %dma_wait3A_143 = arith.constant 0 : i32
      %dma_wait3A_144 = arith.constant 0 : i32
      %dma_wait3A_145 = tpu.memref_slice %arg2[%dma_wait3A_143, %dma_wait3A_144] : memref<20000x64xf32, #tpu.memory_space<hbm>> -> memref<20000x64xf32, #tpu.memory_space<hbm>>
      tpu.wait_indirect_dma semaphore(%arg23 : memref<!tpu.dma_semaphore, #tpu.memory_space<semaphore_mem>>) src(%dma_wait3A_145 : memref<20000x64xf32, #tpu.memory_space<hbm>>) dst(%arg14 : memref<128x64xf32, #tpu.memory_space<vmem>>)
      %run_scoped3A_146 = arith.constant 39 : i32
      "tpu.region"() ({
        %run_scoped3A_148 = tpu.sem_alloc : memref<!tpu.dma_semaphore, #tpu.memory_space<semaphore_mem>>
        %dma_start3A_149 = arith.constant 0 : i32
        %dma_start3A_150 = tpu.memref_slice %arg12[%run_scoped3A_146, %dma_start3A_149] : memref<40x128xi32, #tpu.memory_space<vmem>> -> memref<1x128xi32, #tpu.memory_space<vmem>>
        %dma_start3A_151 = tpu.memref_squeeze %dma_start3A_150 : memref<1x128xi32, #tpu.memory_space<vmem>> -> memref<128xi32, #tpu.memory_space<vmem>>
        %dma_start3A_152 = arith.constant 0 : i32
        %dma_start3A_153 = arith.constant 0 : i32
        %dma_start3A_154 = tpu.memref_slice %arg9[%dma_start3A_152, %dma_start3A_153] : memref<10000x64xf32, #tpu.memory_space<vmem_shared>> -> memref<10000x64xf32, #tpu.memory_space<vmem_shared>>
        tpu.enqueue_indirect_dma source(%arg14 : memref<128x64xf32, #tpu.memory_space<vmem>>) target(%dma_start3A_154 : memref<10000x64xf32, #tpu.memory_space<vmem_shared>>) offsets(%dma_start3A_151 : memref<128xi32, #tpu.memory_space<vmem>>) semaphore(%run_scoped3A_148 : memref<!tpu.dma_semaphore, #tpu.memory_space<semaphore_mem>>) {add = true}
        %dma_wait3A_155 = arith.constant 0 : i32
        %dma_wait3A_156 = tpu.memref_slice %arg12[%run_scoped3A_146, %dma_wait3A_155] : memref<40x128xi32, #tpu.memory_space<vmem>> -> memref<1x128xi32, #tpu.memory_space<vmem>>
        %dma_wait3A_157 = tpu.memref_squeeze %dma_wait3A_156 : memref<1x128xi32, #tpu.memory_space<vmem>> -> memref<128xi32, #tpu.memory_space<vmem>>
        %dma_wait3A_158 = arith.constant 0 : i32
        %dma_wait3A_159 = arith.constant 0 : i32
        %dma_wait3A_160 = tpu.memref_slice %arg9[%dma_wait3A_158, %dma_wait3A_159] : memref<10000x64xf32, #tpu.memory_space<vmem_shared>> -> memref<10000x64xf32, #tpu.memory_space<vmem_shared>>
        tpu.wait_indirect_dma semaphore(%run_scoped3A_148 : memref<!tpu.dma_semaphore, #tpu.memory_space<semaphore_mem>>) src(%arg14 : memref<128x64xf32, #tpu.memory_space<vmem>>) dst(%dma_wait3A_160 : memref<10000x64xf32, #tpu.memory_space<vmem_shared>>)
        tpu.yield
      }) : () -> ()
      %run_scoped3A_147 = arith.constant 39 : i32
      "tpu.region"() ({
        %run_scoped3A_148 = tpu.sem_alloc : memref<!tpu.dma_semaphore, #tpu.memory_space<semaphore_mem>>
        %dma_start3A_149 = arith.constant 0 : i32
        %dma_start3A_150 = tpu.memref_slice %arg12[%run_scoped3A_147, %dma_start3A_149] : memref<40x128xi32, #tpu.memory_space<vmem>> -> memref<1x128xi32, #tpu.memory_space<vmem>>
        %dma_start3A_151 = tpu.memref_squeeze %dma_start3A_150 : memref<1x128xi32, #tpu.memory_space<vmem>> -> memref<128xi32, #tpu.memory_space<vmem>>
        %dma_start3A_152 = arith.constant 0 : i32
        %dma_start3A_153 = arith.constant 0 : i32
        %dma_start3A_154 = tpu.memref_slice %arg10[%dma_start3A_152, %dma_start3A_153] : memref<10000x16xf32, #tpu.memory_space<vmem_shared>> -> memref<10000x16xf32, #tpu.memory_space<vmem_shared>>
        tpu.enqueue_indirect_dma source(%arg15 : memref<128x16xf32, #tpu.memory_space<vmem>>) target(%dma_start3A_154 : memref<10000x16xf32, #tpu.memory_space<vmem_shared>>) offsets(%dma_start3A_151 : memref<128xi32, #tpu.memory_space<vmem>>) semaphore(%run_scoped3A_148 : memref<!tpu.dma_semaphore, #tpu.memory_space<semaphore_mem>>) {add = true}
        %dma_wait3A_155 = arith.constant 0 : i32
        %dma_wait3A_156 = tpu.memref_slice %arg12[%run_scoped3A_147, %dma_wait3A_155] : memref<40x128xi32, #tpu.memory_space<vmem>> -> memref<1x128xi32, #tpu.memory_space<vmem>>
        %dma_wait3A_157 = tpu.memref_squeeze %dma_wait3A_156 : memref<1x128xi32, #tpu.memory_space<vmem>> -> memref<128xi32, #tpu.memory_space<vmem>>
        %dma_wait3A_158 = arith.constant 0 : i32
        %dma_wait3A_159 = arith.constant 0 : i32
        %dma_wait3A_160 = tpu.memref_slice %arg10[%dma_wait3A_158, %dma_wait3A_159] : memref<10000x16xf32, #tpu.memory_space<vmem_shared>> -> memref<10000x16xf32, #tpu.memory_space<vmem_shared>>
        tpu.wait_indirect_dma semaphore(%run_scoped3A_148 : memref<!tpu.dma_semaphore, #tpu.memory_space<semaphore_mem>>) src(%arg15 : memref<128x16xf32, #tpu.memory_space<vmem>>) dst(%dma_wait3A_160 : memref<10000x16xf32, #tpu.memory_space<vmem_shared>>)
        tpu.yield
      }) : () -> ()
    } else {
    }
    %barrier3A_89 = arith.constant 0 : index
    tpu.barrier barrier_id(%barrier3A_89)
    %mul3A_90 = arith.constant 64 : i32
    %mul3A_91 = arith.muli %arg1, %mul3A_90 : i32
    "tpu.region"() ({
      %run_scoped3A_139 = tpu.sem_alloc : memref<!tpu.dma_semaphore, #tpu.memory_space<semaphore_mem>>
      %dma_start3A_140 = tpu.memref_slice %arg5[%mul3A_91] : memref<1024xi32, #tpu.memory_space<hbm>> -> memref<64xi32, #tpu.memory_space<hbm>>
      %dma_start3A_141 = tpu.memref_slice %arg5[%mul3A_91] : memref<1024xi32, #tpu.memory_space<hbm>> -> memref<64xi32, #tpu.memory_space<hbm>>
      tpu.enqueue_dma source(%dma_start3A_141 : memref<64xi32, #tpu.memory_space<hbm>>) target(%arg17 : memref<64xi32, #tpu.memory_space<vmem>>) target_semaphore(%run_scoped3A_139 : memref<!tpu.dma_semaphore, #tpu.memory_space<semaphore_mem>>)
      %dma_wait3A_142 = tpu.memref_slice %arg5[%mul3A_91] : memref<1024xi32, #tpu.memory_space<hbm>> -> memref<64xi32, #tpu.memory_space<hbm>>
      %dma_wait3A_143 = tpu.memref_slice %arg5[%mul3A_91] : memref<1024xi32, #tpu.memory_space<hbm>> -> memref<64xi32, #tpu.memory_space<hbm>>
      tpu.wait_dma2 semaphore(%run_scoped3A_139 : memref<!tpu.dma_semaphore, #tpu.memory_space<semaphore_mem>>) src(%dma_wait3A_143 : memref<64xi32, #tpu.memory_space<hbm>>) dst(%arg17 : memref<64xi32, #tpu.memory_space<vmem>>)
      tpu.yield
    }) : () -> ()
    %dma_start3A_92 = arith.constant 0 : i32
    %dma_start3A_93 = arith.constant 0 : i32
    %dma_start3A_94 = tpu.memref_slice %arg9[%dma_start3A_92, %dma_start3A_93] : memref<10000x64xf32, #tpu.memory_space<vmem_shared>> -> memref<10000x64xf32, #tpu.memory_space<vmem_shared>>
    tpu.enqueue_indirect_dma source(%dma_start3A_94 : memref<10000x64xf32, #tpu.memory_space<vmem_shared>>) target(%arg18 : memref<64x64xf32, #tpu.memory_space<vmem>>) offsets(%arg17 : memref<64xi32, #tpu.memory_space<vmem>>) semaphore(%arg22 : memref<!tpu.dma_semaphore, #tpu.memory_space<semaphore_mem>>)
    %dma_wait3A_95 = arith.constant 0 : i32
    %dma_wait3A_96 = arith.constant 0 : i32
    %dma_wait3A_97 = tpu.memref_slice %arg9[%dma_wait3A_95, %dma_wait3A_96] : memref<10000x64xf32, #tpu.memory_space<vmem_shared>> -> memref<10000x64xf32, #tpu.memory_space<vmem_shared>>
    tpu.wait_indirect_dma semaphore(%arg22 : memref<!tpu.dma_semaphore, #tpu.memory_space<semaphore_mem>>) src(%dma_wait3A_97 : memref<10000x64xf32, #tpu.memory_space<vmem_shared>>) dst(%arg18 : memref<64x64xf32, #tpu.memory_space<vmem>>)
    "tpu.region"() ({
      %run_scoped3A_139 = tpu.sem_alloc : memref<!tpu.dma_semaphore, #tpu.memory_space<semaphore_mem>>
      %dma_start3A_140 = arith.constant 0 : i32
      %dma_start3A_141 = tpu.memref_slice %arg6[%arg0, %mul3A_91, %dma_start3A_140] : memref<2x1024x64xf32, #tpu.memory_space<hbm>> -> memref<1x64x64xf32, #tpu.memory_space<hbm>>
      %dma_start3A_142 = tpu.memref_squeeze %dma_start3A_141 : memref<1x64x64xf32, #tpu.memory_space<hbm>> -> memref<64x64xf32, #tpu.memory_space<hbm>>
      %dma_start3A_143 = arith.constant 0 : i32
      %dma_start3A_144 = tpu.memref_slice %arg6[%arg0, %mul3A_91, %dma_start3A_143] : memref<2x1024x64xf32, #tpu.memory_space<hbm>> -> memref<1x64x64xf32, #tpu.memory_space<hbm>>
      %dma_start3A_145 = tpu.memref_squeeze %dma_start3A_144 : memref<1x64x64xf32, #tpu.memory_space<hbm>> -> memref<64x64xf32, #tpu.memory_space<hbm>>
      tpu.enqueue_dma source(%arg18 : memref<64x64xf32, #tpu.memory_space<vmem>>) target(%dma_start3A_145 : memref<64x64xf32, #tpu.memory_space<hbm>>) target_semaphore(%run_scoped3A_139 : memref<!tpu.dma_semaphore, #tpu.memory_space<semaphore_mem>>)
      %dma_wait3A_146 = arith.constant 0 : i32
      %dma_wait3A_147 = tpu.memref_slice %arg6[%arg0, %mul3A_91, %dma_wait3A_146] : memref<2x1024x64xf32, #tpu.memory_space<hbm>> -> memref<1x64x64xf32, #tpu.memory_space<hbm>>
      %dma_wait3A_148 = tpu.memref_squeeze %dma_wait3A_147 : memref<1x64x64xf32, #tpu.memory_space<hbm>> -> memref<64x64xf32, #tpu.memory_space<hbm>>
      %dma_wait3A_149 = arith.constant 0 : i32
      %dma_wait3A_150 = tpu.memref_slice %arg6[%arg0, %mul3A_91, %dma_wait3A_149] : memref<2x1024x64xf32, #tpu.memory_space<hbm>> -> memref<1x64x64xf32, #tpu.memory_space<hbm>>
      %dma_wait3A_151 = tpu.memref_squeeze %dma_wait3A_150 : memref<1x64x64xf32, #tpu.memory_space<hbm>> -> memref<64x64xf32, #tpu.memory_space<hbm>>
      tpu.wait_dma2 semaphore(%run_scoped3A_139 : memref<!tpu.dma_semaphore, #tpu.memory_space<semaphore_mem>>) src(%arg18 : memref<64x64xf32, #tpu.memory_space<vmem>>) dst(%dma_wait3A_151 : memref<64x64xf32, #tpu.memory_space<hbm>>)
      tpu.yield
    }) : () -> ()
    %dma_start3A_98 = arith.constant 0 : i32
    %dma_start3A_99 = arith.constant 0 : i32
    %dma_start3A_100 = tpu.memref_slice %arg10[%dma_start3A_98, %dma_start3A_99] : memref<10000x16xf32, #tpu.memory_space<vmem_shared>> -> memref<10000x16xf32, #tpu.memory_space<vmem_shared>>
    tpu.enqueue_indirect_dma source(%dma_start3A_100 : memref<10000x16xf32, #tpu.memory_space<vmem_shared>>) target(%arg19 : memref<64x16xf32, #tpu.memory_space<vmem>>) offsets(%arg17 : memref<64xi32, #tpu.memory_space<vmem>>) semaphore(%arg22 : memref<!tpu.dma_semaphore, #tpu.memory_space<semaphore_mem>>)
    %dma_wait3A_101 = arith.constant 0 : i32
    %dma_wait3A_102 = arith.constant 0 : i32
    %dma_wait3A_103 = tpu.memref_slice %arg10[%dma_wait3A_101, %dma_wait3A_102] : memref<10000x16xf32, #tpu.memory_space<vmem_shared>> -> memref<10000x16xf32, #tpu.memory_space<vmem_shared>>
    tpu.wait_indirect_dma semaphore(%arg22 : memref<!tpu.dma_semaphore, #tpu.memory_space<semaphore_mem>>) src(%dma_wait3A_103 : memref<10000x16xf32, #tpu.memory_space<vmem_shared>>) dst(%arg19 : memref<64x16xf32, #tpu.memory_space<vmem>>)
    "tpu.region"() ({
      %run_scoped3A_139 = tpu.sem_alloc : memref<!tpu.dma_semaphore, #tpu.memory_space<semaphore_mem>>
      %dma_start3A_140 = arith.constant 0 : i32
      %dma_start3A_141 = tpu.memref_slice %arg7[%arg0, %mul3A_91, %dma_start3A_140] : memref<2x1024x16xf32, #tpu.memory_space<hbm>> -> memref<1x64x16xf32, #tpu.memory_space<hbm>>
      %dma_start3A_142 = tpu.memref_squeeze %dma_start3A_141 : memref<1x64x16xf32, #tpu.memory_space<hbm>> -> memref<64x16xf32, #tpu.memory_space<hbm>>
      %dma_start3A_143 = arith.constant 0 : i32
      %dma_start3A_144 = tpu.memref_slice %arg7[%arg0, %mul3A_91, %dma_start3A_143] : memref<2x1024x16xf32, #tpu.memory_space<hbm>> -> memref<1x64x16xf32, #tpu.memory_space<hbm>>
      %dma_start3A_145 = tpu.memref_squeeze %dma_start3A_144 : memref<1x64x16xf32, #tpu.memory_space<hbm>> -> memref<64x16xf32, #tpu.memory_space<hbm>>
      tpu.enqueue_dma source(%arg19 : memref<64x16xf32, #tpu.memory_space<vmem>>) target(%dma_start3A_145 : memref<64x16xf32, #tpu.memory_space<hbm>>) target_semaphore(%run_scoped3A_139 : memref<!tpu.dma_semaphore, #tpu.memory_space<semaphore_mem>>)
      %dma_wait3A_146 = arith.constant 0 : i32
      %dma_wait3A_147 = tpu.memref_slice %arg7[%arg0, %mul3A_91, %dma_wait3A_146] : memref<2x1024x16xf32, #tpu.memory_space<hbm>> -> memref<1x64x16xf32, #tpu.memory_space<hbm>>
      %dma_wait3A_148 = tpu.memref_squeeze %dma_wait3A_147 : memref<1x64x16xf32, #tpu.memory_space<hbm>> -> memref<64x16xf32, #tpu.memory_space<hbm>>
      %dma_wait3A_149 = arith.constant 0 : i32
      %dma_wait3A_150 = tpu.memref_slice %arg7[%arg0, %mul3A_91, %dma_wait3A_149] : memref<2x1024x16xf32, #tpu.memory_space<hbm>> -> memref<1x64x16xf32, #tpu.memory_space<hbm>>
      %dma_wait3A_151 = tpu.memref_squeeze %dma_wait3A_150 : memref<1x64x16xf32, #tpu.memory_space<hbm>> -> memref<64x16xf32, #tpu.memory_space<hbm>>
      tpu.wait_dma2 semaphore(%run_scoped3A_139 : memref<!tpu.dma_semaphore, #tpu.memory_space<semaphore_mem>>) src(%arg19 : memref<64x16xf32, #tpu.memory_space<vmem>>) dst(%dma_wait3A_151 : memref<64x16xf32, #tpu.memory_space<hbm>>)
      tpu.yield
    }) : () -> ()
    %mul3A_104 = arith.constant 512 : i32
    %mul3A_105 = arith.muli %arg0, %mul3A_104 : i32
    %mul3A_106 = arith.constant 32 : i32
    %mul3A_107 = arith.muli %arg1, %mul3A_106 : i32
    %add3A_108 = arith.addi %mul3A_105, %mul3A_107 : i32
    "tpu.region"() ({
      %run_scoped3A_139 = tpu.sem_alloc : memref<!tpu.dma_semaphore, #tpu.memory_space<semaphore_mem>>
      %dma_start3A_140 = tpu.memref_slice %arg5[%add3A_108] : memref<1024xi32, #tpu.memory_space<hbm>> -> memref<32xi32, #tpu.memory_space<hbm>>
      %dma_start3A_141 = tpu.memref_slice %arg5[%add3A_108] : memref<1024xi32, #tpu.memory_space<hbm>> -> memref<32xi32, #tpu.memory_space<hbm>>
      tpu.enqueue_dma source(%dma_start3A_141 : memref<32xi32, #tpu.memory_space<hbm>>) target(%arg20 : memref<32xi32, #tpu.memory_space<vmem>>) target_semaphore(%run_scoped3A_139 : memref<!tpu.dma_semaphore, #tpu.memory_space<semaphore_mem>>)
      %dma_wait3A_142 = tpu.memref_slice %arg5[%add3A_108] : memref<1024xi32, #tpu.memory_space<hbm>> -> memref<32xi32, #tpu.memory_space<hbm>>
      %dma_wait3A_143 = tpu.memref_slice %arg5[%add3A_108] : memref<1024xi32, #tpu.memory_space<hbm>> -> memref<32xi32, #tpu.memory_space<hbm>>
      tpu.wait_dma2 semaphore(%run_scoped3A_139 : memref<!tpu.dma_semaphore, #tpu.memory_space<semaphore_mem>>) src(%dma_wait3A_143 : memref<32xi32, #tpu.memory_space<hbm>>) dst(%arg20 : memref<32xi32, #tpu.memory_space<vmem>>)
      tpu.yield
    }) : () -> ()
    %get3A = arith.constant 0 : index
    %get3A_109 = tpu.vector_load %arg20[%get3A] {strides = array<i32>} : memref<32xi32, #tpu.memory_space<vmem>>, vector<16xi32>,
    %get3A_110 = vector.shape_cast %get3A_109 : vector<16xi32> to vector<16xi32>
    %mul3A_111 = arith.constant 2 : i32
    %mul3A_112 = vector.broadcast %mul3A_111 : i32 to vector<16xi32>
    %mul3A_113 = arith.muli %get3A_110, %mul3A_112 : vector<16xi32>
    %add3A_114 = arith.constant 1 : i32
    %add3A_115 = vector.broadcast %add3A_114 : i32 to vector<16xi32>
    %add3A_116 = arith.addi %mul3A_113, %add3A_115 : vector<16xi32>
    %swap3A = arith.constant 0 : index
    %swap3A_117 = tpu.vector_load %arg20[%swap3A] {strides = array<i32>} : memref<32xi32, #tpu.memory_space<vmem>>, vector<16xi32>,
    %swap3A_118 = vector.shape_cast %swap3A_117 : vector<16xi32> to vector<16xi32>
    %swap3A_119 = vector.shape_cast %add3A_116 : vector<16xi32> to vector<16xi32>
    tpu.vector_store %arg20[%swap3A], %swap3A_119 {strides = array<i32>} : memref<32xi32, #tpu.memory_space<vmem>>, vector<16xi32>,
    %get3A_120 = arith.constant 16 : index
    %get3A_121 = tpu.vector_load %arg20[%get3A_120] {strides = array<i32>} : memref<32xi32, #tpu.memory_space<vmem>>, vector<16xi32>,
    %get3A_122 = vector.shape_cast %get3A_121 : vector<16xi32> to vector<16xi32>
    %mul3A_123 = arith.constant 2 : i32
    %mul3A_124 = vector.broadcast %mul3A_123 : i32 to vector<16xi32>
    %mul3A_125 = arith.muli %get3A_122, %mul3A_124 : vector<16xi32>
    %add3A_126 = arith.constant 1 : i32
    %add3A_127 = vector.broadcast %add3A_126 : i32 to vector<16xi32>
    %add3A_128 = arith.addi %mul3A_125, %add3A_127 : vector<16xi32>
    %swap3A_129 = arith.constant 16 : index
    %swap3A_130 = tpu.vector_load %arg20[%swap3A_129] {strides = array<i32>} : memref<32xi32, #tpu.memory_space<vmem>>, vector<16xi32>,
    %swap3A_131 = vector.shape_cast %swap3A_130 : vector<16xi32> to vector<16xi32>
    %swap3A_132 = vector.shape_cast %add3A_128 : vector<16xi32> to vector<16xi32>
    tpu.vector_store %arg20[%swap3A_129], %swap3A_132 {strides = array<i32>} : memref<32xi32, #tpu.memory_space<vmem>>, vector<16xi32>,
    %dma_start3A_133 = arith.constant 0 : i32
    %dma_start3A_134 = arith.constant 0 : i32
    %dma_start3A_135 = tpu.memref_slice %arg2[%dma_start3A_133, %dma_start3A_134] : memref<20000x64xf32, #tpu.memory_space<hbm>> -> memref<20000x64xf32, #tpu.memory_space<hbm>>
    tpu.enqueue_indirect_dma source(%dma_start3A_135 : memref<20000x64xf32, #tpu.memory_space<hbm>>) target(%arg21 : memref<32x64xf32, #tpu.memory_space<vmem>>) offsets(%arg20 : memref<32xi32, #tpu.memory_space<vmem>>) semaphore(%arg22 : memref<!tpu.dma_semaphore, #tpu.memory_space<semaphore_mem>>)
    %dma_wait3A_136 = arith.constant 0 : i32
    %dma_wait3A_137 = arith.constant 0 : i32
    %dma_wait3A_138 = tpu.memref_slice %arg2[%dma_wait3A_136, %dma_wait3A_137] : memref<20000x64xf32, #tpu.memory_space<hbm>> -> memref<20000x64xf32, #tpu.memory_space<hbm>>
    tpu.wait_indirect_dma semaphore(%arg22 : memref<!tpu.dma_semaphore, #tpu.memory_space<semaphore_mem>>) src(%dma_wait3A_138 : memref<20000x64xf32, #tpu.memory_space<hbm>>) dst(%arg21 : memref<32x64xf32, #tpu.memory_space<vmem>>)
    "tpu.region"() ({
      %run_scoped3A_139 = tpu.sem_alloc : memref<!tpu.dma_semaphore, #tpu.memory_space<semaphore_mem>>
      %dma_start3A_140 = arith.constant 0 : i32
      %dma_start3A_141 = tpu.memref_slice %arg8[%add3A_108, %dma_start3A_140] : memref<1024x64xf32, #tpu.memory_space<hbm>> -> memref<32x64xf32, #tpu.memory_space<hbm>>
      %dma_start3A_142 = arith.constant 0 : i32
      %dma_start3A_143 = tpu.memref_slice %arg8[%add3A_108, %dma_start3A_142] : memref<1024x64xf32, #tpu.memory_space<hbm>> -> memref<32x64xf32, #tpu.memory_space<hbm>>
      tpu.enqueue_dma source(%arg21 : memref<32x64xf32, #tpu.memory_space<vmem>>) target(%dma_start3A_143 : memref<32x64xf32, #tpu.memory_space<hbm>>) target_semaphore(%run_scoped3A_139 : memref<!tpu.dma_semaphore, #tpu.memory_space<semaphore_mem>>)
      %dma_wait3A_144 = arith.constant 0 : i32
      %dma_wait3A_145 = tpu.memref_slice %arg8[%add3A_108, %dma_wait3A_144] : memref<1024x64xf32, #tpu.memory_space<hbm>> -> memref<32x64xf32, #tpu.memory_space<hbm>>
      %dma_wait3A_146 = arith.constant 0 : i32
      %dma_wait3A_147 = tpu.memref_slice %arg8[%add3A_108, %dma_wait3A_146] : memref<1024x64xf32, #tpu.memory_space<hbm>> -> memref<32x64xf32, #tpu.memory_space<hbm>>
      tpu.wait_dma2 semaphore(%run_scoped3A_139 : memref<!tpu.dma_semaphore, #tpu.memory_space<semaphore_mem>>) src(%arg21 : memref<32x64xf32, #tpu.memory_space<vmem>>) dst(%dma_wait3A_147 : memref<32x64xf32, #tpu.memory_space<hbm>>)
      tpu.yield
    }) : () -> ()
    return
  }
}

module attributes {stable_mosaic.version = 14 : i64} {
  func.func @_tc0_body(%arg0: i32, %arg1: memref<128x256xf32, #tpu.memory_space<vmem>>, %arg2: memref<256x256xf32, #tpu.memory_space<vmem>>, %arg3: memref<1x256xf32, #tpu.memory_space<vmem>>, %arg4: memref<128x256xf32, #tpu.memory_space<vmem>>) attributes {dimension_semantics = [#tpu.dimension_semantics<arbitrary>], iteration_bounds = array<i64: 79>, scalar_prefetch = 0 : i64, scratch_operands = 0 : i64, tpu.core_type = #tpu.core_type<tc>, window_params = [{transform_indices = @transform_0, window_bounds = array<i64: 128, 256>}, {pipeline_mode = #tpu.pipeline_mode<synchronous>, transform_indices = @transform_1, window_bounds = array<i64: 256, 256>}, {pipeline_mode = #tpu.pipeline_mode<synchronous>, transform_indices = @transform_2, window_bounds = array<i64: 1, 256>}, {transform_indices = @transform_3, window_bounds = array<i64: 128, 256>}]} {
    %get3A = arith.constant 0 : index
    %get3A_0 = arith.constant 0 : index
    %get3A_1 = vector.load %arg1[%get3A, %get3A_0] : memref<128x256xf32, #tpu.memory_space<vmem>>, vector<128x256xf32>
    %get3A_2 = arith.constant 0 : index
    %get3A_3 = arith.constant 0 : index
    %get3A_4 = vector.load %arg2[%get3A_2, %get3A_3] : memref<256x256xf32, #tpu.memory_space<vmem>>, vector<256x256xf32>
    %dot_general3A = arith.constant dense<0.000000e+00> : vector<128x256xf32>
    %dot_general3A_5 = tpu.matmul %get3A_1, %get3A_4, %dot_general3A {dimension_numbers = #tpu.dot_dimension_numbers<[1], [0], [0], [1], [0, 0, 1, 1], [], []>, transpose_lhs_hint = false} : vector<128x256xf32>, vector<256x256xf32>, vector<128x256xf32> -> vector<128x256xf32>
    %get3A_6 = arith.constant 0 : index
    %get3A_7 = arith.constant 0 : index
    %get3A_8 = vector.load %arg3[%get3A_6, %get3A_7] : memref<1x256xf32, #tpu.memory_space<vmem>>, vector<1x256xf32>
    %add3A = vector.broadcast %get3A_8 : vector<1x256xf32> to vector<128x256xf32>
    %add3A_9 = arith.addf %dot_general3A_5, %add3A : vector<128x256xf32>
    %swap3A = arith.constant 0 : index
    %swap3A_10 = arith.constant 0 : index
    %swap3A_11 = vector.load %arg4[%swap3A, %swap3A_10] : memref<128x256xf32, #tpu.memory_space<vmem>>, vector<128x256xf32>
    tpu.vector_store %arg4[%swap3A, %swap3A_10], %add3A_9 {strides = array<i32>} : memref<128x256xf32, #tpu.memory_space<vmem>>, vector<128x256xf32>,
    return
  }
  func.func @transform_0(%arg0: i32) -> (i32, i32) {
    %c0_i32 = arith.constant 0 : i32
    %c0_i32_0 = arith.constant 0 : i32
    return %arg0, %c0_i32 : i32, i32
  }
  func.func @transform_1(%arg0: i32) -> (i32, i32) {
    %c0_i32 = arith.constant 0 : i32
    %c0_i32_0 = arith.constant 0 : i32
    %c0_i32_1 = arith.constant 0 : i32
    return %c0_i32, %c0_i32_0 : i32, i32
  }
  func.func @transform_2(%arg0: i32) -> (i32, i32) {
    %c0_i32 = arith.constant 0 : i32
    %c0_i32_0 = arith.constant 0 : i32
    %c0_i32_1 = arith.constant 0 : i32
    return %c0_i32, %c0_i32_0 : i32, i32
  }
  func.func @transform_3(%arg0: i32) -> (i32, i32) {
    %c0_i32 = arith.constant 0 : i32
    %c0_i32_0 = arith.constant 0 : i32
    return %arg0, %c0_i32 : i32, i32
  }
}

module attributes {stable_mosaic.version = 14 : i64} {
  func.func @_tc1_body(%arg0: i32, %arg1: memref<128x256xf32, #tpu.memory_space<vmem>>, %arg2: memref<128x128xf32, #tpu.memory_space<vmem>>, %arg3: memref<128x128xf32, #tpu.memory_space<vmem>>, %arg4: memref<128x16xf32, #tpu.memory_space<vmem>>, %arg5: memref<128x256xf32, #tpu.memory_space<vmem>>, %arg6: memref<128x256xf32, #tpu.memory_space<vmem>>, %arg7: memref<1x256xf32, #tpu.memory_space<vmem>>, %arg8: memref<256x64xf32, #tpu.memory_space<vmem>>, %arg9: memref<256x64xf32, #tpu.memory_space<vmem>>, %arg10: memref<128x128xf32, #tpu.memory_space<vmem>>) attributes {dimension_semantics = [#tpu.dimension_semantics<arbitrary>], iteration_bounds = array<i64: 79>, scalar_prefetch = 0 : i64, scratch_operands = 0 : i64, tpu.core_type = #tpu.core_type<tc>, window_params = [{transform_indices = @transform_0, window_bounds = array<i64: 128, 256>}, {transform_indices = @transform_1, window_bounds = array<i64: 128, 128>}, {transform_indices = @transform_2, window_bounds = array<i64: 128, 128>}, {transform_indices = @transform_3, window_bounds = array<i64: 128, 16>}, {pipeline_mode = #tpu.pipeline_mode<synchronous>, transform_indices = @transform_4, window_bounds = array<i64: 128, 256>}, {pipeline_mode = #tpu.pipeline_mode<synchronous>, transform_indices = @transform_5, window_bounds = array<i64: 128, 256>}, {pipeline_mode = #tpu.pipeline_mode<synchronous>, transform_indices = @transform_6, window_bounds = array<i64: 1, 256>}, {pipeline_mode = #tpu.pipeline_mode<synchronous>, transform_indices = @transform_7, window_bounds = array<i64: 256, 64>}, {pipeline_mode = #tpu.pipeline_mode<synchronous>, transform_indices = @transform_8, window_bounds = array<i64: 256, 64>}, {transform_indices = @transform_9, window_bounds = array<i64: 128, 128>}]} {
    %get3A = arith.constant 0 : index
    %get3A_0 = arith.constant 0 : index
    %get3A_1 = vector.load %arg4[%get3A, %get3A_0] : memref<128x16xf32, #tpu.memory_space<vmem>>, vector<128x1xf32>
    %max3A = arith.constant 1.000000e+00 : f32
    %max3A_2 = vector.broadcast %max3A : f32 to vector<128x1xf32>
    %max3A_3 = arith.maximumf %get3A_1, %max3A_2 : vector<128x1xf32>
    %div3A = arith.constant 1.000000e+00 : f32
    %div3A_4 = vector.broadcast %div3A : f32 to vector<128x1xf32>
    %div3A_5 = arith.divf %div3A_4, %max3A_3 : vector<128x1xf32>
    %gt3A = arith.constant 0.000000e+00 : f32
    %gt3A_6 = vector.broadcast %gt3A : f32 to vector<128x1xf32>
    %gt3A_7 = arith.cmpf ogt, %get3A_1, %gt3A_6 : vector<128x1xf32>
    %jit3A = arith.constant 1.000000e+00 : f32
    %jit3A_8 = arith.constant 0.000000e+00 : f32
    %broadcast_in_dim3A = vector.broadcast %jit3A : f32 to vector<128x1xf32>
    %broadcast_in_dim3A_9 = vector.broadcast %jit3A_8 : f32 to vector<128x1xf32>
    %select_n3A = arith.select %gt3A_7, %broadcast_in_dim3A, %broadcast_in_dim3A_9 : vector<128x1xi1>, vector<128x1xf32>
    %get3A_10 = arith.constant 0 : index
    %get3A_11 = arith.constant 0 : index
    %get3A_12 = vector.load %arg1[%get3A_10, %get3A_11] : memref<128x256xf32, #tpu.memory_space<vmem>>, vector<128x256xf32>
    %get3A_13 = arith.constant 0 : index
    %get3A_14 = arith.constant 0 : index
    %get3A_15 = vector.load %arg2[%get3A_13, %get3A_14] : memref<128x128xf32, #tpu.memory_space<vmem>>, vector<128x128xf32>
    %mul3A = vector.broadcast %div3A_5 : vector<128x1xf32> to vector<128x128xf32>
    %mul3A_16 = arith.mulf %get3A_15, %mul3A : vector<128x128xf32>
    %get3A_17 = arith.constant 0 : index
    %get3A_18 = arith.constant 0 : index
    %get3A_19 = vector.load %arg5[%get3A_17, %get3A_18] : memref<128x256xf32, #tpu.memory_space<vmem>>, vector<128x256xf32>
    %dot_general3A = arith.constant dense<0.000000e+00> : vector<128x256xf32>
    %dot_general3A_20 = tpu.matmul %mul3A_16, %get3A_19, %dot_general3A {dimension_numbers = #tpu.dot_dimension_numbers<[1], [0], [0], [1], [0, 0, 1, 1], [], []>, transpose_lhs_hint = false} : vector<128x128xf32>, vector<128x256xf32>, vector<128x256xf32> -> vector<128x256xf32>
    %add3A = arith.addf %get3A_12, %dot_general3A_20 : vector<128x256xf32>
    %get3A_21 = arith.constant 0 : index
    %get3A_22 = arith.constant 0 : index
    %get3A_23 = vector.load %arg3[%get3A_21, %get3A_22] : memref<128x128xf32, #tpu.memory_space<vmem>>, vector<128x128xf32>
    %mul3A_24 = vector.broadcast %div3A_5 : vector<128x1xf32> to vector<128x128xf32>
    %mul3A_25 = arith.mulf %get3A_23, %mul3A_24 : vector<128x128xf32>
    %get3A_26 = arith.constant 0 : index
    %get3A_27 = arith.constant 0 : index
    %get3A_28 = vector.load %arg6[%get3A_26, %get3A_27] : memref<128x256xf32, #tpu.memory_space<vmem>>, vector<128x256xf32>
    %dot_general3A_29 = arith.constant dense<0.000000e+00> : vector<128x256xf32>
    %dot_general3A_30 = tpu.matmul %mul3A_25, %get3A_28, %dot_general3A_29 {dimension_numbers = #tpu.dot_dimension_numbers<[1], [0], [0], [1], [0, 0, 1, 1], [], []>, transpose_lhs_hint = false} : vector<128x128xf32>, vector<128x256xf32>, vector<128x256xf32> -> vector<128x256xf32>
    %add3A_31 = arith.addf %add3A, %dot_general3A_30 : vector<128x256xf32>
    %get3A_32 = arith.constant 0 : index
    %get3A_33 = arith.constant 0 : index
    %get3A_34 = vector.load %arg7[%get3A_32, %get3A_33] : memref<1x256xf32, #tpu.memory_space<vmem>>, vector<1x256xf32>
    %mul3A_35 = vector.broadcast %select_n3A : vector<128x1xf32> to vector<128x256xf32>
    %mul3A_36 = vector.broadcast %get3A_34 : vector<1x256xf32> to vector<128x256xf32>
    %mul3A_37 = arith.mulf %mul3A_35, %mul3A_36 : vector<128x256xf32>
    %add3A_38 = arith.addf %add3A_31, %mul3A_37 : vector<128x256xf32>
    %max3A_39 = arith.constant 0.000000e+00 : f32
    %max3A_40 = vector.broadcast %max3A_39 : f32 to vector<128x256xf32>
    %max3A_41 = arith.maximumf %add3A_38, %max3A_40 : vector<128x256xf32>
    %get3A_42 = arith.constant 0 : index
    %get3A_43 = arith.constant 0 : index
    %get3A_44 = vector.load %arg8[%get3A_42, %get3A_43] : memref<256x64xf32, #tpu.memory_space<vmem>>, vector<256x64xf32>
    %dot_general3A_45 = arith.constant dense<0.000000e+00> : vector<128x64xf32>
    %dot_general3A_46 = tpu.matmul %max3A_41, %get3A_44, %dot_general3A_45 {dimension_numbers = #tpu.dot_dimension_numbers<[1], [0], [0], [1], [0, 0, 1, 1], [], []>, transpose_lhs_hint = false} : vector<128x256xf32>, vector<256x64xf32>, vector<128x64xf32> -> vector<128x64xf32>
    %get3A_47 = arith.constant 0 : index
    %get3A_48 = arith.constant 0 : index
    %get3A_49 = vector.load %arg9[%get3A_47, %get3A_48] : memref<256x64xf32, #tpu.memory_space<vmem>>, vector<256x64xf32>
    %dot_general3A_50 = arith.constant dense<0.000000e+00> : vector<128x64xf32>
    %dot_general3A_51 = tpu.matmul %max3A_41, %get3A_49, %dot_general3A_50 {dimension_numbers = #tpu.dot_dimension_numbers<[1], [0], [0], [1], [0, 0, 1, 1], [], []>, transpose_lhs_hint = false} : vector<128x256xf32>, vector<256x64xf32>, vector<128x64xf32> -> vector<128x64xf32>
    %concatenate3A = tpu.concatenate %dot_general3A_46, %dot_general3A_51 in 1 : vector<128x64xf32>, vector<128x64xf32> -> vector<128x128xf32>
    %swap3A = arith.constant 0 : index
    %swap3A_52 = arith.constant 0 : index
    %swap3A_53 = vector.load %arg10[%swap3A, %swap3A_52] : memref<128x128xf32, #tpu.memory_space<vmem>>, vector<128x128xf32>
    tpu.vector_store %arg10[%swap3A, %swap3A_52], %concatenate3A {strides = array<i32>} : memref<128x128xf32, #tpu.memory_space<vmem>>, vector<128x128xf32>,
    return
  }
  func.func @transform_0(%arg0: i32) -> (i32, i32) {
    %c0_i32 = arith.constant 0 : i32
    %c0_i32_0 = arith.constant 0 : i32
    return %arg0, %c0_i32 : i32, i32
  }
  func.func @transform_1(%arg0: i32) -> (i32, i32) {
    %c0_i32 = arith.constant 0 : i32
    %c0_i32_0 = arith.constant 0 : i32
    return %arg0, %c0_i32 : i32, i32
  }
  func.func @transform_2(%arg0: i32) -> (i32, i32) {
    %c0_i32 = arith.constant 0 : i32
    %c0_i32_0 = arith.constant 0 : i32
    return %arg0, %c0_i32 : i32, i32
  }
  func.func @transform_3(%arg0: i32) -> (i32, i32) {
    %c0_i32 = arith.constant 0 : i32
    %c0_i32_0 = arith.constant 0 : i32
    return %arg0, %c0_i32 : i32, i32
  }
  func.func @transform_4(%arg0: i32) -> (i32, i32) {
    %c0_i32 = arith.constant 0 : i32
    %c0_i32_0 = arith.constant 0 : i32
    %c0_i32_1 = arith.constant 0 : i32
    return %c0_i32, %c0_i32_0 : i32, i32
  }
  func.func @transform_5(%arg0: i32) -> (i32, i32) {
    %c0_i32 = arith.constant 0 : i32
    %c0_i32_0 = arith.constant 0 : i32
    %c0_i32_1 = arith.constant 0 : i32
    return %c0_i32, %c0_i32_0 : i32, i32
  }
  func.func @transform_6(%arg0: i32) -> (i32, i32) {
    %c0_i32 = arith.constant 0 : i32
    %c0_i32_0 = arith.constant 0 : i32
    %c0_i32_1 = arith.constant 0 : i32
    return %c0_i32, %c0_i32_0 : i32, i32
  }
  func.func @transform_7(%arg0: i32) -> (i32, i32) {
    %c0_i32 = arith.constant 0 : i32
    %c0_i32_0 = arith.constant 0 : i32
    %c0_i32_1 = arith.constant 0 : i32
    return %c0_i32, %c0_i32_0 : i32, i32
  }
  func.func @transform_8(%arg0: i32) -> (i32, i32) {
    %c0_i32 = arith.constant 0 : i32
    %c0_i32_0 = arith.constant 0 : i32
    %c0_i32_1 = arith.constant 0 : i32
    return %c0_i32, %c0_i32_0 : i32, i32
  }
  func.func @transform_9(%arg0: i32) -> (i32, i32) {
    %c0_i32 = arith.constant 0 : i32
    %c0_i32_0 = arith.constant 0 : i32
    return %arg0, %c0_i32 : i32, i32
  }
}

module attributes {stable_mosaic.version = 14 : i64} {
  func.func @_tc2_body(%arg0: i32, %arg1: memref<2x128x64xf32, #tpu.memory_space<vmem>>, %arg2: memref<2x128x16xf32, #tpu.memory_space<vmem>>, %arg3: memref<128x64xf32, #tpu.memory_space<vmem>>, %arg4: memref<1x64xf32, #tpu.memory_space<vmem>>, %arg5: memref<1x64xf32, #tpu.memory_space<vmem>>, %arg6: memref<128x64xf32, #tpu.memory_space<vmem>>) attributes {dimension_semantics = [#tpu.dimension_semantics<arbitrary>], iteration_bounds = array<i64: 8>, scalar_prefetch = 0 : i64, scratch_operands = 0 : i64, tpu.core_type = #tpu.core_type<tc>, window_params = [{transform_indices = @transform_0, window_bounds = array<i64: 2, 128, 64>}, {transform_indices = @transform_1, window_bounds = array<i64: 2, 128, 16>}, {transform_indices = @transform_2, window_bounds = array<i64: 128, 64>}, {pipeline_mode = #tpu.pipeline_mode<synchronous>, transform_indices = @transform_3, window_bounds = array<i64: 1, 64>}, {pipeline_mode = #tpu.pipeline_mode<synchronous>, transform_indices = @transform_4, window_bounds = array<i64: 1, 64>}, {transform_indices = @transform_5, window_bounds = array<i64: 128, 64>}]} {
    %get3A = arith.constant 0 : index
    %get3A_0 = arith.constant 0 : index
    %get3A_1 = arith.constant 0 : index
    %get3A_2 = vector.load %arg2[%get3A, %get3A_0, %get3A_1] : memref<2x128x16xf32, #tpu.memory_space<vmem>>, vector<2x128x16xf32>
    %slice3A = vector.extract_strided_slice %get3A_2 {offsets = [0, 0, 0], sizes = [1, 128, 1], strides = [1, 1, 1]} : vector<2x128x16xf32> to vector<1x128x1xf32>
    %squeeze3A = vector.shape_cast %slice3A : vector<1x128x1xf32> to vector<128x1xf32>
    %slice3A_3 = vector.extract_strided_slice %get3A_2 {offsets = [1, 0, 0], sizes = [1, 128, 1], strides = [1, 1, 1]} : vector<2x128x16xf32> to vector<1x128x1xf32>
    %squeeze3A_4 = vector.shape_cast %slice3A_3 : vector<1x128x1xf32> to vector<128x1xf32>
    %add3A = arith.addf %squeeze3A, %squeeze3A_4 : vector<128x1xf32>
    %max3A = arith.constant 1.000000e+00 : f32
    %max3A_5 = vector.broadcast %max3A : f32 to vector<128x1xf32>
    %max3A_6 = arith.maximumf %add3A, %max3A_5 : vector<128x1xf32>
    %div3A = arith.constant 1.000000e+00 : f32
    %div3A_7 = vector.broadcast %div3A : f32 to vector<128x1xf32>
    %div3A_8 = arith.divf %div3A_7, %max3A_6 : vector<128x1xf32>
    %gt3A = arith.constant 0.000000e+00 : f32
    %gt3A_9 = vector.broadcast %gt3A : f32 to vector<128x1xf32>
    %gt3A_10 = arith.cmpf ogt, %add3A, %gt3A_9 : vector<128x1xf32>
    %jit3A = arith.constant 1.000000e+00 : f32
    %jit3A_11 = arith.constant 0.000000e+00 : f32
    %broadcast_in_dim3A = vector.broadcast %jit3A : f32 to vector<128x1xf32>
    %broadcast_in_dim3A_12 = vector.broadcast %jit3A_11 : f32 to vector<128x1xf32>
    %select_n3A = arith.select %gt3A_10, %broadcast_in_dim3A, %broadcast_in_dim3A_12 : vector<128x1xi1>, vector<128x1xf32>
    %get3A_13 = arith.constant 0 : index
    %get3A_14 = arith.constant 0 : index
    %get3A_15 = arith.constant 0 : index
    %get3A_16 = vector.load %arg1[%get3A_13, %get3A_14, %get3A_15] : memref<2x128x64xf32, #tpu.memory_space<vmem>>, vector<2x128x64xf32>
    %slice3A_17 = vector.extract_strided_slice %get3A_16 {offsets = [0, 0, 0], sizes = [1, 128, 64], strides = [1, 1, 1]} : vector<2x128x64xf32> to vector<1x128x64xf32>
    %squeeze3A_18 = vector.shape_cast %slice3A_17 : vector<1x128x64xf32> to vector<128x64xf32>
    %slice3A_19 = vector.extract_strided_slice %get3A_16 {offsets = [1, 0, 0], sizes = [1, 128, 64], strides = [1, 1, 1]} : vector<2x128x64xf32> to vector<1x128x64xf32>
    %squeeze3A_20 = vector.shape_cast %slice3A_19 : vector<1x128x64xf32> to vector<128x64xf32>
    %add3A_21 = arith.addf %squeeze3A_18, %squeeze3A_20 : vector<128x64xf32>
    %mul3A = vector.broadcast %div3A_8 : vector<128x1xf32> to vector<128x64xf32>
    %mul3A_22 = arith.mulf %add3A_21, %mul3A : vector<128x64xf32>
    %get3A_23 = arith.constant 0 : index
    %get3A_24 = arith.constant 0 : index
    %get3A_25 = vector.load %arg3[%get3A_23, %get3A_24] : memref<128x64xf32, #tpu.memory_space<vmem>>, vector<128x64xf32>
    %add3A_26 = arith.addf %mul3A_22, %get3A_25 : vector<128x64xf32>
    %get3A_27 = arith.constant 0 : index
    %get3A_28 = arith.constant 0 : index
    %get3A_29 = vector.load %arg4[%get3A_27, %get3A_28] : memref<1x64xf32, #tpu.memory_space<vmem>>, vector<1x64xf32>
    %add3A_30 = vector.broadcast %get3A_29 : vector<1x64xf32> to vector<128x64xf32>
    %add3A_31 = arith.addf %add3A_26, %add3A_30 : vector<128x64xf32>
    %get3A_32 = arith.constant 0 : index
    %get3A_33 = arith.constant 0 : index
    %get3A_34 = vector.load %arg5[%get3A_32, %get3A_33] : memref<1x64xf32, #tpu.memory_space<vmem>>, vector<1x64xf32>
    %mul3A_35 = vector.broadcast %select_n3A : vector<128x1xf32> to vector<128x64xf32>
    %mul3A_36 = vector.broadcast %get3A_34 : vector<1x64xf32> to vector<128x64xf32>
    %mul3A_37 = arith.mulf %mul3A_35, %mul3A_36 : vector<128x64xf32>
    %add3A_38 = arith.addf %add3A_31, %mul3A_37 : vector<128x64xf32>
    %iota3A = tpu.iota {dimensions = array<i32: 1>} : vector<128x64xi32>
    %lt3A = arith.constant 40 : i32
    %lt3A_39 = vector.broadcast %lt3A : i32 to vector<128x64xi32>
    %lt3A_40 = arith.cmpi slt, %iota3A, %lt3A_39 : vector<128x64xi32>
    %jit3A_41 = arith.constant -1.000000e+30 : f32
    %broadcast_in_dim3A_42 = vector.broadcast %jit3A_41 : f32 to vector<128x64xf32>
    %select_n3A_43 = arith.select %lt3A_40, %add3A_38, %broadcast_in_dim3A_42 : vector<128x64xi1>, vector<128x64xf32>
    %reduce_max3A = arith.constant dense<0xFF800000> : vector<128xf32>
    %reduce_max3A_44 = vector.multi_reduction <maximumf>, %select_n3A_43, %reduce_max3A [1] : vector<128x64xf32> to vector<128xf32>
    %broadcast_in_dim3A_45 = vector.shape_cast %reduce_max3A_44 : vector<128xf32> to vector<128x1xf32>
    %sub3A = vector.broadcast %broadcast_in_dim3A_45 : vector<128x1xf32> to vector<128x64xf32>
    %sub3A_46 = arith.subf %select_n3A_43, %sub3A : vector<128x64xf32>
    %exp3A = math.exp %sub3A_46 : vector<128x64xf32>
    %jit3A_47 = arith.constant 0.000000e+00 : f32
    %broadcast_in_dim3A_48 = vector.broadcast %jit3A_47 : f32 to vector<128x64xf32>
    %select_n3A_49 = arith.select %lt3A_40, %exp3A, %broadcast_in_dim3A_48 : vector<128x64xi1>, vector<128x64xf32>
    %reduce_sum3A = arith.constant dense<0.000000e+00> : vector<128xf32>
    %reduce_sum3A_50 = vector.multi_reduction <add>, %select_n3A_49, %reduce_sum3A [1] : vector<128x64xf32> to vector<128xf32>
    %broadcast_in_dim3A_51 = vector.shape_cast %reduce_sum3A_50 : vector<128xf32> to vector<128x1xf32>
    %log3A = math.log %broadcast_in_dim3A_51 : vector<128x1xf32>
    %sub3A_52 = vector.broadcast %broadcast_in_dim3A_45 : vector<128x1xf32> to vector<128x64xf32>
    %sub3A_53 = arith.subf %select_n3A_43, %sub3A_52 : vector<128x64xf32>
    %sub3A_54 = vector.broadcast %log3A : vector<128x1xf32> to vector<128x64xf32>
    %sub3A_55 = arith.subf %sub3A_53, %sub3A_54 : vector<128x64xf32>
    %swap3A = arith.constant 0 : index
    %swap3A_56 = arith.constant 0 : index
    %swap3A_57 = vector.load %arg6[%swap3A, %swap3A_56] : memref<128x64xf32, #tpu.memory_space<vmem>>, vector<128x64xf32>
    tpu.vector_store %arg6[%swap3A, %swap3A_56], %sub3A_55 {strides = array<i32>} : memref<128x64xf32, #tpu.memory_space<vmem>>, vector<128x64xf32>,
    return
  }
  func.func @transform_0(%arg0: i32) -> (i32, i32, i32) {
    %c0_i32 = arith.constant 0 : i32
    %c0_i32_0 = arith.constant 0 : i32
    %c0_i32_1 = arith.constant 0 : i32
    return %c0_i32, %arg0, %c0_i32_0 : i32, i32, i32
  }
  func.func @transform_1(%arg0: i32) -> (i32, i32, i32) {
    %c0_i32 = arith.constant 0 : i32
    %c0_i32_0 = arith.constant 0 : i32
    %c0_i32_1 = arith.constant 0 : i32
    return %c0_i32, %arg0, %c0_i32_0 : i32, i32, i32
  }
  func.func @transform_2(%arg0: i32) -> (i32, i32) {
    %c0_i32 = arith.constant 0 : i32
    %c0_i32_0 = arith.constant 0 : i32
    return %arg0, %c0_i32 : i32, i32
  }
  func.func @transform_3(%arg0: i32) -> (i32, i32) {
    %c0_i32 = arith.constant 0 : i32
    %c0_i32_0 = arith.constant 0 : i32
    %c0_i32_1 = arith.constant 0 : i32
    return %c0_i32, %c0_i32_0 : i32, i32
  }
  func.func @transform_4(%arg0: i32) -> (i32, i32) {
    %c0_i32 = arith.constant 0 : i32
    %c0_i32_0 = arith.constant 0 : i32
    %c0_i32_1 = arith.constant 0 : i32
    return %c0_i32, %c0_i32_0 : i32, i32
  }
  func.func @transform_5(%arg0: i32) -> (i32, i32) {
    %c0_i32 = arith.constant 0 : i32
    %c0_i32_0 = arith.constant 0 : i32
    return %arg0, %c0_i32 : i32, i32
  }
}

</mosaic_0001>

<sc_bundles>
// kernel: kernel.10.cloned.1.call-start
scs
__scs_entry_jumppad:
0x0: {  	(pc) =	sbr.rel $0x88, $3  }
0x1: {  	(tag) =	ssettag $0x0;
	lr =	simm.s32 $0x1  }
0x2: {  	[smem:$0x3F95] =	sst lr;
	_ =	strace $0xD0000000  }
0x3: {  	_ = 	snop  }
0x4: {  	_ = 	snop  }
0x5: {  	_ = 	snop  }
0x6: {  	_ = 	snop  }
0x7: {  	_ = 	snop  }
__scs_overlays_trampoline_lowered:
0x8: {  	[smem:$0x3FA4] =	sst s0  }
0x9: {  	[smem:$0x3FA5] =	sst s1  }
0xa: {  	[smem:$0x3FA6] =	sst s2  }
0xb: {  	[smem:$0x3FA7] =	sst s3  }
0xc: {  	[smem:$0x3FA8] =	sst s4  }
0xd: {  	[smem:$0x3FA9] =	sst s5  }
0xe: {  	[smem:$0x3FAA] =	sst s6  }
0xf: {  	[smem:$0x3FAB] =	sst s7  }
0x10: {  	[smem:$0x3FAC] =	sst s8  }
0x11: {  	[smem:$0x3FAD] =	sst s9;
	s0 =	simm.s32 @!p0 $0x0  }
0x12: {  	s1 =	sld [smem:$0x3F93];
	s0 =	simm.s32 @p0 $0x1  }
0x13: {  	[smem:$0x3FAE] =	sst s0;
	s0 =	simm.s32 @!p1 $0x0  }
0x14: {  	s2 =	sld [smem:$0x3F92];
	s0 =	simm.s32 @p1 $0x1  }
0x15: {  	[smem:$0x3FAF] =	sst s0;
	s0 =	simm.s32 @!p2 $0x0  }
0x16: {  	s3 =	sld [smem:$0x3FDB];
	s0 =	simm.s32 @p2 $0x1  }
0x17: {  	s4 =	simm.s32 $0x1BF5;
	[smem:$0x3FB1] =	sst s0  }
0x18: {  	s0 =	sld [smem:$0x3F94];
	_ =	swait.ge [sflag:s4], $0x0  }
0x19: {  	s7 =	sld [smem:$0x3F95]  }
0x1a: {  	s8 =	sadd.s32 $0xFFFFE003, lr  }
0x1b: {  	s9 =	sadd.s32 $0xFFFFFEF7, lr;
	s5 =	simm.s32 $0xFFFFFFFF;
	p2 =	slt.u32 s8, $0xFFFFF086  }
0x1c: {  	p1 =	slt.u32 s9, $0xF7A;
	s5 =	simm.s32 @!p2 $0x0  }
0x1d: {  	s5 =	simm.s32 @p1 $0x1;
	p0 =	seq.s32 s7, s2  }
0x1e: {  	s7 =	smul.u32 @!p0 $0xF7A, s2;
	p2 =	seq.s32 @!p0 s5, $0x0  }
0x1f: {  	s9 =	smul.u32 $0xF7A, s1;
	s8 =	simm.s32 @!p0 $0x1BF5;
	p2 =	por !p2, p0  }
0x20: {  	[sflag:s8] =	ssyncset.s32 @!p0 $0xFFFFF086;
	s6 =	sadd.s32 @!p0 s3, s7;
	s7 =	simm.s32 @!p0 $0x108  }
0x21: {  	s3 =	sadd.s32 s3, s9;
	s6 =	sadd.s32 @!p0 $0x88, s6;
	s7 =	simm.s32 @p2 $0x1082  }
0x22: {  	[simem:s7], [sflag:s8] =	dma.local @!p0 [hbm:s6], $0xF7A  }
0x23: {  	s9 =	sor.u32 $0xD0000000, s2;
	s6 =	simm.s32 $0x108;
	_ =	swait.ge @!p0 [sflag:s8], $0x0  }
0x24: {  	s3 =	sadd.s32 $0x88, s3;
	s6 =	simm.s32 @!p1 $0x1082;
	[sflag:s4] =	ssyncset.s32 $0xFFFFF086  }
0x25: {  	[simem:s6], [sflag:s4] =	dma.local [hbm:s3], $0xF7A  }
0x26: {  	[smem:$0x3F95] =	sst s1;
	(tag) =	ssettag s2;
	_ =	strace s9  }
0x27: {  	s1 =	sld [smem:$0x3FA5]  }
0x28: {  	s2 =	sld [smem:$0x3FA6]  }
0x29: {  	s4 =	sld [smem:$0x3FA8]  }
0x2a: {  	p0 =	seq.s32 s5, $0x0;
	s5 =	sld [smem:$0x3FA9]  }
0x2b: {  	s6 =	sld [smem:$0x3FAA]  }
0x2c: {  	s7 =	sld [smem:$0x3FAB]  }
0x2d: {  	s3 =	simm.s32 $0x108;
	s8 =	sld [smem:$0x3FAC]  }
0x2e: {  	s3 =	simm.s32 @!p0 $0x1082;
	s9 =	sld [smem:$0x3FAD]  }
0x2f: {  	lr =	sadd.s32 s0, s3;
	s0 =	sld [smem:$0x3FA4]  }
0x30: {  	s3 =	sld [smem:$0x3FA7]  }
0x31: {  	[smem:$0x3FB0] =	sst s10  }
0x32: {  	s10 =	sld [smem:$0x3FAE];
	_ =	sdelay $0x3  }
0x33: {  	p0 =	seq.s32 s10, $0x1;
	s10 =	sld [smem:$0x3FB0];
	_ =	sdelay $0x3  }
0x34: {  	[smem:$0x3FB0] =	sst s10  }
0x35: {  	s10 =	sld [smem:$0x3FAF];
	_ =	sdelay $0x3  }
0x36: {  	p1 =	seq.s32 s10, $0x1;
	s10 =	sld [smem:$0x3FB0];
	_ =	sdelay $0x3  }
0x37: {  	[smem:$0x3FB0] =	sst s10  }
0x38: {  	s10 =	sld [smem:$0x3FB1]  }
0x39: {  	_ = 	snop;
	(pc) =	sbr.ind lr, $3  }
0x3a: {  	_ = 	snop  }
0x3b: {  	_ = 	snop  }
0x3c: {  	p2 =	seq.s32 s10, $0x1;
	s10 =	sld [smem:$0x3FB0]  }
0x3d: {  	_ =	shalt  }
0x3e: {  	_ =	shalt  }
0x3f: {  	_ =	shalt  }
0x40: {  	_ =	shalt  }
0x41: {  	_ =	shalt  }
0x42: {  	_ =	shalt  }
0x43: {  	_ =	shalt  }
0x44: {  	_ =	shalt  }
0x45: {  	_ =	shalt  }
0x46: {  	_ =	shalt  }
0x47: {  	_ =	shalt  }
0x48: {  	_ =	shalt  }
0x49: {  	_ =	shalt  }
0x4a: {  	_ =	shalt  }
0x4b: {  	_ =	shalt  }
0x4c: {  	_ =	shalt  }
0x4d: {  	_ =	shalt  }
0x4e: {  	_ =	shalt  }
0x4f: {  	_ =	shalt  }
0x50: {  	_ =	shalt  }
0x51: {  	_ =	shalt  }
0x52: {  	_ =	shalt  }
0x53: {  	_ =	shalt  }
0x54: {  	_ =	shalt  }
0x55: {  	_ =	shalt  }
0x56: {  	_ =	shalt  }
0x57: {  	_ =	shalt  }
0x58: {  	_ =	shalt  }
0x59: {  	_ =	shalt  }
0x5a: {  	_ =	shalt  }
0x5b: {  	_ =	shalt  }
0x5c: {  	_ =	shalt  }
0x5d: {  	_ =	shalt  }
0x5e: {  	_ =	shalt  }
0x5f: {  	_ =	shalt  }
0x60: {  	_ =	shalt  }
0x61: {  	_ =	shalt  }
0x62: {  	_ =	shalt  }
0x63: {  	_ =	shalt  }
0x64: {  	_ =	shalt  }
0x65: {  	_ =	shalt  }
0x66: {  	_ =	shalt  }
0x67: {  	_ =	shalt  }
0x68: {  	_ =	shalt  }
0x69: {  	_ =	shalt  }
0x6a: {  	_ =	shalt  }
0x6b: {  	_ =	shalt  }
0x6c: {  	_ =	shalt  }
0x6d: {  	_ =	shalt  }
0x6e: {  	_ =	shalt  }
0x6f: {  	_ =	shalt  }
0x70: {  	_ =	shalt  }
0x71: {  	_ =	shalt  }
0x72: {  	_ =	shalt  }
0x73: {  	_ =	shalt  }
0x74: {  	_ =	shalt  }
0x75: {  	_ =	shalt  }
0x76: {  	_ =	shalt  }
0x77: {  	_ =	shalt  }
0x78: {  	_ =	shalt  }
0x79: {  	_ =	shalt  }
0x7a: {  	_ =	shalt  }
0x7b: {  	_ =	shalt  }
0x7c: {  	_ =	shalt  }
0x7d: {  	_ =	shalt  }
0x7e: {  	_ =	shalt  }
0x7f: {  	_ =	shalt  }
0x80: {  	_ =	shalt  }
0x81: {  	_ =	shalt  }
0x82: {  	_ =	shalt  }
0x83: {  	_ =	shalt  }
0x84: {  	_ =	shalt  }
0x85: {  	_ =	shalt  }
0x86: {  	_ =	shalt  }
0x87: {  	_ =	shalt  }
.Lfunc_end0:
.L_simem_size_0:
called_computation.1_lowered:
.L_overlay_start_0:
0x88: {  	s2 =	sld [smem:$0x3FD9]  }
0x89: {  	s3 =	sld [smem:$0x3FFE];
	_ =	sdelay $0x1  }
0x8a: {  	s1 =	srdreg.scid  }
0x8b: {  	s0 =	sand.u32 $0x1, s1  }
0x8c: {  	s17 =	sshll.u32 s0, $0xA;
	s2 =	sadd.s32 s3, s2  }
0x8d: {  	s2 =	sadd.s32 s2, s17  }
0x8e: {  	[smem:$0x3FBC] =	sst s2  }
0x8f: {  	_ = 	snop  }
0x90: {  	s2 =	sld [smem:$0x3FC6]  }
0x91: {  	s18 =	sld [smem:$0x3FD0];
	(tm) =	ssettm $0x1  }
0x92: {  	s4 =	sld [smem:$0x3FFB];
	_ =	sdelay $0x3  }
0x93: {  	_ =	strace s4  }
0x94: {  	s4 =	sld [smem:$0x3FFC];
	_ =	sdelay $0x3  }
0x95: {  	_ =	strace s4  }
0x96: {  	s4 =	sld [smem:$0x3FFD];
	_ =	sdelay $0x3  }
0x97: {  	_ =	strace s4  }
0x98: {  	_ =	strace $0x8FFFFFFF  }
0x99: {  	s19 =	sld [smem:$0x3FDB];
	_ =	sdelay $0x1  }
0x9a: {  	s5 =	simm.s32 $_scs_section_size  }
0x9b: {  	s6 =	simm.s32 $_size__tile_overlayer_lowered;
	s7 =	simm.s32 $_tile_overlayer_lowered  }
0x9c: {  	s22 =	simm.s32 $0x1BFF;
	s21 =	sshll.u32 s7, $0x1;
	s4 =	sadd.s32 s5, s19  }
0x9d: {  	s8 =	simm.s32 $0x0;
	s20 =	sshll.u32 s6, $0x1;
	s6 =	sadd.s32 s21, s4  }
0x9e: {  	[timem:s8], [sflag:s22] =	dma.local [hbm:s6], s20  }
0x9f: {  	_ =	swait.ge [sflag:s22], s20  }
0xa0: {  	s5 =	ssub.s32 $0x0, s20;
	[sflag:s22] =	ssyncset.done $0x0  }
0xa1: {  	[sflag:s22] =	ssyncadd.s32 s5;
	_ =	sdelay $0x1  }
0xa2: {  	s23 =	simm.s32 $0x1B8B  }
0xa3: {  	_ =	swait.ge [sflag:s23], $0x1  }
0xa4: {  	[sflag:s23] =	ssyncset.done $0x0  }
0xa5: {  	s25 =	simm.s32 $0x1B8E;
	s24 =	sld [smem:$0x3FFE];
	[sflag:s23] =	ssyncadd.s32 $0xFFFFFFFF  }
0xa6: {  	s26 =	simm.s32 $execute0_lowered;
	[smem:$0x3FD2] =	sst s25  }
0xa7: {  	s6 =	sshll.u32 s26, $0x1;
	_ =	strace $0x80000049;
	[dreg:$0x1] =	wrdreg $0xFFFFFFFF  }
0xa8: {  	s28 =	simm.s32 $_size_execute0_lowered;
	s4 =	sadd.s32 s4, s6;
	[dreg:$0x0] =	wrdreg $0x0  }
0xa9: {  	s6 =	sshll.u32 s28, $0x1;
	[dreg:$0x2] =	wrdreg s4  }
0xaa: {  	[dreg:$0x3] =	wrdreg s6  }
0xab: {  	[dreg:$0x4] =	wrdreg $0xC0  }
0xac: {  	_ =	task [dreg:s8], $0x5FFFF  }
0xad: {  	[dreg:$0x1] =	wrdreg $0xFFFFFFFF  }
0xae: {  	[dreg:$0x0] =	wrdreg $0x60  }
0xaf: {  	[dreg:$0x2] =	wrdreg s24  }
0xb0: {  	[dreg:$0x3] =	wrdreg s2  }
0xb1: {  	[dreg:$0x4] =	wrdreg s18  }
0xb2: {  	[dreg:$0x5] =	wrdreg $0x0  }
0xb3: {  	[dreg:$0x6] =	wrdreg $0x9C400  }
0xb4: {  	[dreg:$0x7] =	wrdreg $0x9  }
0xb5: {  	_ =	task.clear_ibuf [dreg:s8], $0x8FFFF;
	_ =	strace $0x90000049  }
0xb6: {  	s29 =	simm.s32 $0x9;
	_ =	strace $0x8000004B  }
0xb7: {  	_ =	swait.ge [sflag:s29], $0x1  }
0xb8: {  	[sflag:s29] =	ssyncadd.s32 $0xFFFFFFFF  }
0xb9: {  	_ =	strace $0x9000004B  }
0xba: {  	_ =	sfence  }
0xbb: {  	s30 =	sld [smem:$0x0];
	_ =	sdelay $0x2  }
0xbc: {  	s31 =	sshll.u32 s1, $0xD;
	s1 =	sshrl.u32 s1, $0x2  }
0xbd: {  	s3 =	sand.u32 $0x4000, s31;
	s1 =	sadd.s32 s1, s30  }
0xbe: {  	s0 =	sor.u32 s3, s0;
	s1 =	sshll.u32 s1, $0x11  }
0xbf: {  	s0 =	sor.u32 s1, s0  }
0xc0: {  	s0 =	sadd.s32 $0x8F2B, s0  }
0xc1: {  	[sflag:s0] =	ssyncadd.remote.s32 $0x1  }
0xc2: {  	_ =	sfence.sel $0xFFFF  }
0xc3: {  	[dreg:$0x0] =	wrdreg $0xFFFFFFFF;
	(pc) =	sbr.abs _section_cstart, $3  }
0xc4: {  	[dreg:$0x1] =	wrdreg $0xFFFFFFFF  }
0xc5: {  	_ =	task.clear_ibuf [dreg:s8], $0x2FFFF;
	_ =	strace $0x9FFFFFFF  }
0xc6: {  	(tm) =	ssettm $0x7FFFFFFF  }
0xc7: {  	_ =	shalt  }
tec
execute0_lowered:
.L_overlay_start_1:
0x0: {  	(tag) =	ssettag $0x1  }
0x1: {  	s5 =	rddreg [dreg:$0x0]  }
0x2: {  	s6 =	rddreg [dreg:$0x1]  }
0x3: {  	s7 =	rddreg [dreg:$0x2]  }
0x4: {  	s1 =	rddreg [dreg:$0x3]  }
0x5: {  	s2 =	rddreg [dreg:$0x4];
	s3 =	simm.s32 $0x0  }
0x6: {  	s4 =	srdreg.scid;
	s0 =	stileid.u32;
	s15 =	simm.s32 $0x1  }
0x7: {  	[smem:$0x7FF] =	sst s3;
	s8 =	sand.u32 $0x1, s4;
	s4 =	sadd.s32 $0x2800, s5  }
0x8: {  	s10 =	sshll.u32 s0, $0x5;
	s11 =	sadd.s32 $0x100E00, s5;
	s23 =	smul.u32 $0x27, s0  }
0x9: {  	s12 =	sadd.s32 $0xFBE00, s5;
	s22 =	sshll.u32 s0, $0x9;
	s18 =	smul.u32 $0x1400, s0  }
0xa: {  	p0 =	sne.s32 s0, $0x0;
	s19 =	sor.u32 $0x10, s0;
	s14 =	smul.u32 $0x271, s8  }
0xb: {  	_ =	strace $0x8000004A;
	s9 =	sshll.u32 s8, $0x9;
	s16 =	smul.u32 $0x13880, s8  }
0xc: {  	s17 =	ssub.s32 $0x2, s8;
	s15 =	simm.s32 @!p0 $0x0;
	s21 =	smul.u32 $0x5000, s19  }
0xd: {  	s9 =	sor.u32 s10, s9;
	s10 =	sadd.s32 s22, s5;
	s24 =	sshrl.u32 s17, $0x1  }
0xe: {  	s13 =	sshll.u32 s9, $0x3;
	s25 =	sshrl.u32 s16, $0x3;
	s16 =	sshrl.u32 s9, $0x3  }
0xf: {  	s5 =	sadd.s32 s13, s5;
	s13 =	sadd.s32 s23, s14;
	s14 =	ssub.s32 s17, s24  }
0x10: {  	s17 =	smul.u32 $0x5000, s0;
	s23 =	sshrl.u32 s18, $0x2;
	s24 =	sshrl.u32 s21, $0x2  }
0x11: {  	s18 =	sor.u32 $0x50, s0;
	s13 =	sadd.s32 s15, s13;
	s15 =	sadd.s32 $0x270, s25  }
0x12: {  	s5 =	sadd.s32 $0x2DA00, s5;
	s22 =	smax.u32 s14, $0x1;
	s25 =	sor.u32 $0x20, s0  }
0x13: {  	s14 =	sor.u32 $0x40, s0;
	s13 =	sshll.u32 s13, $0x4;
	s28 =	sadd.s32 s12, s15  }
0x14: {  	[dreg:$0xe] =	wrdreg s5;
	s20 =	sshrl.u32 s17, $0x2;
	s17 =	smul.u32 $0x1400, s14  }
0x15: {  	[dreg:$0xf] =	wrdreg s22;
	s22 =	smul.u32 $0x1400, s18;
	s26 =	sadd.s32 s11, s13  }
0x16: {  	s13 =	sadd.s32 s12, s13;
	s11 =	sadd.s32 s11, s15;
	[dreg:$0x9] =	wrdreg s28  }
0x17: {  	s12 =	sshll.u32 s0, $0x3;
	s15 =	sshll.u32 s0, $0x7;
	[dreg:$0x6] =	wrdreg s26  }
0x18: {  	s5 =	sadd.s32 s20, s1;
	s28 =	smul.u32 $0x5000, s25;
	[dreg:$0x7] =	wrdreg s13  }
0x19: {  	s20 =	smul.u32 $0x5000, s18;
	s18 =	simm.s32 $0x13890;
	[dreg:$0x8] =	wrdreg s11  }
0x1a: {  	s13 =	sshll.u32 s8, $0xD;
	s11 =	sadd.s32 s6, s12;
	s8 =	sshll.u32 s8, $0xB  }
0x1b: {  	s7 =	sadd.s32 s7, s15;
	s6 =	sadd.s32 s6, s16;
	[dreg:$0x10] =	wrdreg s5  }
0x1c: {  	s5 =	sadd.s32 s23, s2;
	s26 =	sadd.s32 s24, s1;
	s15 =	smul.u32 $0x5000, s14  }
0x1d: {  	s21 =	sshrl.u32 s17, $0x2;
	s23 =	sor.u32 $0x60, s0;
	[dreg:$0xa] =	wrdreg s11  }
0x1e: {  	s14 =	simm.s32 $0xE950;
	s17 =	simm.s32 $0x40;
	[dreg:$0xd] =	wrdreg s6  }
0x1f: {  	s10 =	sadd.s32 s13, s10;
	[dreg:$0x11] =	wrdreg s5;
	s24 =	smul.u32 $0x5000, s23  }
0x20: {  	s7 =	sadd.s32 s8, s7;
	[dreg:$0x12] =	wrdreg s26;
	s8 =	smul.u32 $0x1400, s23  }
0x21: {  	s11 =	sor.u32 $0x30, s0;
	[dreg:$0xc] =	wrdreg s7;
	s7 =	smul.u32 $0x1400, s19  }
0x22: {  	s5 =	sshrl.u32 s28, $0x2;
	s0 =	sor.u32 $0x70, s0;
	s12 =	smul.u32 $0x5000, s11  }
0x23: {  	s10 =	sadd.s32 $0x29A00, s10;
	s5 =	sadd.s32 s5, s1;
	s13 =	smul.u32 $0x1400, s11  }
0x24: {  	s16 =	sshrl.u32 s15, $0x2;
	s26 =	smul.u32 $0x5000, s0;
	p1 =	sgt.u32 s0, $0x7C  }
0x25: {  	s0 =	smul.u32 $0x1400, s0;
	s11 =	simm.s32 $0x10B50;
	[dreg:$0xb] =	wrdreg s10  }
0x26: {  	s15 =	simm.s32 $0xE9D0;
	s10 =	smul.u32 $0x1400, s25;
	[dreg:$0x14] =	wrdreg s5  }
0x27: {  	s19 =	sadd.s32 s16, s1;
	s28 =	sshrl.u32 s8, $0x2;
	s8 =	simm.s32 $0x3  }
0x28: {  	s16 =	simm.s32 $0x13850;
	s9 =	sshrl.u32 s7, $0x2;
	s5 =	sshrl.u32 s13, $0x2  }
0x29: {  	[dreg:$0x18] =	wrdreg s19;
	s29 =	sadd.s32 s28, s2;
	s0 =	sshrl.u32 s0, $0x2  }
0x2a: {  	s13 =	simm.s32 $0x2;
	s19 =	simm.s32 $0x14890;
	s6 =	sadd.s32 s9, s2  }
0x2b: {  	s7 =	sshrl.u32 s10, $0x2;
	s5 =	sadd.s32 s5, s2;
	s31 =	sadd.s32 s0, s2  }
0x2c: {  	s0 =	simm.s32 $0x1;
	s9 =	simm.s32 $0xC350;
	s10 =	simm.s32 $0x80  }
0x2d: {  	[dreg:$0x13] =	wrdreg s6;
	s6 =	sshrl.u32 s12, $0x2;
	s7 =	sadd.s32 s7, s2  }
0x2e: {  	[dreg:$0x17] =	wrdreg s5;
	s5 =	sshrl.u32 s20, $0x2;
	s12 =	simm.s32 $0x12B50  }
0x2f: {  	s20 =	simm.s32 $0x14C90;
	[dreg:$0x15] =	wrdreg s7;
	s6 =	sadd.s32 s6, s1  }
0x30: {  	s7 =	sshrl.u32 s22, $0x2;
	s5 =	sadd.s32 s5, s1;
	[dreg:$0x16] =	wrdreg s6  }
0x31: {  	s22 =	simm.s32 $0x0;
	s6 =	sadd.s32 s21, s2;
	[dreg:$0x1a] =	wrdreg s5  }
0x32: {  	s25 =	sadd.s32 s7, s2;
	s5 =	sshrl.u32 s26, $0x2;
	s7 =	simm.s32 $0x13350  }
0x33: {  	s21 =	simm.s32 $0x14CB0;
	[dreg:$0x19] =	wrdreg s6;
	s6 =	sshrl.u32 s24, $0x2  }
0x34: {  	v0 =	vimm.f32 $0.0e+00;
	vm0 =	vcmask $0x300;
	[dreg:$0x1b] =	wrdreg s25;
	s30 =	sadd.s32 s5, s1;
	s6 =	sadd.s32 s6, s1  }
0x35: {  	v1 =	vsel vm0, $0x3F800000, v0;
	s5 =	simm.s32 $0xEB50;
	[dreg:$0x1c] =	wrdreg s6;
	s6 =	simm.s32 $0x4  }
.LBB2_1:
0x36: {  	s23 =	simm.s32 $0x0  }
.LBB2_2:
0x37: {  	p2 =	sne.s32 s23, $0x4F00  }
.Ltmp0:
0x38: {  	s24 =	sshra.s32 s23, $0x2;
	(pc) =	sbr.rel @p2 .LBB2_2-.Ltmp0, $4  }
0x39: {  	[tilespmem:s24+$0xEB50] =	vst v0  }
0x3a: {  	[tilespmem:s24+$0xEB60] =	vst v0  }
0x3b: {  	[tilespmem:s24+$0xEB70] =	vst v0  }
0x3c: {  	s23 =	sadd.s32 $0x100, s23;
	[tilespmem:s24+$0xEB80] =	vst v0  }
0x3d: {  	s23 =	simm.s32 $0x40;
	s24 =	simm.s32 $0x0  }
.LBB2_4:
0x3e: {  	p2 =	sne.s32 s23, $0x13C0;
	[tilespmem:s24+$0x13350] =	vst v0;
	s24 =	smov.u32 s23;
	s23 =	sadd.s32 $0x40, s23  }
.Ltmp1:
0x3f: {  	(pc) =	sbr.rel @p2 .LBB2_4-.Ltmp1, $2  }
0x40: {  	_ =	sdelay $0x2  }
0x41: {  	s24 =	sshra.s32 s24, $0x2  }
0x42: {  	[tilespmem:s24+$0x13350] =	vst v0;
	s23 =	rddreg [dreg:$0x10]  }
0x43: {  	[spmem:s23] =	stream.linear.scatter [tilespmem:s5], [sflag:$0x4], $0x1400, $0x38;
	[tilespmem:$0x154B0] =	vst v63  }
0x44: {  	_ =	swait.ge [sflag:s6], $0x1400  }
0x45: {  	[sflag:s6] =	ssyncset.done $0x0  }
0x46: {  	s24 =	rddreg [dreg:$0x11];
	[sflag:s6] =	ssyncadd.s32 $0xFFFFEC00  }
0x47: {  	[spmem:s24] =	stream.linear.scatter [tilespmem:s7], [sflag:$0x3], $0x500, $0x38;
	[tilespmem:$0x154B0] =	vst v63  }
0x48: {  	_ =	swait.ge [sflag:s8], $0x500  }
0x49: {  	[sflag:s8] =	ssyncset.done $0x0  }
0x4a: {  	s25 =	rddreg [dreg:$0x12];
	[sflag:s8] =	ssyncadd.s32 $0xFFFFFB00  }
0x4b: {  	[spmem:s25] =	stream.linear.scatter [tilespmem:s5], [sflag:$0x4], $0x1400, $0x38;
	[tilespmem:$0x154B0] =	vst v63  }
0x4c: {  	_ =	swait.ge [sflag:s6], $0x1400  }
0x4d: {  	[sflag:s6] =	ssyncset.done $0x0  }
0x4e: {  	s26 =	rddreg [dreg:$0x13];
	[sflag:s6] =	ssyncadd.s32 $0xFFFFEC00  }
0x4f: {  	[spmem:s26] =	stream.linear.scatter [tilespmem:s7], [sflag:$0x3], $0x500, $0x38;
	[tilespmem:$0x154B0] =	vst v63  }
0x50: {  	_ =	swait.ge [sflag:s8], $0x500  }
0x51: {  	[sflag:s8] =	ssyncset.done $0x0  }
0x52: {  	s28 =	rddreg [dreg:$0x14];
	[sflag:s8] =	ssyncadd.s32 $0xFFFFFB00  }
0x53: {  	[spmem:s28] =	stream.linear.scatter [tilespmem:s5], [sflag:$0x4], $0x1400, $0x38;
	[tilespmem:$0x154B0] =	vst v63  }
0x54: {  	_ =	swait.ge [sflag:s6], $0x1400  }
0x55: {  	[sflag:s6] =	ssyncset.done $0x0  }
0x56: {  	s24 =	rddreg [dreg:$0x15];
	[sflag:s6] =	ssyncadd.s32 $0xFFFFEC00  }
0x57: {  	[spmem:s24] =	stream.linear.scatter [tilespmem:s7], [sflag:$0x3], $0x500, $0x38;
	[tilespmem:$0x154B0] =	vst v63  }
0x58: {  	_ =	swait.ge [sflag:s8], $0x500  }
0x59: {  	[sflag:s8] =	ssyncset.done $0x0  }
0x5a: {  	s25 =	rddreg [dreg:$0x16];
	[sflag:s8] =	ssyncadd.s32 $0xFFFFFB00  }
0x5b: {  	[spmem:s25] =	stream.linear.scatter [tilespmem:s5], [sflag:$0x4], $0x1400, $0x38;
	[tilespmem:$0x154B0] =	vst v63  }
0x5c: {  	_ =	swait.ge [sflag:s6], $0x1400  }
0x5d: {  	[sflag:s6] =	ssyncset.done $0x0  }
0x5e: {  	s26 =	rddreg [dreg:$0x17];
	[sflag:s6] =	ssyncadd.s32 $0xFFFFEC00  }
0x5f: {  	[spmem:s26] =	stream.linear.scatter [tilespmem:s7], [sflag:$0x3], $0x500, $0x38;
	[tilespmem:$0x154B0] =	vst v63  }
0x60: {  	_ =	swait.ge [sflag:s8], $0x500  }
0x61: {  	[sflag:s8] =	ssyncset.done $0x0  }
0x62: {  	s28 =	rddreg [dreg:$0x18];
	[sflag:s8] =	ssyncadd.s32 $0xFFFFFB00  }
0x63: {  	[spmem:s28] =	stream.linear.scatter [tilespmem:s5], [sflag:$0x4], $0x1400, $0x38;
	[tilespmem:$0x154B0] =	vst v63  }
0x64: {  	_ =	swait.ge [sflag:s6], $0x1400  }
0x65: {  	[sflag:s6] =	ssyncset.done $0x0  }
0x66: {  	s24 =	rddreg [dreg:$0x19];
	[sflag:s6] =	ssyncadd.s32 $0xFFFFEC00  }
0x67: {  	[spmem:s24] =	stream.linear.scatter [tilespmem:s7], [sflag:$0x3], $0x500, $0x38;
	[tilespmem:$0x154B0] =	vst v63  }
0x68: {  	_ =	swait.ge [sflag:s8], $0x500  }
0x69: {  	[sflag:s8] =	ssyncset.done $0x0  }
0x6a: {  	s25 =	rddreg [dreg:$0x1a];
	[sflag:s8] =	ssyncadd.s32 $0xFFFFFB00  }
0x6b: {  	[spmem:s25] =	stream.linear.scatter [tilespmem:s5], [sflag:$0x4], $0x1400, $0x38;
	[tilespmem:$0x154B0] =	vst v63  }
0x6c: {  	_ =	swait.ge [sflag:s6], $0x1400  }
0x6d: {  	[sflag:s6] =	ssyncset.done $0x0  }
0x6e: {  	s26 =	rddreg [dreg:$0x1b];
	[sflag:s6] =	ssyncadd.s32 $0xFFFFEC00  }
0x6f: {  	[spmem:s26] =	stream.linear.scatter [tilespmem:s7], [sflag:$0x3], $0x500, $0x38;
	[tilespmem:$0x154B0] =	vst v63  }
0x70: {  	_ =	swait.ge [sflag:s8], $0x500  }
0x71: {  	[sflag:s8] =	ssyncset.done $0x0  }
0x72: {  	s28 =	rddreg [dreg:$0x1c];
	[sflag:s8] =	ssyncadd.s32 $0xFFFFFB00  }
0x73: {  	[spmem:s28] =	stream.linear.scatter [tilespmem:s5], [sflag:$0x4], $0x1400, $0x38;
	[tilespmem:$0x154B0] =	vst v63  }
0x74: {  	_ =	swait.ge [sflag:s6], $0x1400  }
0x75: {  	[sflag:s6] =	ssyncset.done $0x0  }
0x76: {  	[sflag:s6] =	ssyncadd.s32 $0xFFFFEC00  }
0x77: {  	[spmem:s29] =	stream.linear.scatter [tilespmem:s7], [sflag:$0x3], $0x500, $0x38;
	[tilespmem:$0x154B0] =	vst v63  }
0x78: {  	_ =	swait.ge [sflag:s8], $0x500  }
0x79: {  	[sflag:s8] =	ssyncset.done $0x0  }
0x7a: {  	s23 =	simm.s32 @!p1 $0xEB50;
	[sflag:s8] =	ssyncadd.s32 $0xFFFFFB00  }
0x7b: {  	[spmem:s30] =	stream.linear.scatter @!p1 [tilespmem:s23], [sflag:$0x4], $0x1400, $0x38;
	[tilespmem:$0x154B0] =	vst v63  }
0x7c: {  	s23 =	simm.s32 @!p1 $0x4  }
0x7d: {  	_ =	swait.ge @!p1 [sflag:s23], $0x1400  }
0x7e: {  	[sflag:s23] =	ssyncset.done @!p1 $0x0  }
0x7f: {  	[sflag:s23] =	ssyncadd.s32 @!p1 $0xFFFFEC00;
	s23 =	simm.s32 @!p1 $0x13350  }
0x80: {  	[spmem:s31] =	stream.linear.scatter @!p1 [tilespmem:s23], [sflag:$0x3], $0x500, $0x38;
	[tilespmem:$0x154B0] =	vst v63  }
0x81: {  	s23 =	simm.s32 @!p1 $0x3  }
0x82: {  	_ =	swait.ge @!p1 [sflag:s23], $0x500  }
0x83: {  	[sflag:s23] =	ssyncset.done @!p1 $0x0  }
0x84: {  	s24 =	simm.s32 $0x0;
	[sflag:s23] =	ssyncadd.s32 @!p1 $0xFFFFFB00;
	s23 =	simm.s32 $0x40  }
.LBB2_6:
0x85: {  	p2 =	sne.s32 s23, $0x1FC0;
	[tilespmem:s24+$0x12B50] =	vst v1;
	s24 =	smov.u32 s23;
	s23 =	sadd.s32 $0x40, s23  }
.Ltmp2:
0x86: {  	(pc) =	sbr.rel @p2 .LBB2_6-.Ltmp2, $2  }
0x87: {  	_ =	sdelay $0x2  }
0x88: {  	s24 =	sshra.s32 s24, $0x2  }
0x89: {  	[tilespmem:s24+$0x12B50] =	vst v1  }
0x8a: {  	[bflag:$0x0] =	sbarrier.arrive $0xFFFF  }
0x8b: {  	s23 =	rddreg [dreg:$0x6]  }
0x8c: {  	[tilespmem:s9], [sflag:$0x3] =	stream.linear.gather [hbm4b:s23+s3], $0x1380, $0x38;
	[tilespmem:$0x154B0] =	vst v63  }
0x8d: {  	_ =	swait.ge [sflag:s8], $0x1380  }
0x8e: {  	[sflag:s8] =	ssyncset.done $0x0  }
0x8f: {  	s28 =	simm.s32 $0xD750;
	s26 =	rddreg [dreg:$0x7];
	[sflag:s8] =	ssyncadd.s32 $0xFFFFEC80  }
0x90: {  	[tilespmem:s28], [sflag:$0x3] =	stream.linear.gather [hbm4b:s26+s3], $0x1380, $0x38;
	[tilespmem:$0x154B0] =	vst v63  }
0x91: {  	_ =	swait.ge [sflag:s8], $0x1380  }
0x92: {  	s24 =	simm.s32 @!p0 $0xD6D0;
	[sflag:s8] =	ssyncset.done $0x0  }
0x93: {  	s23 =	simm.s32 @!p0 $0x0;
	s25 =	rddreg [dreg:$0x8];
	[sflag:s8] =	ssyncadd.s32 $0xFFFFEC80  }
0x94: {  	[tilespmem:s24], [sflag:$0x3] =	stream.linear.gather @!p0 [hbm4b:s25+s23], $0x80, $0x38;
	[tilespmem:$0x154B0] =	vst v63  }
0x95: {  	s24 =	simm.s32 @!p0 $0x3  }
0x96: {  	_ =	swait.ge @!p0 [sflag:s24], $0x80  }
0x97: {  	[sflag:s24] =	ssyncset.done @!p0 $0x0  }
0x98: {  	s25 =	simm.s32 @!p0 $0xEAD0;
	s26 =	rddreg [dreg:$0x9];
	[sflag:s24] =	ssyncadd.s32 @!p0 $0xFFFFFF80  }
0x99: {  	[tilespmem:s25], [sflag:$0x3] =	stream.linear.gather @!p0 [hbm4b:s26+s23], $0x80, $0x38;
	[tilespmem:$0x154B0] =	vst v63  }
0x9a: {  	_ =	swait.ge @!p0 [sflag:s24], $0x80  }
0x9b: {  	[sflag:s24] =	ssyncset.done @!p0 $0x0  }
0x9c: {  	s23 =	simm.s32 $0xC390;
	[sflag:s24] =	ssyncadd.s32 @!p0 $0xFFFFFF80;
	s24 =	simm.s32 @!p0 $0x28  }
0x9d: {  	v4 =	vld [tilespmem:s23+$0xFFFFFFC0];
	s24 =	simm.s32 @p0 $0x27  }
0x9e: {  	v6 =	vld [tilespmem:s23+$0xFFFFFFD0];
	p2 =	sne.s32 s24, $0x1  }
.Ltmp3:
0x9f: {  	v5 =	vld [tilespmem:s23+$0xFFFFFFE0];
	(pc) =	sbr.rel @!p2 .LBB2_9-.Ltmp3, $4  }
0xa0: {  	v2 =	vld [tilespmem:s23+$0x0]  }
0xa1: {  	v3 =	vld [tilespmem:s23+$0x10]  }
0xa2: {  	v7 =	vshll.u32 v4, $0x1;
	v4 =	vld [tilespmem:s23+$0x20]  }
0xa3: {  	s25 =	simm.s32 $0xC390;
	s24 =	sadd.s32 $0xFFFFFFFF, s24;
	[tilespmem:s23+$0xFFFFFFC0] =	vst v7;
	v7 =	vshll.u32 v6, $0x1;
	v6 =	vld [tilespmem:s23+$0x30]  }
.LBB2_8:
0xa4: {  	p2 =	sne.s32 s24, $0x1;
	[tilespmem:s23+$0xFFFFFFD0] =	vst v7;
	v5 =	vshll.u32 v5, $0x1;
	v7 =	vld [tilespmem:s23+$0xFFFFFFF0];
	s25 =	sadd.s32 $0x80, s25  }
0xa5: {  	v8 =	vld [tilespmem:s25+$0xFFFFFFC0];
	[tilespmem:s23+$0xFFFFFFE0] =	vst v5;
	v2 =	vshll.u32 v2, $0x1  }
0xa6: {  	v9 =	vld [tilespmem:s25+$0xFFFFFFD0];
	[tilespmem:s23+$0x0] =	vst v2;
	v2 =	vshll.u32 v3, $0x1  }
.Ltmp4:
0xa7: {  	v5 =	vld [tilespmem:s25+$0xFFFFFFE0];
	[tilespmem:s23+$0x10] =	vst v2;
	v3 =	vshll.u32 v4, $0x1;
	(pc) =	sbr.rel @p2 .LBB2_8-.Ltmp4, $4  }
0xa8: {  	v2 =	vld [tilespmem:s25+$0x0];
	[tilespmem:s23+$0x20] =	vst v3;
	v4 =	vshll.u32 v6, $0x1  }
0xa9: {  	v3 =	vld [tilespmem:s25+$0x10];
	v6 =	vshll.u32 v7, $0x1;
	[tilespmem:s23+$0x30] =	vst v4  }
0xaa: {  	v7 =	vshll.u32 v8, $0x1;
	v4 =	vld [tilespmem:s25+$0x20];
	[tilespmem:s23+$0xFFFFFFF0] =	vst v6;
	s23 =	smov.u32 s25  }
0xab: {  	s24 =	sadd.s32 $0xFFFFFFFF, s24;
	[tilespmem:s25+$0xFFFFFFC0] =	vst v7;
	v7 =	vshll.u32 v9, $0x1;
	v6 =	vld [tilespmem:s25+$0x30]  }
.LBB2_9:
0xac: {  	[tilespmem:s23+$0xFFFFFFD0] =	vst v7;
	v5 =	vshll.u32 v5, $0x1;
	v63 =	vld [tilespmem:s23+$0xFFFFFFF0]  }
0xad: {  	[tilespmem:s23+$0xFFFFFFE0] =	vst v5;
	v2 =	vshll.u32 v2, $0x1  }
0xae: {  	[tilespmem:s23+$0x0] =	vst v2;
	v2 =	vshll.u32 v3, $0x1  }
0xaf: {  	[tilespmem:s23+$0x10] =	vst v2;
	v2 =	vshll.u32 v4, $0x1  }
0xb0: {  	[tilespmem:s23+$0x20] =	vst v2;
	v2 =	vshll.u32 v6, $0x1  }
0xb1: {  	v3 =	vshll.u32 v63, $0x1;
	[tilespmem:s23+$0x30] =	vst v2  }
0xb2: {  	[tilespmem:s23+$0xFFFFFFF0] =	vst v3  }
0xb3: {  	[tilespmem:s5], [sflag:$0x1] =	stream.indirect.gather [hbm4b:s4+s10], $0x40, s9, s10, $0xb8;
	[tilespmem:$0x154B0] =	vst v63  }
0xb4: {  	_ =	swait.ge [sflag:s0], $0x2000  }
0xb5: {  	[sflag:s0] =	ssyncset.done $0x0  }
0xb6: {  	s24 =	simm.s32 $0xC3D0;
	[sflag:s0] =	ssyncadd.s32 $0xFFFFE000  }
0xb7: {  	[tilespmem:s11], [sflag:$0x2] =	stream.indirect.gather [hbm4b:s4+s10], $0x40, s24, s10, $0xb8;
	[tilespmem:$0x154B0] =	vst v63  }
0xb8: {  	s25 =	simm.s32 $0xD750  }
0xb9: {  	[spmem:s1] =	stream.indirect.scatter.add.f32 [tilespmem:s5], [sflag:$0x3], $0x40, s25, s10, $0xb8;
	[tilespmem:$0x154B0] =	vst v63  }
0xba: {  	_ =	swait.ge [sflag:s8], $0x2000  }
0xbb: {  	[sflag:s8] =	ssyncset.done $0x0  }
0xbc: {  	[sflag:s8] =	ssyncadd.s32 $0xFFFFE000  }
0xbd: {  	[spmem:s2] =	stream.indirect.scatter.add.f32 [tilespmem:s12], [sflag:$0x3], $0x10, s25, s10, $0xb8;
	[tilespmem:$0x154B0] =	vst v63  }
0xbe: {  	_ =	swait.ge [sflag:s8], $0x800  }
0xbf: {  	[sflag:s8] =	ssyncset.done $0x0  }
0xc0: {  	[sflag:s8] =	ssyncadd.s32 $0xFFFFF800  }
0xc1: {  	_ =	swait.ge [sflag:s13], $0x2000  }
0xc2: {  	[sflag:s13] =	ssyncset.done $0x0  }
0xc3: {  	s26 =	simm.s32 $0xC450;
	[sflag:s13] =	ssyncadd.s32 $0xFFFFE000  }
0xc4: {  	[tilespmem:s5], [sflag:$0x1] =	stream.indirect.gather [hbm4b:s4+s10], $0x40, s26, s10, $0xb8;
	[tilespmem:$0x154B0] =	vst v63  }
0xc5: {  	s28 =	simm.s32 $0xD7D0  }
0xc6: {  	[spmem:s1] =	stream.indirect.scatter.add.f32 [tilespmem:s11], [sflag:$0x3], $0x40, s28, s10, $0xb8;
	[tilespmem:$0x154B0] =	vst v63  }
0xc7: {  	_ =	swait.ge [sflag:s8], $0x2000  }
0xc8: {  	[sflag:s8] =	ssyncset.done $0x0  }
0xc9: {  	[sflag:s8] =	ssyncadd.s32 $0xFFFFE000  }
0xca: {  	[spmem:s2] =	stream.indirect.scatter.add.f32 [tilespmem:s12], [sflag:$0x3], $0x10, s28, s10, $0xb8;
	[tilespmem:$0x154B0] =	vst v63  }
0xcb: {  	_ =	swait.ge [sflag:s8], $0x800  }
0xcc: {  	s23 =	simm.s32 $0x400;
	[sflag:s8] =	ssyncset.done $0x0  }
.LBB2_10:
0xcd: {  	p2 =	sne.s32 s23, $0x4400  }
0xce: {  	[sflag:s8] =	ssyncadd.s32 $0xFFFFF800;
	s24 =	smov.u32 s23;
	s23 =	sadd.s32 $0x400, s23  }
0xcf: {  	_ =	swait.ge [sflag:s0], $0x2000  }
0xd0: {  	s24 =	sshra.s32 s24, $0x2;
	[sflag:s0] =	ssyncset.done $0x0  }
0xd1: {  	s25 =	sadd.s32 $0xC3D0, s24;
	[sflag:s0] =	ssyncadd.s32 $0xFFFFE000  }
0xd2: {  	[tilespmem:s11], [sflag:$0x2] =	stream.indirect.gather [hbm4b:s4+s10], $0x40, s25, s10, $0xb8;
	[tilespmem:$0x154B0] =	vst v63  }
0xd3: {  	s25 =	sadd.s32 $0xD750, s24  }
0xd4: {  	[spmem:s1] =	stream.indirect.scatter.add.f32 [tilespmem:s5], [sflag:$0x3], $0x40, s25, s10, $0xb8;
	[tilespmem:$0x154B0] =	vst v63  }
0xd5: {  	_ =	swait.ge [sflag:s8], $0x2000  }
0xd6: {  	[sflag:s8] =	ssyncset.done $0x0  }
0xd7: {  	[sflag:s8] =	ssyncadd.s32 $0xFFFFE000  }
0xd8: {  	[spmem:s2] =	stream.indirect.scatter.add.f32 [tilespmem:s12], [sflag:$0x3], $0x10, s25, s10, $0xb8;
	[tilespmem:$0x154B0] =	vst v63  }
0xd9: {  	_ =	swait.ge [sflag:s8], $0x800  }
0xda: {  	[sflag:s8] =	ssyncset.done $0x0  }
0xdb: {  	[sflag:s8] =	ssyncadd.s32 $0xFFFFF800  }
0xdc: {  	_ =	swait.ge [sflag:s13], $0x2000  }
0xdd: {  	[sflag:s13] =	ssyncset.done $0x0  }
0xde: {  	s25 =	sadd.s32 $0xC450, s24;
	[sflag:s13] =	ssyncadd.s32 $0xFFFFE000  }
0xdf: {  	[tilespmem:s5], [sflag:$0x1] =	stream.indirect.gather [hbm4b:s4+s10], $0x40, s25, s10, $0xb8;
	[tilespmem:$0x154B0] =	vst v63  }
0xe0: {  	s24 =	sadd.s32 $0xD7D0, s24  }
0xe1: {  	[spmem:s1] =	stream.indirect.scatter.add.f32 [tilespmem:s11], [sflag:$0x3], $0x40, s24, s10, $0xb8;
	[tilespmem:$0x154B0] =	vst v63  }
0xe2: {  	_ =	swait.ge [sflag:s8], $0x2000  }
.Ltmp5:
0xe3: {  	[sflag:s8] =	ssyncset.done $0x0;
	(pc) =	sbr.rel @p2 .LBB2_10-.Ltmp5, $4  }
0xe4: {  	[sflag:s8] =	ssyncadd.s32 $0xFFFFE000  }
0xe5: {  	[spmem:s2] =	stream.indirect.scatter.add.f32 [tilespmem:s12], [sflag:$0x3], $0x10, s24, s10, $0xb8;
	[tilespmem:$0x154B0] =	vst v63  }
0xe6: {  	_ =	swait.ge [sflag:s8], $0x800  }
0xe7: {  	[sflag:s8] =	ssyncset.done $0x0  }
0xe8: {  	[sflag:s8] =	ssyncadd.s32 $0xFFFFF800  }
0xe9: {  	_ =	swait.ge [sflag:s0], $0x2000  }
0xea: {  	[sflag:s0] =	ssyncset.done $0x0  }
0xeb: {  	s23 =	simm.s32 $0xD5D0;
	[sflag:s0] =	ssyncadd.s32 $0xFFFFE000  }
0xec: {  	[tilespmem:s11], [sflag:$0x2] =	stream.indirect.gather [hbm4b:s4+s10], $0x40, s23, s10, $0xb8;
	[tilespmem:$0x154B0] =	vst v63  }
0xed: {  	_ = 	snop  }
0xee: {  	[spmem:s1] =	stream.indirect.scatter.add.f32 [tilespmem:s5], [sflag:$0x3], $0x40, s14, s10, $0xb8;
	[tilespmem:$0x154B0] =	vst v63  }
0xef: {  	_ =	swait.ge [sflag:s8], $0x2000  }
0xf0: {  	[sflag:s8] =	ssyncset.done $0x0  }
0xf1: {  	[sflag:s8] =	ssyncadd.s32 $0xFFFFE000  }
0xf2: {  	[spmem:s2] =	stream.indirect.scatter.add.f32 [tilespmem:s12], [sflag:$0x3], $0x10, s14, s10, $0xb8;
	[tilespmem:$0x154B0] =	vst v63  }
0xf3: {  	_ =	swait.ge [sflag:s8], $0x800  }
0xf4: {  	[sflag:s8] =	ssyncset.done $0x0  }
0xf5: {  	[sflag:s8] =	ssyncadd.s32 $0xFFFFF800  }
0xf6: {  	_ =	swait.ge [sflag:s13], $0x2000  }
0xf7: {  	[sflag:s13] =	ssyncset.done $0x0  }
0xf8: {  	[sflag:s13] =	ssyncadd.s32 $0xFFFFE000  }
0xf9: {  	[spmem:s1] =	stream.indirect.scatter.add.f32 [tilespmem:s11], [sflag:$0x3], $0x40, s15, s10, $0xb8;
	[tilespmem:$0x154B0] =	vst v63  }
0xfa: {  	_ =	swait.ge [sflag:s8], $0x2000  }
0xfb: {  	[sflag:s8] =	ssyncset.done $0x0  }
0xfc: {  	[sflag:s8] =	ssyncadd.s32 $0xFFFFE000  }
0xfd: {  	[spmem:s2] =	stream.indirect.scatter.add.f32 [tilespmem:s12], [sflag:$0x3], $0x10, s15, s10, $0xb8;
	[tilespmem:$0x154B0] =	vst v63  }
0xfe: {  	_ =	swait.ge [sflag:s8], $0x800  }
0xff: {  	[sflag:s8] =	ssyncset.done $0x0  }
0x100: {  	s24 =	simm.s32 $0xD650;
	[sflag:s8] =	ssyncadd.s32 $0xFFFFF800  }
0x101: {  	[tilespmem:s5], [sflag:$0x1] =	stream.indirect.gather [hbm4b:s4+s10], $0x40, s24, s10, $0xb8;
	[tilespmem:$0x154B0] =	vst v63  }
0x102: {  	_ =	swait.ge [sflag:s0], $0x2000  }
0x103: {  	s25 =	simm.s32 @p0 $0xEB50;
	[sflag:s0] =	ssyncset.done $0x0  }
0x104: {  	s23 =	simm.s32 @p0 $0x80;
	s24 =	simm.s32 @p0 $0xEA50;
	[sflag:s0] =	ssyncadd.s32 $0xFFFFE000  }
0x105: {  	[spmem:s1] =	stream.indirect.scatter.add.f32 @p0 [tilespmem:s25], [sflag:$0x3], $0x40, s24, s23, $0xb8;
	[tilespmem:$0x154B0] =	vst v63  }
0x106: {  	s23 =	simm.s32 @!p0 $0x80;
	s24 =	simm.s32 @!p0 $0xD6D0;
	s25 =	simm.s32 @!p0 $0x10B50  }
0x107: {  	[tilespmem:s25], [sflag:$0x2] =	stream.indirect.gather @!p0 [hbm4b:s4+s23], $0x40, s24, s23, $0xb8;
	[tilespmem:$0x154B0] =	vst v63  }
0x108: {  	s26 =	simm.s32 @!p0 $0xEB50;
	s24 =	simm.s32 @!p0 $0xEA50  }
0x109: {  	[spmem:s1] =	stream.indirect.scatter.add.f32 @!p0 [tilespmem:s26], [sflag:$0x3], $0x40, s24, s23, $0xb8;
	[tilespmem:$0x154B0] =	vst v63  }
0x10a: {  	s26 =	simm.s32 @!p0 $0x3  }
0x10b: {  	_ =	swait.ge @!p0 [sflag:s26], $0x2000  }
0x10c: {  	[sflag:s26] =	ssyncset.done @!p0 $0x0  }
0x10d: {  	s28 =	simm.s32 @!p0 $0x12B50;
	[sflag:s26] =	ssyncadd.s32 @!p0 $0xFFFFE000  }
0x10e: {  	[spmem:s2] =	stream.indirect.scatter.add.f32 @!p0 [tilespmem:s28], [sflag:$0x3], $0x10, s24, s23, $0xb8;
	[tilespmem:$0x154B0] =	vst v63  }
0x10f: {  	_ =	swait.ge @!p0 [sflag:s26], $0x800  }
0x110: {  	[sflag:s26] =	ssyncset.done @!p0 $0x0  }
0x111: {  	s24 =	simm.s32 @!p0 $0x2;
	[sflag:s26] =	ssyncadd.s32 @!p0 $0xFFFFF800  }
0x112: {  	_ =	swait.ge @!p0 [sflag:s24], $0x2000  }
0x113: {  	[sflag:s24] =	ssyncset.done @!p0 $0x0  }
0x114: {  	[sflag:s24] =	ssyncadd.s32 @!p0 $0xFFFFE000;
	s24 =	simm.s32 @!p0 $0xEAD0  }
0x115: {  	[spmem:s1] =	stream.indirect.scatter.add.f32 @!p0 [tilespmem:s25], [sflag:$0x3], $0x40, s24, s23, $0xb8;
	[tilespmem:$0x154B0] =	vst v63  }
0x116: {  	_ =	swait.ge [sflag:s8], $0x2000  }
0x117: {  	[sflag:s8] =	ssyncset.done $0x0  }
0x118: {  	s24 =	simm.s32 @p0 $0xEA50;
	[sflag:s8] =	ssyncadd.s32 $0xFFFFE000  }
0x119: {  	[spmem:s2] =	stream.indirect.scatter.add.f32 [tilespmem:s12], [sflag:$0x3], $0x10, s24, s10, $0xb8;
	[tilespmem:$0x154B0] =	vst v63  }
0x11a: {  	_ =	swait.ge [sflag:s8], $0x800  }
0x11b: {  	[sflag:s8] =	ssyncset.done $0x0  }
0x11c: {  	[sflag:s8] =	ssyncadd.s32 $0xFFFFF800  }
0x11d: {  	[bflag:$0x0] =	sbarrier.arrive $0xFFFF  }
0x11e: {  	s25 =	rddreg [dreg:$0xa]  }
0x11f: {  	[tilespmem:s16], [sflag:$0x3] =	stream.linear.gather [hbm4b:s25+s3], $0x40, $0x38;
	[tilespmem:$0x154B0] =	vst v63  }
0x120: {  	_ =	swait.ge [sflag:s8], $0x40  }
0x121: {  	[sflag:s8] =	ssyncset.done $0x0  }
0x122: {  	[sflag:s8] =	ssyncadd.s32 $0xFFFFFFC0  }
0x123: {  	[tilespmem:s18], [sflag:$0x1] =	stream.indirect.gather [spmem:s1], $0x40, s16, s17, $0xb8;
	[tilespmem:$0x154B0] =	vst v63  }
0x124: {  	_ =	swait.ge [sflag:s0], $0x1000  }
0x125: {  	[sflag:s0] =	ssyncset.done $0x0  }
0x126: {  	s26 =	rddreg [dreg:$0xb];
	[sflag:s0] =	ssyncadd.s32 $0xFFFFF000  }
0x127: {  	[hbm4b:s26+s3] =	stream.linear.scatter [tilespmem:s18], [sflag:$0x3], $0x1000, $0x38;
	[tilespmem:$0x154B0] =	vst v63  }
0x128: {  	_ =	swait.ge [sflag:s8], $0x1000  }
0x129: {  	[sflag:s8] =	ssyncset.done $0x0  }
0x12a: {  	[sflag:s8] =	ssyncadd.s32 $0xFFFFF000  }
0x12b: {  	[tilespmem:s19], [sflag:$0x1] =	stream.indirect.gather [spmem:s2], $0x10, s16, s17, $0xb8;
	[tilespmem:$0x154B0] =	vst v63  }
0x12c: {  	_ =	swait.ge [sflag:s0], $0x400  }
0x12d: {  	[sflag:s0] =	ssyncset.done $0x0  }
0x12e: {  	s28 =	rddreg [dreg:$0xc];
	[sflag:s0] =	ssyncadd.s32 $0xFFFFFC00  }
0x12f: {  	[hbm4b:s28+s3] =	stream.linear.scatter [tilespmem:s19], [sflag:$0x3], $0x400, $0x38;
	[tilespmem:$0x154B0] =	vst v63  }
0x130: {  	_ =	swait.ge [sflag:s8], $0x400  }
0x131: {  	[sflag:s8] =	ssyncset.done $0x0  }
0x132: {  	s24 =	rddreg [dreg:$0xd];
	[sflag:s8] =	ssyncadd.s32 $0xFFFFFC00  }
0x133: {  	[tilespmem:s20], [sflag:$0x3] =	stream.linear.gather [hbm4b:s24+s3], $0x20, $0x38;
	[tilespmem:$0x154B0] =	vst v63  }
0x134: {  	_ =	swait.ge [sflag:s8], $0x20  }
0x135: {  	[sflag:s8] =	ssyncset.done $0x0  }
0x136: {  	[sflag:s8] =	ssyncadd.s32 $0xFFFFFFE0  }
0x137: {  	v2 =	vld [tilespmem:$0x14C90]  }
0x138: {  	v3 =	vld [tilespmem:$0x14CA0];
	_ =	sdelay $0x3  }
0x139: {  	v2 =	vshll.u32 v2, $0x1  }
0x13a: {  	v3 =	vshll.u32 v3, $0x1;
	v2 =	vor.u32 $0x1, v2  }
0x13b: {  	[tilespmem:$0x14C90] =	vst v2;
	v2 =	vor.u32 $0x1, v3  }
0x13c: {  	s25 =	simm.s32 $0x20;
	[tilespmem:$0x14CA0] =	vst v2  }
0x13d: {  	[tilespmem:s21], [sflag:$0x1] =	stream.indirect.gather [hbm4b:s4+s25], $0x40, s20, s25, $0xb8;
	[tilespmem:$0x154B0] =	vst v63  }
0x13e: {  	_ =	swait.ge [sflag:s0], $0x800  }
0x13f: {  	[sflag:s0] =	ssyncset.done $0x0  }
0x140: {  	s26 =	rddreg [dreg:$0xe];
	[sflag:s0] =	ssyncadd.s32 $0xFFFFF800  }
0x141: {  	[hbm4b:s26+s3] =	stream.linear.scatter [tilespmem:s21], [sflag:$0x3], $0x800, $0x38;
	[tilespmem:$0x154B0] =	vst v63  }
0x142: {  	_ =	swait.ge [sflag:s8], $0x800  }
0x143: {  	s22 =	sadd.s32 $0x1, s22;
	s28 =	rddreg [dreg:$0xf]  }
0x144: {  	p2 =	sne.s32 s22, s28  }
.Ltmp6:
0x145: {  	_ = 	snop;
	(pc) =	sbr.rel @p2 .LBB2_1-.Ltmp6, $3  }
0x146: {  	_ =	sdelay $0x1  }
0x147: {  	[sflag:s8] =	ssyncset.done $0x0  }
0x148: {  	[sflag:s8] =	ssyncadd.s32 $0xFFFFF800  }
0x149: {  	_ =	sfence.sel $0x180000  }
0x14a: {  	[bflag:$0x0] =	sbarrier.arrive $0xFFFF  }
0x14b: {  	_ =	strace $0x9000004A  }
0x14c: {  	[bflag:$0x2] =	sbarrier.arrive $0xFFFF  }
0x14d: {  	s0 =	rddreg [dreg:$0x5]  }
0x14e: {  	s0 =	sadd.s32 @!p0 $0x100000, s0  }
0x14f: {  	[sflag:s0] =	ssyncadd.tile.s32 @!p0 $0x1;
	_ =	shalt  }
.Lfunc_end2:
_tile_overlayer_lowered:
.L_overlay_start_2:
0x150: {  	(tag) =	ssettag $0x2  }
0x151: {  	s0 =	rddreg [dreg:$0x0];
	s2 =	stileid.u32  }
0x152: {  	s1 =	rddreg [dreg:$0x1];
	p0 =	sne.s32 s2, $0x0  }
0x153: {  	s3 =	rddreg [dreg:$0x2];
	[bflag:$0x3] =	sbarrier.arrive $0xFFFF;
	s2 =	simm.s32 @!p0 $0x1C03  }
0x154: {  	[timem:s3], [sflag:s2] =	dma.local @!p0 [hbm:s0], s1  }
0x155: {  	s0 =	simm.s32 @!p0 $0x3  }
0x156: {  	_ =	swait.ge @!p0 [sflag:s0], s1  }
0x157: {  	s1 =	ssub.s32 @!p0 $0x0, s1;
	[sflag:s0] =	ssyncset.done @!p0 $0x0  }
0x158: {  	[sflag:s0] =	ssyncadd.s32 @!p0 s1  }
0x159: {  	[bflag:$0x3] =	sbarrier.arrive $0xFFFF  }
0x15a: {  	_ =	shalt  }

// kernel: kernel.7.cloned.1.call-start
scs
__scs_entry_jumppad:
0x0: {  	(pc) =	sbr.rel $0x88, $3  }
0x1: {  	(tag) =	ssettag $0x0;
	lr =	simm.s32 $0x1  }
0x2: {  	[smem:$0x3F95] =	sst lr;
	_ =	strace $0xD0000000  }
0x3: {  	_ = 	snop  }
0x4: {  	_ = 	snop  }
0x5: {  	_ = 	snop  }
0x6: {  	_ = 	snop  }
0x7: {  	_ = 	snop  }
__scs_overlays_trampoline_lowered:
0x8: {  	[smem:$0x3FA4] =	sst s0  }
0x9: {  	[smem:$0x3FA5] =	sst s1  }
0xa: {  	[smem:$0x3FA6] =	sst s2  }
0xb: {  	[smem:$0x3FA7] =	sst s3  }
0xc: {  	[smem:$0x3FA8] =	sst s4  }
0xd: {  	[smem:$0x3FA9] =	sst s5  }
0xe: {  	[smem:$0x3FAA] =	sst s6  }
0xf: {  	[smem:$0x3FAB] =	sst s7  }
0x10: {  	[smem:$0x3FAC] =	sst s8  }
0x11: {  	[smem:$0x3FAD] =	sst s9;
	s0 =	simm.s32 @!p0 $0x0  }
0x12: {  	s1 =	sld [smem:$0x3F93];
	s0 =	simm.s32 @p0 $0x1  }
0x13: {  	[smem:$0x3FAE] =	sst s0;
	s0 =	simm.s32 @!p1 $0x0  }
0x14: {  	s2 =	sld [smem:$0x3F92];
	s0 =	simm.s32 @p1 $0x1  }
0x15: {  	[smem:$0x3FAF] =	sst s0;
	s0 =	simm.s32 @!p2 $0x0  }
0x16: {  	s3 =	sld [smem:$0x3FDB];
	s0 =	simm.s32 @p2 $0x1  }
0x17: {  	s4 =	simm.s32 $0x1BF5;
	[smem:$0x3FB1] =	sst s0  }
0x18: {  	s0 =	sld [smem:$0x3F94];
	_ =	swait.ge [sflag:s4], $0x0  }
0x19: {  	s7 =	sld [smem:$0x3F95]  }
0x1a: {  	s8 =	sadd.s32 $0xFFFFE003, lr  }
0x1b: {  	s9 =	sadd.s32 $0xFFFFFEF7, lr;
	s5 =	simm.s32 $0xFFFFFFFF;
	p2 =	slt.u32 s8, $0xFFFFF086  }
0x1c: {  	p1 =	slt.u32 s9, $0xF7A;
	s5 =	simm.s32 @!p2 $0x0  }
0x1d: {  	s5 =	simm.s32 @p1 $0x1;
	p0 =	seq.s32 s7, s2  }
0x1e: {  	s7 =	smul.u32 @!p0 $0xF7A, s2;
	p2 =	seq.s32 @!p0 s5, $0x0  }
0x1f: {  	s9 =	smul.u32 $0xF7A, s1;
	s8 =	simm.s32 @!p0 $0x1BF5;
	p2 =	por !p2, p0  }
0x20: {  	[sflag:s8] =	ssyncset.s32 @!p0 $0xFFFFF086;
	s6 =	sadd.s32 @!p0 s3, s7;
	s7 =	simm.s32 @!p0 $0x108  }
0x21: {  	s3 =	sadd.s32 s3, s9;
	s6 =	sadd.s32 @!p0 $0x88, s6;
	s7 =	simm.s32 @p2 $0x1082  }
0x22: {  	[simem:s7], [sflag:s8] =	dma.local @!p0 [hbm:s6], $0xF7A  }
0x23: {  	s9 =	sor.u32 $0xD0000000, s2;
	s6 =	simm.s32 $0x108;
	_ =	swait.ge @!p0 [sflag:s8], $0x0  }
0x24: {  	s3 =	sadd.s32 $0x88, s3;
	s6 =	simm.s32 @!p1 $0x1082;
	[sflag:s4] =	ssyncset.s32 $0xFFFFF086  }
0x25: {  	[simem:s6], [sflag:s4] =	dma.local [hbm:s3], $0xF7A  }
0x26: {  	[smem:$0x3F95] =	sst s1;
	(tag) =	ssettag s2;
	_ =	strace s9  }
0x27: {  	s1 =	sld [smem:$0x3FA5]  }
0x28: {  	s2 =	sld [smem:$0x3FA6]  }
0x29: {  	s4 =	sld [smem:$0x3FA8]  }
0x2a: {  	p0 =	seq.s32 s5, $0x0;
	s5 =	sld [smem:$0x3FA9]  }
0x2b: {  	s6 =	sld [smem:$0x3FAA]  }
0x2c: {  	s7 =	sld [smem:$0x3FAB]  }
0x2d: {  	s3 =	simm.s32 $0x108;
	s8 =	sld [smem:$0x3FAC]  }
0x2e: {  	s3 =	simm.s32 @!p0 $0x1082;
	s9 =	sld [smem:$0x3FAD]  }
0x2f: {  	lr =	sadd.s32 s0, s3;
	s0 =	sld [smem:$0x3FA4]  }
0x30: {  	s3 =	sld [smem:$0x3FA7]  }
0x31: {  	[smem:$0x3FB0] =	sst s10  }
0x32: {  	s10 =	sld [smem:$0x3FAE];
	_ =	sdelay $0x3  }
0x33: {  	p0 =	seq.s32 s10, $0x1;
	s10 =	sld [smem:$0x3FB0];
	_ =	sdelay $0x3  }
0x34: {  	[smem:$0x3FB0] =	sst s10  }
0x35: {  	s10 =	sld [smem:$0x3FAF];
	_ =	sdelay $0x3  }
0x36: {  	p1 =	seq.s32 s10, $0x1;
	s10 =	sld [smem:$0x3FB0];
	_ =	sdelay $0x3  }
0x37: {  	[smem:$0x3FB0] =	sst s10  }
0x38: {  	s10 =	sld [smem:$0x3FB1]  }
0x39: {  	_ = 	snop;
	(pc) =	sbr.ind lr, $3  }
0x3a: {  	_ = 	snop  }
0x3b: {  	_ = 	snop  }
0x3c: {  	p2 =	seq.s32 s10, $0x1;
	s10 =	sld [smem:$0x3FB0]  }
0x3d: {  	_ =	shalt  }
0x3e: {  	_ =	shalt  }
0x3f: {  	_ =	shalt  }
0x40: {  	_ =	shalt  }
0x41: {  	_ =	shalt  }
0x42: {  	_ =	shalt  }
0x43: {  	_ =	shalt  }
0x44: {  	_ =	shalt  }
0x45: {  	_ =	shalt  }
0x46: {  	_ =	shalt  }
0x47: {  	_ =	shalt  }
0x48: {  	_ =	shalt  }
0x49: {  	_ =	shalt  }
0x4a: {  	_ =	shalt  }
0x4b: {  	_ =	shalt  }
0x4c: {  	_ =	shalt  }
0x4d: {  	_ =	shalt  }
0x4e: {  	_ =	shalt  }
0x4f: {  	_ =	shalt  }
0x50: {  	_ =	shalt  }
0x51: {  	_ =	shalt  }
0x52: {  	_ =	shalt  }
0x53: {  	_ =	shalt  }
0x54: {  	_ =	shalt  }
0x55: {  	_ =	shalt  }
0x56: {  	_ =	shalt  }
0x57: {  	_ =	shalt  }
0x58: {  	_ =	shalt  }
0x59: {  	_ =	shalt  }
0x5a: {  	_ =	shalt  }
0x5b: {  	_ =	shalt  }
0x5c: {  	_ =	shalt  }
0x5d: {  	_ =	shalt  }
0x5e: {  	_ =	shalt  }
0x5f: {  	_ =	shalt  }
0x60: {  	_ =	shalt  }
0x61: {  	_ =	shalt  }
0x62: {  	_ =	shalt  }
0x63: {  	_ =	shalt  }
0x64: {  	_ =	shalt  }
0x65: {  	_ =	shalt  }
0x66: {  	_ =	shalt  }
0x67: {  	_ =	shalt  }
0x68: {  	_ =	shalt  }
0x69: {  	_ =	shalt  }
0x6a: {  	_ =	shalt  }
0x6b: {  	_ =	shalt  }
0x6c: {  	_ =	shalt  }
0x6d: {  	_ =	shalt  }
0x6e: {  	_ =	shalt  }
0x6f: {  	_ =	shalt  }
0x70: {  	_ =	shalt  }
0x71: {  	_ =	shalt  }
0x72: {  	_ =	shalt  }
0x73: {  	_ =	shalt  }
0x74: {  	_ =	shalt  }
0x75: {  	_ =	shalt  }
0x76: {  	_ =	shalt  }
0x77: {  	_ =	shalt  }
0x78: {  	_ =	shalt  }
0x79: {  	_ =	shalt  }
0x7a: {  	_ =	shalt  }
0x7b: {  	_ =	shalt  }
0x7c: {  	_ =	shalt  }
0x7d: {  	_ =	shalt  }
0x7e: {  	_ =	shalt  }
0x7f: {  	_ =	shalt  }
0x80: {  	_ =	shalt  }
0x81: {  	_ =	shalt  }
0x82: {  	_ =	shalt  }
0x83: {  	_ =	shalt  }
0x84: {  	_ =	shalt  }
0x85: {  	_ =	shalt  }
0x86: {  	_ =	shalt  }
0x87: {  	_ =	shalt  }
.Lfunc_end0:
.L_simem_size_0:
called_computation_lowered:
.L_overlay_start_0:
0x88: {  	s2 =	sld [smem:$0x3FD9]  }
0x89: {  	s3 =	sld [smem:$0x3FFE];
	_ =	sdelay $0x1  }
0x8a: {  	s1 =	srdreg.scid  }
0x8b: {  	s0 =	sand.u32 $0x1, s1  }
0x8c: {  	s16 =	sshll.u32 s0, $0xA;
	s2 =	sadd.s32 s3, s2  }
0x8d: {  	s2 =	sadd.s32 s2, s16  }
0x8e: {  	[smem:$0x3FBC] =	sst s2  }
0x8f: {  	_ = 	snop  }
0x90: {  	(tm) =	ssettm $0x1  }
0x91: {  	s17 =	sld [smem:$0x3FFB];
	_ =	sdelay $0x3  }
0x92: {  	_ =	strace s17  }
0x93: {  	s2 =	sld [smem:$0x3FFC];
	_ =	sdelay $0x3  }
0x94: {  	_ =	strace s2  }
0x95: {  	s2 =	sld [smem:$0x3FFD];
	_ =	sdelay $0x3  }
0x96: {  	_ =	strace s2  }
0x97: {  	_ =	strace $0x8FFFFFFF  }
0x98: {  	s18 =	sld [smem:$0x3FDB];
	_ =	sdelay $0x1  }
0x99: {  	s19 =	simm.s32 $_scs_section_size  }
0x9a: {  	s4 =	simm.s32 $_size__tile_overlayer_lowered;
	s5 =	simm.s32 $_tile_overlayer_lowered  }
0x9b: {  	s22 =	simm.s32 $0x1BFF;
	s21 =	sshll.u32 s5, $0x1;
	s2 =	sadd.s32 s19, s18  }
0x9c: {  	s6 =	simm.s32 $0x0;
	s20 =	sshll.u32 s4, $0x1;
	s4 =	sadd.s32 s21, s2  }
0x9d: {  	[timem:s6], [sflag:s22] =	dma.local [hbm:s4], s20  }
0x9e: {  	_ =	swait.ge [sflag:s22], s20  }
0x9f: {  	s3 =	ssub.s32 $0x0, s20;
	[sflag:s22] =	ssyncset.done $0x0  }
0xa0: {  	[sflag:s22] =	ssyncadd.s32 s3;
	_ =	sdelay $0x1  }
0xa1: {  	s23 =	simm.s32 $0x1B8B  }
0xa2: {  	_ =	swait.ge [sflag:s23], $0x1  }
0xa3: {  	[sflag:s23] =	ssyncset.done $0x0  }
0xa4: {  	s25 =	simm.s32 $0x1B8E;
	s24 =	sld [smem:$0x3FFE];
	[sflag:s23] =	ssyncadd.s32 $0xFFFFFFFF  }
0xa5: {  	s26 =	simm.s32 $execute0_lowered;
	[smem:$0x3FD2] =	sst s25  }
0xa6: {  	s4 =	sshll.u32 s26, $0x1;
	_ =	strace $0x80000046;
	[dreg:$0x1] =	wrdreg $0xFFFFFFFF  }
0xa7: {  	s28 =	simm.s32 $_size_execute0_lowered;
	s2 =	sadd.s32 s2, s4;
	[dreg:$0x0] =	wrdreg $0x0  }
0xa8: {  	s4 =	sshll.u32 s28, $0x1;
	[dreg:$0x2] =	wrdreg s2  }
0xa9: {  	[dreg:$0x3] =	wrdreg s4  }
0xaa: {  	[dreg:$0x4] =	wrdreg $0xC0  }
0xab: {  	_ =	task [dreg:s6], $0x5FFFF  }
0xac: {  	[dreg:$0x1] =	wrdreg $0xFFFFFFFF  }
0xad: {  	[dreg:$0x0] =	wrdreg $0x60  }
0xae: {  	[dreg:$0x2] =	wrdreg s24  }
0xaf: {  	[dreg:$0x3] =	wrdreg $0x0  }
0xb0: {  	[dreg:$0x4] =	wrdreg $0x138800  }
0xb1: {  	[dreg:$0x5] =	wrdreg $0x9  }
0xb2: {  	_ =	task.clear_ibuf [dreg:s6], $0x6FFFF;
	_ =	strace $0x90000046  }
0xb3: {  	s29 =	simm.s32 $0x9;
	_ =	strace $0x80000048  }
0xb4: {  	_ =	swait.ge [sflag:s29], $0x1  }
0xb5: {  	[sflag:s29] =	ssyncadd.s32 $0xFFFFFFFF  }
0xb6: {  	_ =	strace $0x90000048  }
0xb7: {  	_ =	sfence  }
0xb8: {  	s30 =	sld [smem:$0x0];
	_ =	sdelay $0x2  }
0xb9: {  	s31 =	sshll.u32 s1, $0xD;
	s1 =	sshrl.u32 s1, $0x2  }
0xba: {  	s3 =	sand.u32 $0x4000, s31;
	s1 =	sadd.s32 s1, s30  }
0xbb: {  	s0 =	sor.u32 s3, s0;
	s1 =	sshll.u32 s1, $0x11  }
0xbc: {  	s0 =	sor.u32 s1, s0  }
0xbd: {  	s0 =	sadd.s32 $0x8F2B, s0  }
0xbe: {  	[sflag:s0] =	ssyncadd.remote.s32 $0x1  }
0xbf: {  	_ =	sfence.sel $0xFFFF  }
0xc0: {  	[dreg:$0x0] =	wrdreg $0xFFFFFFFF;
	(pc) =	sbr.abs _section_cstart, $3  }
0xc1: {  	[dreg:$0x1] =	wrdreg $0xFFFFFFFF  }
0xc2: {  	_ =	task.clear_ibuf [dreg:s6], $0x2FFFF;
	_ =	strace $0x9FFFFFFF  }
0xc3: {  	(tm) =	ssettm $0x7FFFFFFF  }
tec
execute0_lowered:
.L_overlay_start_1:
0x0: {  	(tag) =	ssettag $0x1  }
0x1: {  	s0 =	rddreg [dreg:$0x0]  }
0x2: {  	s1 =	rddreg [dreg:$0x1];
	s3 =	srdreg.scid  }
0x3: {  	s2 =	rddreg [dreg:$0x2];
	s4 =	simm.s32 $0x0;
	s5 =	sand.u32 $0x1, s3  }
0x4: {  	s30 =	simm.s32 $0x16F30;
	s3 =	stileid.u32;
	s9 =	smul.u32 $0x138800, s5  }
0x5: {  	s31 =	simm.s32 $0x4;
	[smem:$0x7FF] =	sst s4;
	s10 =	smul.u32 $0x2800, s3  }
0x6: {  	s6 =	sadd.s32 $0xC800, s0;
	s7 =	sadd.s32 $0x7800, s0;
	s28 =	smul.u32 $0xA0, s3  }
0x7: {  	s8 =	sadd.s32 $0x2800, s0;
	_ =	strace $0x80000047;
	s13 =	smul.u32 $0xA000, s3  }
0x8: {  	s11 =	ssub.s32 $0x2, s5;
	s15 =	smul.u32 $0x1400, s3;
	s16 =	sor.u32 $0x10, s3  }
0x9: {  	s20 =	sor.u32 $0x20, s3;
	s23 =	sor.u32 $0x30, s3;
	s29 =	smul.u32 $0x7D, s3  }
0xa: {  	p1 =	sne.s32 s5, $0x0;
	s12 =	sshrl.u32 s11, $0x1;
	s19 =	smul.u32 $0x1400, s16  }
0xb: {  	s9 =	sadd.s32 s10, s9;
	s18 =	sshrl.u32 s15, $0x2;
	s15 =	smul.u32 $0xA000, s20  }
0xc: {  	s12 =	ssub.s32 s11, s12;
	s14 =	sshrl.u32 s13, $0x2;
	s13 =	smul.u32 $0x1400, s20  }
0xd: {  	s11 =	sor.u32 $0x40, s3;
	s20 =	sor.u32 $0x50, s3;
	s9 =	sshrl.u32 s9, $0x3  }
0xe: {  	s10 =	smax.u32 s12, $0x1;
	s17 =	sadd.s32 s14, s1;
	s14 =	smul.u32 $0xA000, s16  }
0xf: {  	s21 =	sadd.s32 s18, s2;
	s16 =	smul.u32 $0xA000, s23;
	[dreg:$0x5] =	wrdreg s10  }
0x10: {  	s12 =	sshrl.u32 s19, $0x2;
	s19 =	smul.u32 $0x1400, s11;
	[dreg:$0x6] =	wrdreg s17  }
0x11: {  	s9 =	sadd.s32 s9, s0;
	s0 =	sadd.s32 s28, s0;
	[dreg:$0x7] =	wrdreg s21  }
0x12: {  	s15 =	sshrl.u32 s15, $0x2;
	s24 =	sadd.s32 s12, s2;
	s26 =	sshrl.u32 s13, $0x2  }
0x13: {  	s17 =	smul.u32 $0xA000, s11;
	s11 =	sor.u32 $0x70, s3;
	s14 =	sshrl.u32 s14, $0x2  }
0x14: {  	[dreg:$0x9] =	wrdreg s24;
	s25 =	sadd.s32 s15, s1;
	s28 =	sshrl.u32 s16, $0x2  }
0x15: {  	s12 =	sadd.s32 s26, s2;
	s15 =	smul.u32 $0x1400, s20;
	p0 =	sgt.u32 s11, $0x7C  }
0x16: {  	s9 =	sadd.s32 $0x5AA00, s9;
	s0 =	sadd.s32 $0xA8C00, s0;
	[dreg:$0xa] =	wrdreg s25  }
0x17: {  	s22 =	sadd.s32 s14, s1;
	s14 =	smul.u32 $0x1400, s23;
	[dreg:$0xb] =	wrdreg s12  }
0x18: {  	s16 =	sadd.s32 s28, s1;
	s12 =	sshrl.u32 s17, $0x2;
	[dreg:$0x16] =	wrdreg s9  }
0x19: {  	s23 =	sor.u32 $0x60, s3;
	[dreg:$0x8] =	wrdreg s22;
	s22 =	smul.u32 $0xA000, s20  }
0x1a: {  	[dreg:$0x17] =	wrdreg s0;
	p2 =	sne.s32 @!p0 s5, $0x0;
	s26 =	smul.u32 $0xA000, s23  }
0x1b: {  	s0 =	simm.s32 $0x15F90;
	s9 =	simm.s32 $0x16760;
	s28 =	smul.u32 $0x1400, s23  }
0x1c: {  	[dreg:$0xc] =	wrdreg s16;
	s24 =	sadd.s32 s12, s1;
	s16 =	smul.u32 $0x1400, s11  }
0x1d: {  	p2 =	por p2, p0;
	s18 =	sshrl.u32 s14, $0x2;
	s14 =	sshrl.u32 s19, $0x2  }
0x1e: {  	[dreg:$0xe] =	wrdreg s24;
	s19 =	smul.u32 $0xA000, s11;
	s21 =	sadd.s32 s18, s2  }
0x1f: {  	s25 =	sadd.s32 s14, s2;
	s13 =	sshrl.u32 s22, $0x2;
	s18 =	sshrl.u32 s15, $0x2  }
0x20: {  	s12 =	sshrl.u32 s26, $0x2;
	s22 =	sshrl.u32 s28, $0x2;
	[dreg:$0xd] =	wrdreg s21  }
0x21: {  	s14 =	simm.s32 $0x1;
	s15 =	simm.s32 $0x19730;
	[dreg:$0xf] =	wrdreg s25  }
0x22: {  	s17 =	sadd.s32 s13, s1;
	s20 =	sadd.s32 s18, s2;
	s21 =	sadd.s32 s12, s1  }
0x23: {  	s23 =	sadd.s32 s22, s2;
	s24 =	sshrl.u32 s19, $0x2;
	[dreg:$0x10] =	wrdreg s17  }
0x24: {  	s25 =	sshrl.u32 s16, $0x2;
	s13 =	simm.s32 $0x50;
	[dreg:$0x11] =	wrdreg s20  }
0x25: {  	s18 =	simm.s32 $0x2;
	s19 =	simm.s32 $0x166C0;
	[dreg:$0x12] =	wrdreg s21  }
0x26: {  	s22 =	simm.s32 $0x16710;
	[dreg:$0x13] =	wrdreg s23;
	s26 =	sadd.s32 s24, s1  }
0x27: {  	v0 =	vimm.f32 $0.0e+00;
	vm0 =	vcmask $0x300;
	s28 =	sadd.s32 s25, s2;
	s17 =	simm.s32 $0x5;
	[dreg:$0x14] =	wrdreg s26  }
0x28: {  	v2 =	vsel vm0, $0x3F800000, v0;
	v1 =	vmov s5;
	s21 =	simm.s32 $0x16E40;
	s23 =	simm.s32 $0x16EE0;
	[dreg:$0x15] =	wrdreg s28  }
.LBB2_1:
0x29: {  	s12 =	simm.s32 $0x0;
	s16 =	simm.s32 $0x200  }
.LBB2_2:
0x2a: {  	p3 =	sne.s32 s16, $0x9E00;
	[tilespmem:s12+$0x16FA0] =	vst v0  }
0x2b: {  	[tilespmem:s12+$0x16F30] =	vst v0  }
0x2c: {  	[tilespmem:s12+$0x16F40] =	vst v0  }
.Ltmp0:
0x2d: {  	[tilespmem:s12+$0x16F50] =	vst v0;
	(pc) =	sbr.rel @p3 .LBB2_2-.Ltmp0, $4  }
0x2e: {  	[tilespmem:s12+$0x16F60] =	vst v0  }
0x2f: {  	[tilespmem:s12+$0x16F70] =	vst v0  }
0x30: {  	[tilespmem:s12+$0x16F80] =	vst v0  }
0x31: {  	[tilespmem:s12+$0x16F90] =	vst v0;
	s12 =	sshra.s32 s16, $0x2;
	s16 =	sadd.s32 $0x200, s16  }
0x32: {  	[tilespmem:s12+$0x16FA0] =	vst v0  }
0x33: {  	[tilespmem:s12+$0x16F30] =	vst v0  }
0x34: {  	[tilespmem:s12+$0x16F40] =	vst v0  }
0x35: {  	[tilespmem:s12+$0x16F50] =	vst v0  }
0x36: {  	[tilespmem:s12+$0x16F60] =	vst v0  }
0x37: {  	[tilespmem:s12+$0x16F70] =	vst v0  }
0x38: {  	[tilespmem:s12+$0x16F80] =	vst v0  }
0x39: {  	[tilespmem:s12+$0x16F90] =	vst v0;
	s12 =	simm.s32 $0x40;
	s16 =	simm.s32 $0x0  }
.LBB2_4:
0x3a: {  	p3 =	sne.s32 s12, $0x13C0;
	[tilespmem:s16+$0x1C430] =	vst v0;
	s16 =	smov.u32 s12;
	s12 =	sadd.s32 $0x40, s12  }
.Ltmp1:
0x3b: {  	(pc) =	sbr.rel @p3 .LBB2_4-.Ltmp1, $2  }
0x3c: {  	_ =	sdelay $0x2  }
0x3d: {  	s16 =	sshra.s32 s16, $0x2  }
0x3e: {  	[tilespmem:s16+$0x1C430] =	vst v0;
	s10 =	rddreg [dreg:$0x6]  }
0x3f: {  	[spmem:s10] =	stream.linear.scatter [tilespmem:s30], [sflag:$0x4], $0x2800, $0x38;
	[tilespmem:$0x1C930] =	vst v63  }
0x40: {  	_ =	swait.ge [sflag:s31], $0x2800  }
0x41: {  	s12 =	simm.s32 @p1 $0x16F30;
	[sflag:s31] =	ssyncset.done $0x0  }
0x42: {  	s16 =	simm.s32 @p1 $0x4;
	s11 =	rddreg [dreg:$0x8];
	[sflag:s31] =	ssyncadd.s32 $0xFFFFD800  }
0x43: {  	[spmem:s11] =	stream.linear.scatter @p1 [tilespmem:s12], [sflag:$0x4], $0x2800, $0x38;
	[tilespmem:$0x1C930] =	vst v63  }
0x44: {  	_ =	swait.ge @p1 [sflag:s16], $0x2800  }
0x45: {  	s20 =	simm.s32 @!p1 $0x1C430;
	[sflag:s16] =	ssyncset.done @p1 $0x0  }
0x46: {  	s24 =	simm.s32 @!p1 $0x3;
	s10 =	rddreg [dreg:$0x7];
	[sflag:s16] =	ssyncadd.s32 @p1 $0xFFFFD800  }
0x47: {  	[spmem:s10] =	stream.linear.scatter @!p1 [tilespmem:s20], [sflag:$0x3], $0x500, $0x38;
	[tilespmem:$0x1C930] =	vst v63  }
0x48: {  	_ =	swait.ge @!p1 [sflag:s24], $0x500  }
0x49: {  	[sflag:s24] =	ssyncset.done @!p1 $0x0  }
0x4a: {  	s25 =	simm.s32 @!p1 $0x16F30;
	s26 =	simm.s32 @!p1 $0x4;
	[sflag:s24] =	ssyncadd.s32 @!p1 $0xFFFFFB00  }
0x4b: {  	[spmem:s11] =	stream.linear.scatter @!p1 [tilespmem:s25], [sflag:$0x4], $0x2800, $0x38;
	[tilespmem:$0x1C930] =	vst v63  }
0x4c: {  	_ =	swait.ge @!p1 [sflag:s26], $0x2800  }
0x4d: {  	[sflag:s26] =	ssyncset.done @!p1 $0x0  }
0x4e: {  	s10 =	rddreg [dreg:$0x9];
	[sflag:s26] =	ssyncadd.s32 @!p1 $0xFFFFD800  }
0x4f: {  	[spmem:s10] =	stream.linear.scatter @!p1 [tilespmem:s20], [sflag:$0x3], $0x500, $0x38;
	[tilespmem:$0x1C930] =	vst v63  }
0x50: {  	_ =	swait.ge @!p1 [sflag:s24], $0x500  }
0x51: {  	[sflag:s24] =	ssyncset.done @!p1 $0x0  }
0x52: {  	s28 =	rddreg [dreg:$0xa];
	[sflag:s24] =	ssyncadd.s32 @!p1 $0xFFFFFB00  }
0x53: {  	[spmem:s28] =	stream.linear.scatter [tilespmem:s30], [sflag:$0x4], $0x2800, $0x38;
	[tilespmem:$0x1C930] =	vst v63  }
0x54: {  	_ =	swait.ge [sflag:s31], $0x2800  }
0x55: {  	[sflag:s31] =	ssyncset.done $0x0  }
0x56: {  	s11 =	rddreg [dreg:$0xc];
	[sflag:s31] =	ssyncadd.s32 $0xFFFFD800  }
0x57: {  	[spmem:s11] =	stream.linear.scatter @p1 [tilespmem:s12], [sflag:$0x4], $0x2800, $0x38;
	[tilespmem:$0x1C930] =	vst v63  }
0x58: {  	_ =	swait.ge @p1 [sflag:s16], $0x2800  }
0x59: {  	[sflag:s16] =	ssyncset.done @p1 $0x0  }
0x5a: {  	s10 =	rddreg [dreg:$0xb];
	[sflag:s16] =	ssyncadd.s32 @p1 $0xFFFFD800  }
0x5b: {  	[spmem:s10] =	stream.linear.scatter @!p1 [tilespmem:s20], [sflag:$0x3], $0x500, $0x38;
	[tilespmem:$0x1C930] =	vst v63  }
0x5c: {  	_ =	swait.ge @!p1 [sflag:s24], $0x500  }
0x5d: {  	[sflag:s24] =	ssyncset.done @!p1 $0x0  }
0x5e: {  	[sflag:s24] =	ssyncadd.s32 @!p1 $0xFFFFFB00  }
0x5f: {  	[spmem:s11] =	stream.linear.scatter @!p1 [tilespmem:s25], [sflag:$0x4], $0x2800, $0x38;
	[tilespmem:$0x1C930] =	vst v63  }
0x60: {  	_ =	swait.ge @!p1 [sflag:s26], $0x2800  }
0x61: {  	[sflag:s26] =	ssyncset.done @!p1 $0x0  }
0x62: {  	s10 =	rddreg [dreg:$0xd];
	[sflag:s26] =	ssyncadd.s32 @!p1 $0xFFFFD800  }
0x63: {  	[spmem:s10] =	stream.linear.scatter @!p1 [tilespmem:s20], [sflag:$0x3], $0x500, $0x38;
	[tilespmem:$0x1C930] =	vst v63  }
0x64: {  	_ =	swait.ge @!p1 [sflag:s24], $0x500  }
0x65: {  	[sflag:s24] =	ssyncset.done @!p1 $0x0  }
0x66: {  	s11 =	rddreg [dreg:$0xe];
	[sflag:s24] =	ssyncadd.s32 @!p1 $0xFFFFFB00  }
0x67: {  	[spmem:s11] =	stream.linear.scatter [tilespmem:s30], [sflag:$0x4], $0x2800, $0x38;
	[tilespmem:$0x1C930] =	vst v63  }
0x68: {  	_ =	swait.ge [sflag:s31], $0x2800  }
0x69: {  	[sflag:s31] =	ssyncset.done $0x0  }
0x6a: {  	s11 =	rddreg [dreg:$0x10];
	[sflag:s31] =	ssyncadd.s32 $0xFFFFD800  }
0x6b: {  	[spmem:s11] =	stream.linear.scatter @p1 [tilespmem:s12], [sflag:$0x4], $0x2800, $0x38;
	[tilespmem:$0x1C930] =	vst v63  }
0x6c: {  	_ =	swait.ge @p1 [sflag:s16], $0x2800  }
0x6d: {  	[sflag:s16] =	ssyncset.done @p1 $0x0  }
0x6e: {  	s10 =	rddreg [dreg:$0xf];
	[sflag:s16] =	ssyncadd.s32 @p1 $0xFFFFD800  }
0x6f: {  	[spmem:s10] =	stream.linear.scatter @!p1 [tilespmem:s20], [sflag:$0x3], $0x500, $0x38;
	[tilespmem:$0x1C930] =	vst v63  }
0x70: {  	_ =	swait.ge @!p1 [sflag:s24], $0x500  }
0x71: {  	[sflag:s24] =	ssyncset.done @!p1 $0x0  }
0x72: {  	[sflag:s24] =	ssyncadd.s32 @!p1 $0xFFFFFB00  }
0x73: {  	[spmem:s11] =	stream.linear.scatter @!p1 [tilespmem:s25], [sflag:$0x4], $0x2800, $0x38;
	[tilespmem:$0x1C930] =	vst v63  }
0x74: {  	_ =	swait.ge @!p1 [sflag:s26], $0x2800  }
0x75: {  	[sflag:s26] =	ssyncset.done @!p1 $0x0  }
0x76: {  	s10 =	rddreg [dreg:$0x11];
	[sflag:s26] =	ssyncadd.s32 @!p1 $0xFFFFD800  }
0x77: {  	[spmem:s10] =	stream.linear.scatter @!p1 [tilespmem:s20], [sflag:$0x3], $0x500, $0x38;
	[tilespmem:$0x1C930] =	vst v63  }
0x78: {  	_ =	swait.ge @!p1 [sflag:s24], $0x500  }
0x79: {  	[sflag:s24] =	ssyncset.done @!p1 $0x0  }
0x7a: {  	s28 =	rddreg [dreg:$0x12];
	[sflag:s24] =	ssyncadd.s32 @!p1 $0xFFFFFB00  }
0x7b: {  	[spmem:s28] =	stream.linear.scatter [tilespmem:s30], [sflag:$0x4], $0x2800, $0x38;
	[tilespmem:$0x1C930] =	vst v63  }
0x7c: {  	_ =	swait.ge [sflag:s31], $0x2800  }
0x7d: {  	[sflag:s31] =	ssyncset.done $0x0  }
0x7e: {  	s10 =	rddreg [dreg:$0x13];
	[sflag:s31] =	ssyncadd.s32 $0xFFFFD800  }
0x7f: {  	[spmem:s10] =	stream.linear.scatter @!p1 [tilespmem:s20], [sflag:$0x3], $0x500, $0x38;
	[tilespmem:$0x1C930] =	vst v63  }
0x80: {  	_ =	swait.ge @!p1 [sflag:s24], $0x500  }
0x81: {  	[sflag:s24] =	ssyncset.done @!p1 $0x0  }
0x82: {  	s12 =	simm.s32 @!p0 $0x16F30;
	s10 =	rddreg [dreg:$0x14];
	[sflag:s24] =	ssyncadd.s32 @!p1 $0xFFFFFB00  }
0x83: {  	[spmem:s10] =	stream.linear.scatter @!p0 [tilespmem:s12], [sflag:$0x4], $0x2800, $0x38;
	[tilespmem:$0x1C930] =	vst v63  }
0x84: {  	s12 =	simm.s32 @!p0 $0x4  }
0x85: {  	_ =	swait.ge @!p0 [sflag:s12], $0x2800  }
0x86: {  	[sflag:s12] =	ssyncset.done @!p0 $0x0  }
0x87: {  	s10 =	rddreg [dreg:$0x15];
	[sflag:s12] =	ssyncadd.s32 @!p0 $0xFFFFD800;
	s12 =	simm.s32 @!p2 $0x1C430  }
0x88: {  	[spmem:s10] =	stream.linear.scatter @!p2 [tilespmem:s12], [sflag:$0x3], $0x500, $0x38;
	[tilespmem:$0x1C930] =	vst v63  }
0x89: {  	s12 =	simm.s32 @!p2 $0x3  }
0x8a: {  	_ =	swait.ge @!p2 [sflag:s12], $0x500  }
0x8b: {  	[sflag:s12] =	ssyncset.done @!p2 $0x0  }
0x8c: {  	s16 =	simm.s32 $0x0;
	[sflag:s12] =	ssyncadd.s32 @!p2 $0xFFFFFB00;
	s12 =	simm.s32 $0x40  }
.LBB2_6:
0x8d: {  	p3 =	sne.s32 s12, $0x13C0;
	[tilespmem:s16+$0x1BF30] =	vst v2;
	s16 =	smov.u32 s12;
	s12 =	sadd.s32 $0x40, s12  }
.Ltmp2:
0x8e: {  	(pc) =	sbr.rel @p3 .LBB2_6-.Ltmp2, $2  }
0x8f: {  	_ =	sdelay $0x2  }
0x90: {  	s16 =	sshra.s32 s16, $0x2  }
0x91: {  	[tilespmem:s16+$0x1BF30] =	vst v2  }
0x92: {  	s24 =	simm.s32 $0x0;
	s25 =	simm.s32 $0x0;
	[bflag:$0x0] =	sbarrier.arrive $0xFFFF  }
.LBB2_8:
0x93: {  	s12 =	smul.u32 $0x19, s25;
	_ =	sdelay $0x1  }
0x94: {  	s12 =	sadd.s32 s29, s12  }
0x95: {  	s12 =	smul.u32 $0xA, s12;
	_ =	sdelay $0x1  }
0x96: {  	s16 =	sadd.s32 s7, s12  }
0x97: {  	[tilespmem:s0], [sflag:$0x4] =	stream.linear.gather [hbm4b:s16+s24], $0x7D0, $0x38;
	[tilespmem:$0x1C930] =	vst v63  }
0x98: {  	_ =	swait.ge [sflag:s31], $0x7D0  }
0x99: {  	[sflag:s31] =	ssyncset.done $0x0  }
0x9a: {  	s12 =	sadd.s32 s8, s12;
	[sflag:s31] =	ssyncadd.s32 $0xFFFFF830  }
0x9b: {  	[tilespmem:s9], [sflag:$0x4] =	stream.linear.gather [hbm4b:s12+s24], $0x7D0, $0x38;
	[tilespmem:$0x1C930] =	vst v63  }
0x9c: {  	_ =	swait.ge [sflag:s31], $0x7D0  }
0x9d: {  	[sflag:s31] =	ssyncset.done $0x0  }
0x9e: {  	s12 =	simm.s32 $0x0;
	[sflag:s31] =	ssyncadd.s32 $0xFFFFF830  }
0x9f: {  	v5 =	vld [tilespmem:s12+$0x15F90]  }
0xa0: {  	v6 =	vld [tilespmem:s12+$0x15FA0]  }
0xa1: {  	v4 =	vld [tilespmem:s12+$0x15FB0]  }
0xa2: {  	s16 =	simm.s32 $0x140;
	v3 =	vld [tilespmem:s12+$0x15FC0]  }
.LBB2_9:
0xa3: {  	p3 =	sne.s32 s16, $0x1E00;
	v7 =	vld [tilespmem:s12+$0x15FD0]  }
0xa4: {  	v5 =	vshll.u32 v5, $0x1  }
0xa5: {  	v5 =	vor.u32 v1, v5;
	v6 =	vshll.u32 v6, $0x1  }
.Ltmp3:
0xa6: {  	s20 =	sshra.s32 s16, $0x2;
	[tilespmem:s12+$0x15F90] =	vst v5;
	v6 =	vor.u32 v1, v6;
	v4 =	vshll.u32 v4, $0x1;
	(pc) =	sbr.rel @p3 .LBB2_9-.Ltmp3, $4  }
0xa7: {  	v5 =	vld [tilespmem:s20+$0x15F90];
	[tilespmem:s12+$0x15FA0] =	vst v6;
	v4 =	vor.u32 v1, v4;
	v3 =	vshll.u32 v3, $0x1  }
0xa8: {  	v6 =	vld [tilespmem:s20+$0x15FA0];
	[tilespmem:s12+$0x15FB0] =	vst v4;
	v3 =	vor.u32 v1, v3;
	v7 =	vshll.u32 v7, $0x1  }
0xa9: {  	v4 =	vld [tilespmem:s20+$0x15FB0];
	[tilespmem:s12+$0x15FC0] =	vst v3;
	v7 =	vor.u32 v1, v7  }
0xaa: {  	s16 =	sadd.s32 $0x140, s16;
	v3 =	vld [tilespmem:s20+$0x15FC0];
	[tilespmem:s12+$0x15FD0] =	vst v7;
	s12 =	smov.u32 s20  }
0xab: {  	v7 =	vld [tilespmem:s12+$0x15FD0]  }
0xac: {  	v5 =	vshll.u32 v5, $0x1  }
0xad: {  	v5 =	vor.u32 v1, v5;
	v6 =	vshll.u32 v6, $0x1  }
0xae: {  	[tilespmem:s12+$0x15F90] =	vst v5;
	v62 =	vor.u32 v1, v6;
	v4 =	vshll.u32 v4, $0x1  }
0xaf: {  	[tilespmem:s12+$0x15FA0] =	vst v62;
	v4 =	vor.u32 v1, v4;
	v3 =	vshll.u32 v3, $0x1  }
0xb0: {  	[tilespmem:s12+$0x15FB0] =	vst v4;
	v3 =	vor.u32 v1, v3;
	v63 =	vshll.u32 v7, $0x1  }
0xb1: {  	[tilespmem:s12+$0x15FC0] =	vst v3;
	v3 =	vor.u32 v1, v63  }
0xb2: {  	[tilespmem:s12+$0x15FD0] =	vst v3  }
0xb3: {  	[tilespmem:s30], [sflag:$0x1] =	stream.indirect.gather [hbm4b:s6+s13], $0x80, s0, s13, $0xb8;
	[tilespmem:$0x1C930] =	vst v63  }
0xb4: {  	_ =	swait.ge [sflag:s14], $0x2800  }
0xb5: {  	[sflag:s14] =	ssyncset.done $0x0  }
0xb6: {  	s10 =	simm.s32 $0x15FE0;
	[sflag:s14] =	ssyncadd.s32 $0xFFFFD800  }
0xb7: {  	[tilespmem:s15], [sflag:$0x2] =	stream.indirect.gather [hbm4b:s6+s13], $0x80, s10, s13, $0xb8;
	[tilespmem:$0x1C930] =	vst v63  }
0xb8: {  	s26 =	simm.s32 $0x16760  }
0xb9: {  	[spmem:s1] =	stream.indirect.scatter.add.f32 [tilespmem:s30], [sflag:$0x5], $0x80, s26, s13, $0xb8;
	[tilespmem:$0x1C930] =	vst v63  }
0xba: {  	_ =	swait.ge [sflag:s17], $0x2800  }
0xbb: {  	s20 =	simm.s32 @!p1 $0x5;
	[sflag:s17] =	ssyncset.done $0x0  }
0xbc: {  	s16 =	simm.s32 @!p1 $0x1BF30;
	s12 =	simm.s32 @!p1 $0x50;
	[sflag:s17] =	ssyncadd.s32 $0xFFFFD800  }
0xbd: {  	[spmem:s2] =	stream.indirect.scatter.add.f32 @!p1 [tilespmem:s16], [sflag:$0x5], $0x10, s26, s12, $0xb8;
	[tilespmem:$0x1C930] =	vst v63  }
0xbe: {  	_ =	swait.ge @!p1 [sflag:s20], $0x500  }
0xbf: {  	[sflag:s20] =	ssyncset.done @!p1 $0x0  }
0xc0: {  	[sflag:s20] =	ssyncadd.s32 @!p1 $0xFFFFFB00  }
0xc1: {  	_ =	swait.ge [sflag:s18], $0x2800  }
0xc2: {  	[sflag:s18] =	ssyncset.done $0x0  }
0xc3: {  	s11 =	simm.s32 $0x16030;
	[sflag:s18] =	ssyncadd.s32 $0xFFFFD800  }
0xc4: {  	[tilespmem:s30], [sflag:$0x1] =	stream.indirect.gather [hbm4b:s6+s13], $0x80, s11, s13, $0xb8;
	[tilespmem:$0x1C930] =	vst v63  }
0xc5: {  	s28 =	simm.s32 $0x167B0  }
0xc6: {  	[spmem:s1] =	stream.indirect.scatter.add.f32 [tilespmem:s15], [sflag:$0x5], $0x80, s28, s13, $0xb8;
	[tilespmem:$0x1C930] =	vst v63  }
0xc7: {  	_ =	swait.ge [sflag:s17], $0x2800  }
0xc8: {  	[sflag:s17] =	ssyncset.done $0x0  }
0xc9: {  	s26 =	simm.s32 @!p1 $0x4;
	[sflag:s17] =	ssyncadd.s32 $0xFFFFD800  }
0xca: {  	[spmem:s2] =	stream.indirect.scatter.add.f32 @!p1 [tilespmem:s16], [sflag:$0x4], $0x10, s28, s12, $0xb8;
	[tilespmem:$0x1C930] =	vst v63  }
0xcb: {  	_ =	swait.ge @!p1 [sflag:s26], $0x500  }
0xcc: {  	s28 =	simm.s32 $0x280;
	[sflag:s26] =	ssyncset.done @!p1 $0x0  }
.LBB2_11:
0xcd: {  	[sflag:s26] =	ssyncadd.s32 @!p1 $0xFFFFFB00;
	s10 =	smov.u32 s28;
	s28 =	sadd.s32 $0x280, s28  }
0xce: {  	_ =	swait.ge [sflag:s14], $0x2800;
	p3 =	sne.s32 s28, $0x1B80  }
0xcf: {  	s10 =	sshra.s32 s10, $0x2;
	[sflag:s14] =	ssyncset.done $0x0  }
0xd0: {  	s11 =	sadd.s32 $0x15FE0, s10;
	[sflag:s14] =	ssyncadd.s32 $0xFFFFD800  }
0xd1: {  	[tilespmem:s15], [sflag:$0x2] =	stream.indirect.gather [hbm4b:s6+s13], $0x80, s11, s13, $0xb8;
	[tilespmem:$0x1C930] =	vst v63  }
0xd2: {  	s11 =	sadd.s32 $0x16760, s10  }
0xd3: {  	[spmem:s1] =	stream.indirect.scatter.add.f32 [tilespmem:s30], [sflag:$0x5], $0x80, s11, s13, $0xb8;
	[tilespmem:$0x1C930] =	vst v63  }
0xd4: {  	_ =	swait.ge [sflag:s17], $0x2800  }
0xd5: {  	[sflag:s17] =	ssyncset.done $0x0  }
0xd6: {  	[sflag:s17] =	ssyncadd.s32 $0xFFFFD800  }
0xd7: {  	[spmem:s2] =	stream.indirect.scatter.add.f32 @!p1 [tilespmem:s16], [sflag:$0x5], $0x10, s11, s12, $0xb8;
	[tilespmem:$0x1C930] =	vst v63  }
0xd8: {  	_ =	swait.ge @!p1 [sflag:s20], $0x500  }
0xd9: {  	[sflag:s20] =	ssyncset.done @!p1 $0x0  }
0xda: {  	[sflag:s20] =	ssyncadd.s32 @!p1 $0xFFFFFB00  }
0xdb: {  	_ =	swait.ge [sflag:s18], $0x2800  }
0xdc: {  	[sflag:s18] =	ssyncset.done $0x0  }
0xdd: {  	s11 =	sadd.s32 $0x16030, s10;
	[sflag:s18] =	ssyncadd.s32 $0xFFFFD800  }
0xde: {  	[tilespmem:s30], [sflag:$0x1] =	stream.indirect.gather [hbm4b:s6+s13], $0x80, s11, s13, $0xb8;
	[tilespmem:$0x1C930] =	vst v63  }
0xdf: {  	s10 =	sadd.s32 $0x167B0, s10  }
0xe0: {  	[spmem:s1] =	stream.indirect.scatter.add.f32 [tilespmem:s15], [sflag:$0x5], $0x80, s10, s13, $0xb8;
	[tilespmem:$0x1C930] =	vst v63  }
0xe1: {  	_ =	swait.ge [sflag:s17], $0x2800  }
.Ltmp4:
0xe2: {  	[sflag:s17] =	ssyncset.done $0x0;
	(pc) =	sbr.rel @p3 .LBB2_11-.Ltmp4, $4  }
0xe3: {  	[sflag:s17] =	ssyncadd.s32 $0xFFFFD800  }
0xe4: {  	[spmem:s2] =	stream.indirect.scatter.add.f32 @!p1 [tilespmem:s16], [sflag:$0x4], $0x10, s10, s12, $0xb8;
	[tilespmem:$0x1C930] =	vst v63  }
0xe5: {  	_ =	swait.ge @!p1 [sflag:s26], $0x500  }
0xe6: {  	[sflag:s26] =	ssyncset.done @!p1 $0x0  }
0xe7: {  	[sflag:s26] =	ssyncadd.s32 @!p1 $0xFFFFFB00  }
0xe8: {  	_ =	swait.ge [sflag:s14], $0x2800  }
0xe9: {  	[sflag:s14] =	ssyncset.done $0x0  }
0xea: {  	[sflag:s14] =	ssyncadd.s32 $0xFFFFD800  }
0xeb: {  	[tilespmem:s15], [sflag:$0x2] =	stream.indirect.gather [hbm4b:s6+s13], $0x80, s19, s13, $0xb8;
	[tilespmem:$0x1C930] =	vst v63  }
0xec: {  	_ = 	snop  }
0xed: {  	[spmem:s1] =	stream.indirect.scatter.add.f32 [tilespmem:s30], [sflag:$0x5], $0x80, s21, s13, $0xb8;
	[tilespmem:$0x1C930] =	vst v63  }
0xee: {  	_ =	swait.ge [sflag:s17], $0x2800  }
0xef: {  	[sflag:s17] =	ssyncset.done $0x0  }
0xf0: {  	s10 =	simm.s32 @p1 $0x2;
	[sflag:s17] =	ssyncadd.s32 $0xFFFFD800  }
0xf1: {  	_ =	swait.ge @p1 [sflag:s10], $0x2800  }
0xf2: {  	s11 =	simm.s32 @p1 $0x16E90;
	[sflag:s10] =	ssyncset.done @p1 $0x0  }
0xf3: {  	s28 =	simm.s32 @p1 $0x19730;
	[sflag:s10] =	ssyncadd.s32 @p1 $0xFFFFD800;
	s10 =	simm.s32 @p1 $0x50  }
0xf4: {  	[spmem:s1] =	stream.indirect.scatter.add.f32 @p1 [tilespmem:s28], [sflag:$0x5], $0x80, s11, s10, $0xb8;
	[tilespmem:$0x1C930] =	vst v63  }
0xf5: {  	s10 =	simm.s32 @p1 $0x5  }
0xf6: {  	_ =	swait.ge @p1 [sflag:s10], $0x2800  }
0xf7: {  	[sflag:s10] =	ssyncset.done @p1 $0x0  }
0xf8: {  	[sflag:s10] =	ssyncadd.s32 @p1 $0xFFFFD800;
	s10 =	simm.s32 @!p1 $0x16E40  }
0xf9: {  	[spmem:s2] =	stream.indirect.scatter.add.f32 @!p1 [tilespmem:s16], [sflag:$0x5], $0x10, s10, s12, $0xb8;
	[tilespmem:$0x1C930] =	vst v63  }
0xfa: {  	_ =	swait.ge @!p1 [sflag:s20], $0x500  }
0xfb: {  	[sflag:s20] =	ssyncset.done @!p1 $0x0  }
0xfc: {  	s10 =	simm.s32 @!p1 $0x2;
	[sflag:s20] =	ssyncadd.s32 @!p1 $0xFFFFFB00  }
0xfd: {  	_ =	swait.ge @!p1 [sflag:s10], $0x2800  }
0xfe: {  	[sflag:s10] =	ssyncset.done @!p1 $0x0  }
0xff: {  	s11 =	simm.s32 @!p1 $0x19730;
	[sflag:s10] =	ssyncadd.s32 @!p1 $0xFFFFD800;
	s10 =	simm.s32 @!p1 $0x16E90  }
0x100: {  	[spmem:s1] =	stream.indirect.scatter.add.f32 @!p1 [tilespmem:s11], [sflag:$0x5], $0x80, s10, s12, $0xb8;
	[tilespmem:$0x1C930] =	vst v63  }
0x101: {  	_ =	swait.ge @!p1 [sflag:s20], $0x2800  }
0x102: {  	[sflag:s20] =	ssyncset.done @!p1 $0x0  }
0x103: {  	[sflag:s20] =	ssyncadd.s32 @!p1 $0xFFFFD800  }
0x104: {  	[spmem:s2] =	stream.indirect.scatter.add.f32 @!p1 [tilespmem:s16], [sflag:$0x4], $0x10, s10, s12, $0xb8;
	[tilespmem:$0x1C930] =	vst v63  }
0x105: {  	_ =	swait.ge @!p1 [sflag:s26], $0x500  }
0x106: {  	[sflag:s26] =	ssyncset.done @!p1 $0x0  }
0x107: {  	[sflag:s26] =	ssyncadd.s32 @!p1 $0xFFFFFB00  }
0x108: {  	[tilespmem:s30], [sflag:$0x1] =	stream.indirect.gather [hbm4b:s6+s13], $0x80, s22, s13, $0xb8;
	[tilespmem:$0x1C930] =	vst v63  }
0x109: {  	_ =	swait.ge [sflag:s14], $0x2800  }
0x10a: {  	[sflag:s14] =	ssyncset.done $0x0  }
0x10b: {  	[sflag:s14] =	ssyncadd.s32 $0xFFFFD800  }
0x10c: {  	[spmem:s1] =	stream.indirect.scatter.add.f32 [tilespmem:s30], [sflag:$0x4], $0x80, s23, s13, $0xb8;
	[tilespmem:$0x1C930] =	vst v63  }
0x10d: {  	_ =	swait.ge [sflag:s31], $0x2800  }
0x10e: {  	s25 =	sadd.s32 $0x1, s25;
	[sflag:s31] =	ssyncset.done $0x0  }
0x10f: {  	p3 =	sne.s32 s25, $0x5;
	s10 =	simm.s32 @!p1 $0x16EE0;
	[sflag:s31] =	ssyncadd.s32 $0xFFFFD800  }
0x110: {  	[spmem:s2] =	stream.indirect.scatter.add.f32 @!p1 [tilespmem:s16], [sflag:$0x3], $0x10, s10, s12, $0xb8;
	[tilespmem:$0x1C930] =	vst v63  }
.Ltmp5:
0x111: {  	_ = 	snop;
	(pc) =	sbr.rel @p3 .LBB2_8-.Ltmp5, $4  }
0x112: {  	s10 =	simm.s32 @!p1 $0x3  }
0x113: {  	_ =	swait.ge @!p1 [sflag:s10], $0x500  }
0x114: {  	[sflag:s10] =	ssyncset.done @!p1 $0x0  }
0x115: {  	[sflag:s10] =	ssyncadd.s32 @!p1 $0xFFFFFB00  }
0x116: {  	[dreg:$0x4] =	wrdreg s4;
	s10 =	sadd.s32 $0x0, s3  }
0x117: {  	p4 =	sgt.u32 s10, $0x7C;
	[bflag:$0x0] =	sbarrier.arrive $0xFFFF  }
0x118: {  	s10 =	simm.s32 @!p4 $0x16F30;
	s11 =	simm.s32 @!p4 $0x4;
	s4 =	rddreg [dreg:$0x6]  }
0x119: {  	[tilespmem:s10], [sflag:$0x4] =	stream.linear.gather @!p4 [spmem:s4], $0x2800, $0x38;
	[tilespmem:$0x1C930] =	vst v63  }
0x11a: {  	_ =	swait.ge @!p4 [sflag:s11], $0x2800  }
0x11b: {  	s12 =	simm.s32 @!p4 $0x0;
	[sflag:s11] =	ssyncset.done @!p4 $0x0  }
0x11c: {  	p3 =	sne.s32 @!p4 s5, $0x0;
	s24 =	rddreg [dreg:$0x16];
	[sflag:s11] =	ssyncadd.s32 @!p4 $0xFFFFD800  }
0x11d: {  	[hbm4b:s24+s12] =	stream.linear.scatter @!p4 [tilespmem:s10], [sflag:$0x4], $0x2800, $0x38;
	[tilespmem:$0x1C930] =	vst v63  }
0x11e: {  	p3 =	por p3, p4;
	_ =	swait.ge @!p4 [sflag:s11], $0x2800  }
0x11f: {  	s10 =	simm.s32 @!p3 $0x1C430;
	[sflag:s11] =	ssyncset.done @!p4 $0x0  }
0x120: {  	s12 =	rddreg [dreg:$0x7];
	[sflag:s11] =	ssyncadd.s32 @!p4 $0xFFFFD800;
	s11 =	simm.s32 @!p3 $0x4  }
0x121: {  	[tilespmem:s10], [sflag:$0x4] =	stream.linear.gather @!p3 [spmem:s12], $0x500, $0x38;
	[tilespmem:$0x1C930] =	vst v63  }
0x122: {  	s20 =	simm.s32 $0x20;
	s28 =	sadd.s32 $0x10, s3;
	_ =	swait.ge @!p3 [sflag:s11], $0x500  }
0x123: {  	s26 =	simm.s32 @!p3 $0x3;
	s24 =	sadd.s32 $0x5000, s24;
	[sflag:s11] =	ssyncset.done @!p3 $0x0  }
0x124: {  	s25 =	rddreg [dreg:$0x17];
	[sflag:s11] =	ssyncadd.s32 @!p3 $0xFFFFFB00;
	s11 =	simm.s32 @!p3 $0x0  }
0x125: {  	[hbm4b:s25+s11] =	stream.linear.scatter @!p3 [tilespmem:s10], [sflag:$0x3], $0x500, $0x38;
	[tilespmem:$0x1C930] =	vst v63  }
0x126: {  	s16 =	sadd.s32 $0x5000, s12;
	p4 =	sgt.u32 s28, $0x7C;
	_ =	swait.ge @!p3 [sflag:s26], $0x500  }
0x127: {  	s12 =	sadd.s32 $0xA00, s25;
	s25 =	sadd.s32 $0x28000, s4;
	[sflag:s26] =	ssyncset.done @!p3 $0x0  }
.LBB2_14:
0x128: {  	s10 =	simm.s32 @!p4 $0x16F30;
	s11 =	simm.s32 @!p4 $0x4;
	[sflag:s26] =	ssyncadd.s32 @!p3 $0xFFFFFB00  }
0x129: {  	[tilespmem:s10], [sflag:$0x4] =	stream.linear.gather @!p4 [spmem:s25], $0x2800, $0x38;
	[tilespmem:$0x1C930] =	vst v63  }
0x12a: {  	s28 =	smov.u32 s20;
	s20 =	sadd.s32 $0x10, s20;
	_ =	swait.ge @!p4 [sflag:s11], $0x2800  }
0x12b: {  	s4 =	smov.u32 s12;
	p5 =	sne.s32 s20, $0x80;
	[sflag:s11] =	ssyncset.done @!p4 $0x0  }
0x12c: {  	s26 =	simm.s32 @!p4 $0x0;
	[sflag:s11] =	ssyncadd.s32 @!p4 $0xFFFFD800  }
0x12d: {  	[hbm4b:s24+s26] =	stream.linear.scatter @!p4 [tilespmem:s10], [sflag:$0x4], $0x2800, $0x38;
	[tilespmem:$0x1C930] =	vst v63  }
0x12e: {  	p3 =	sne.s32 @!p4 s5, $0x0;
	_ =	swait.ge @!p4 [sflag:s11], $0x2800  }
0x12f: {  	p3 =	por p3, p4;
	[sflag:s11] =	ssyncset.done @!p4 $0x0  }
0x130: {  	s10 =	simm.s32 @!p3 $0x1C430;
	[sflag:s11] =	ssyncadd.s32 @!p4 $0xFFFFD800;
	s11 =	simm.s32 @!p3 $0x4  }
0x131: {  	[tilespmem:s10], [sflag:$0x4] =	stream.linear.gather @!p3 [spmem:s16], $0x500, $0x38;
	[tilespmem:$0x1C930] =	vst v63  }
0x132: {  	s16 =	sadd.s32 $0x5000, s16;
	_ =	swait.ge @!p3 [sflag:s11], $0x500  }
.Ltmp6:
0x133: {  	s12 =	sadd.s32 $0xA00, s12;
	[sflag:s11] =	ssyncset.done @!p3 $0x0;
	(pc) =	sbr.rel @p5 .LBB2_14-.Ltmp6, $4  }
0x134: {  	s26 =	simm.s32 @!p3 $0x3;
	[sflag:s11] =	ssyncadd.s32 @!p3 $0xFFFFFB00;
	s11 =	simm.s32 @!p3 $0x0  }
0x135: {  	[hbm4b:s4+s11] =	stream.linear.scatter @!p3 [tilespmem:s10], [sflag:$0x3], $0x500, $0x38;
	[tilespmem:$0x1C930] =	vst v63  }
0x136: {  	s25 =	sadd.s32 $0x28000, s25;
	s4 =	sadd.s32 s28, s3;
	_ =	swait.ge @!p3 [sflag:s26], $0x500  }
0x137: {  	s24 =	sadd.s32 $0x5000, s24;
	p4 =	sgt.u32 s4, $0x7C;
	[sflag:s26] =	ssyncset.done @!p3 $0x0  }
0x138: {  	s4 =	simm.s32 @!p4 $0x16F30;
	s10 =	simm.s32 @!p4 $0x4;
	[sflag:s26] =	ssyncadd.s32 @!p3 $0xFFFFFB00  }
0x139: {  	[tilespmem:s4], [sflag:$0x4] =	stream.linear.gather @!p4 [spmem:s25], $0x2800, $0x38;
	[tilespmem:$0x1C930] =	vst v63  }
0x13a: {  	_ =	swait.ge @!p4 [sflag:s10], $0x2800  }
0x13b: {  	[sflag:s10] =	ssyncset.done @!p4 $0x0  }
0x13c: {  	s11 =	simm.s32 @!p4 $0x0;
	[sflag:s10] =	ssyncadd.s32 @!p4 $0xFFFFD800  }
0x13d: {  	[hbm4b:s24+s11] =	stream.linear.scatter @!p4 [tilespmem:s4], [sflag:$0x4], $0x2800, $0x38;
	[tilespmem:$0x1C930] =	vst v63  }
0x13e: {  	p3 =	sne.s32 @!p4 s5, $0x0;
	_ =	swait.ge @!p4 [sflag:s10], $0x2800  }
0x13f: {  	p3 =	por p3, p4;
	[sflag:s10] =	ssyncset.done @!p4 $0x0  }
0x140: {  	s4 =	simm.s32 @!p3 $0x1C430;
	[sflag:s10] =	ssyncadd.s32 @!p4 $0xFFFFD800;
	s10 =	simm.s32 @!p3 $0x4  }
0x141: {  	[tilespmem:s4], [sflag:$0x4] =	stream.linear.gather @!p3 [spmem:s16], $0x500, $0x38;
	[tilespmem:$0x1C930] =	vst v63  }
0x142: {  	_ =	swait.ge @!p3 [sflag:s10], $0x500  }
0x143: {  	[sflag:s10] =	ssyncset.done @!p3 $0x0  }
0x144: {  	s11 =	simm.s32 @!p3 $0x3;
	[sflag:s10] =	ssyncadd.s32 @!p3 $0xFFFFFB00;
	s10 =	simm.s32 @!p3 $0x0  }
0x145: {  	[hbm4b:s12+s10] =	stream.linear.scatter @!p3 [tilespmem:s4], [sflag:$0x3], $0x500, $0x38;
	[tilespmem:$0x1C930] =	vst v63  }
0x146: {  	_ =	swait.ge @!p3 [sflag:s11], $0x500  }
0x147: {  	s26 =	rddreg [dreg:$0x4]  }
0x148: {  	s28 =	rddreg [dreg:$0x5];
	s4 =	sadd.s32 $0x1, s26  }
0x149: {  	p4 =	sne.s32 s4, s28  }
.Ltmp7:
0x14a: {  	_ = 	snop;
	(pc) =	sbr.rel @p4 .LBB2_1-.Ltmp7, $3  }
0x14b: {  	_ =	sdelay $0x1  }
0x14c: {  	[sflag:s11] =	ssyncset.done @!p3 $0x0  }
0x14d: {  	[sflag:s11] =	ssyncadd.s32 @!p3 $0xFFFFFB00  }
0x14e: {  	_ =	sfence.sel $0x180000  }
0x14f: {  	[bflag:$0x0] =	sbarrier.arrive $0xFFFF  }
0x150: {  	_ =	strace $0x90000047  }
0x151: {  	[bflag:$0x2] =	sbarrier.arrive $0xFFFF  }
0x152: {  	p0 =	sne.s32 s3, $0x0;
	s0 =	rddreg [dreg:$0x3]  }
0x153: {  	s0 =	sadd.s32 @!p0 $0x100000, s0  }
0x154: {  	[sflag:s0] =	ssyncadd.tile.s32 @!p0 $0x1;
	_ =	shalt  }
.Lfunc_end2:
_tile_overlayer_lowered:
.L_overlay_start_2:
0x155: {  	(tag) =	ssettag $0x2  }
0x156: {  	s0 =	rddreg [dreg:$0x0];
	s2 =	stileid.u32  }
0x157: {  	s1 =	rddreg [dreg:$0x1];
	p0 =	sne.s32 s2, $0x0  }
0x158: {  	s3 =	rddreg [dreg:$0x2];
	[bflag:$0x3] =	sbarrier.arrive $0xFFFF;
	s2 =	simm.s32 @!p0 $0x1C03  }
0x159: {  	[timem:s3], [sflag:s2] =	dma.local @!p0 [hbm:s0], s1  }
0x15a: {  	s0 =	simm.s32 @!p0 $0x3  }
0x15b: {  	_ =	swait.ge @!p0 [sflag:s0], s1  }
0x15c: {  	s1 =	ssub.s32 @!p0 $0x0, s1;
	[sflag:s0] =	ssyncset.done @!p0 $0x0  }
0x15d: {  	[sflag:s0] =	ssyncadd.s32 @!p0 s1  }
0x15e: {  	[bflag:$0x3] =	sbarrier.arrive $0xFFFF  }
0x15f: {  	_ =	shalt  }

</sc_bundles>
